<compile_context>
chip_gen: v7x
topology: tpu7x:2x2x1
jax: 0.10.2.dev20260603
libtpu: 0.0.44.dev20260713+nightly
codegen_flags: <defaults>
</compile_context>

<pallas_src>
import functools

import jax
import jax.numpy as jnp
from jax import lax
from jax.experimental import pallas as pl
from jax.experimental.pallas import tpu as pltpu
from jax.experimental.pallas import tpu_sc as plsc

N = 200000
B = 32
D = 256

NC = 2
NS = 16
NW = NC * NS

RPW0 = N // NW
NIDS = 6256
NVEC = NIDS // 16
RB = 8
NQ = 48

_mesh = plsc.VectorSubcoreMesh(core_axis_name="c", subcore_axis_name="s")


@functools.partial(
    pl.kernel,
    out_type=jax.ShapeDtypeStruct((N, D), jnp.float32),
    mesh=_mesh,
    scratch_types=[
        pltpu.VMEM((NIDS,), jnp.int32),
        pltpu.VMEM((B, D), jnp.float32),
        pltpu.VMEM((RB, D), jnp.float32),
        pltpu.VMEM((8, D), jnp.float32),
        pltpu.SemaphoreType.DMA,
    ],
)
def _broadcast_sc(ids_hbm, glob_hbm, out_hbm, idx_v, glob_v, buf, bblk, sem):
    wid = lax.axis_index("s") * NC + lax.axis_index("c")

    base = wid * RPW0 - ((2 * wid) & 7)
    nbase = (wid + 1) * RPW0 - ((2 * wid + 2) & 7)
    rpw = nbase - base

    pltpu.sync_copy(ids_hbm.at[pl.ds(pl.multiple_of(base, 8), NIDS)], idx_v)
    pltpu.sync_copy(glob_hbm, glob_v)

    def load_vec(m):
        return idx_v[pl.ds(pl.multiple_of(m * 16, 16), 16)]

    def lower_bound(t):
        tv = jnp.broadcast_to(t, (16,))
        pos = jnp.int32(0)
        for step in (256, 128, 64, 32, 16, 8, 4, 2, 1):
            cand = pos + step
            v = load_vec(jnp.minimum(cand - 1, NVEC - 1))
            ok = jnp.logical_and(cand <= NVEC, v[15] < t)
            pos = jnp.where(ok, cand, pos)
        v = load_vec(jnp.minimum(pos, NVEC - 1))
        w = jnp.where(v < tv, jnp.ones((16,), jnp.int32),
                      jnp.zeros((16,), jnp.int32))
        pc = w[0]
        for l in range(1, 16):
            pc = pc + w[l]
        return jnp.minimum(pos * 16 + pc, rpw)

    def emit(b, prev):
        nxt = lower_bound(b + 1)
        cnt = nxt - prev
        gs = base + prev
        ge = base + nxt
        iu = (gs + 7) & (-8)
        idn = ge & (-8)

        @pl.when(cnt > 0)
        def _():
            @pl.when(idn > iu)
            def _():
                def fill_row(r, c2):
                    for c in range(D // 16):
                        buf[r, pl.ds(c * 16, 16)] = glob_v[b, pl.ds(c * 16, 16)]
                    return c2

                lax.fori_loop(0, RB, fill_row, 0)

                size = idn - iu
                nfull = size // RB

                def dma_full(i, o):
                    pltpu.async_copy(
                        buf.at[pl.ds(0, RB)],
                        out_hbm.at[pl.ds(pl.multiple_of(o, 8), RB)],
                        sem)

                    @pl.when(i >= NQ)
                    def _():
                        pltpu.make_async_copy(
                            buf.at[pl.ds(0, RB)],
                            out_hbm.at[pl.ds(pl.multiple_of(iu, 8), RB)],
                            sem).wait()

                    return o + RB

                o = lax.fori_loop(0, nfull, dma_full, iu)

                for sz in [x for x in (128, 64, 32, 16, 8) if x < RB]:
                    @pl.when((size & sz) != 0)
                    def _(sz=sz, o=o):
                        pltpu.sync_copy(
                            buf.at[pl.ds(0, sz)],
                            out_hbm.at[pl.ds(pl.multiple_of(o, 8), sz)])
                    o = o + (size & sz)

                def drain(i, c2):
                    pltpu.make_async_copy(
                        buf.at[pl.ds(0, RB)],
                        out_hbm.at[pl.ds(pl.multiple_of(iu, 8), RB)],
                        sem).wait()
                    return c2

                lax.fori_loop(0, jnp.minimum(nfull, NQ), drain, 0)

            @pl.when((ge & 7) != 0)
            def _():
                p0 = idn - base
                vb = load_vec(p0 >> 4)
                sel_hi = (p0 & 15) == 8
                for r8 in range(8):
                    idr = jnp.where(sel_hi, vb[8 + r8], vb[r8])
                    for c in range(D // 16):
                        bblk[r8, pl.ds(c * 16, 16)] = glob_v[idr,
                                                             pl.ds(c * 16, 16)]
                pltpu.sync_copy(
                    bblk, out_hbm.at[pl.ds(pl.multiple_of(idn, 8), 8)])

        return nxt

    lax.fori_loop(0, B, emit, jnp.int32(0))


def kernel(x, glob, batch_ids):
    ids = batch_ids.astype(jnp.int32)
    return _broadcast_sc(ids, glob)

# --- scband reference (transcript-rebuilt; emitter-appended) ---
"""Pipeline reference for scband-minkowski-broadcast-77678778515488 (READ-ONLY COPY).

The authoritative reference and input builder live on the scoring server;
editing this copy changes nothing except your own understanding.
"""

import jax, jax.numpy as jnp
import numpy as np

N = 200000
B = 32
D = 256

def setup_inputs(seed: int = 0) -> dict:
    key = jax.random.key(seed)
    k1, k2, k3 = jax.random.split(key, 3)
    x = jax.random.normal(k1, (N, D), dtype=jnp.float32)
    glob = jax.random.normal(k2, (B, D), dtype=jnp.float32)
    batch_ids = jnp.sort(jax.random.randint(k3, (N,), 0, B, dtype=jnp.int64))
    return {"x": x, "glob": glob, "batch_ids": batch_ids}

def reference(x, glob, batch_ids):
    # MinkowskiBroadcast: for every input coordinate (row of x), copy the
    # globally-reduced feature of its batch. The per-batch row lists from
    # coordinate_manager.origin_map are equivalent to a gather by batch id:
    #   broadcast_feat[rows_of_batch_b] = glob[b]  <=>  out[i] = glob[batch_ids[i]]
    # x only defines the output coordinates / row count.
    broadcast_feat = jnp.take(glob, batch_ids, axis=0)
    return broadcast_feat

if __name__ == "__main__":
    import jax
    _d = setup_inputs()
    print(jax.jit(kernel)(*tuple(_d.values())))

</pallas_src>

<mosaic_0001>
#map = affine_map<(d0, d1) -> (0)>
#map1 = affine_map<(d0, d1) -> (0, 0)>
module attributes {stable_mosaic.version = 14 : i64} {
  func.func @_broadcast_sc(%arg0: i32, %arg1: i32, %arg2: memref<200000xi32, #tpu.memory_space<hbm>>, %arg3: memref<32x256xf32, #tpu.memory_space<hbm>>, %arg4: memref<200000x256xf32, #tpu.memory_space<hbm>>, %arg5: memref<6256xi32, #tpu.memory_space<vmem>>, %arg6: memref<32x256xf32, #tpu.memory_space<vmem>>, %arg7: memref<8x256xf32, #tpu.memory_space<vmem>>, %arg8: memref<8x256xf32, #tpu.memory_space<vmem>>, %arg9: memref<!tpu.dma_semaphore, #tpu.memory_space<semaphore_mem>>) attributes {dimension_semantics = [#tpu.dimension_semantics<core_parallel>, #tpu.dimension_semantics<subcore_parallel>], iteration_bounds = array<i64: 2, 16>, scalar_prefetch = 0 : i64, scratch_operands = 5 : i64, tpu.core_type = #tpu.core_type<sc_vector_subcore>, window_params = [{transform_indices = #map}, {transform_indices = #map1}, {transform_indices = #map1}]} {
    %mul3A = arith.constant 2 : i32
    %mul3A_0 = arith.muli %arg1, %mul3A : i32
    %add3A = arith.addi %mul3A_0, %arg0 : i32
    %mul3A_1 = arith.constant 6250 : i32
    %mul3A_2 = arith.muli %add3A, %mul3A_1 : i32
    %mul3A_3 = arith.constant 2 : i32
    %mul3A_4 = arith.muli %mul3A_3, %add3A : i32
    %and3A = arith.constant 7 : i32
    %and3A_5 = arith.andi %mul3A_4, %and3A : i32
    %sub3A = arith.subi %mul3A_2, %and3A_5 : i32
    %add3A_6 = arith.constant 1 : i32
    %add3A_7 = arith.addi %add3A, %add3A_6 : i32
    %mul3A_8 = arith.constant 6250 : i32
    %mul3A_9 = arith.muli %add3A_7, %mul3A_8 : i32
    %mul3A_10 = arith.constant 2 : i32
    %mul3A_11 = arith.muli %mul3A_10, %add3A : i32
    %add3A_12 = arith.constant 2 : i32
    %add3A_13 = arith.addi %mul3A_11, %add3A_12 : i32
    %and3A_14 = arith.constant 7 : i32
    %and3A_15 = arith.andi %add3A_13, %and3A_14 : i32
    %sub3A_16 = arith.subi %mul3A_9, %and3A_15 : i32
    %sub3A_17 = arith.subi %sub3A_16, %sub3A : i32
    %multiple_of3A = tpu.assume_multiple %sub3A, 8 : i32
    "tpu.region"() ({
      %run_scoped3A = tpu.sem_alloc : memref<!tpu.dma_semaphore, #tpu.memory_space<semaphore_mem>>
      %dma_start3A = tpu.memref_slice %arg2[%multiple_of3A] : memref<200000xi32, #tpu.memory_space<hbm>> -> memref<6256xi32, #tpu.memory_space<hbm>>
      %dma_start3A_24 = tpu.memref_slice %arg2[%multiple_of3A] : memref<200000xi32, #tpu.memory_space<hbm>> -> memref<6256xi32, #tpu.memory_space<hbm>>
      tpu.enqueue_dma source(%dma_start3A_24 : memref<6256xi32, #tpu.memory_space<hbm>>) target(%arg5 : memref<6256xi32, #tpu.memory_space<vmem>>) target_semaphore(%run_scoped3A : memref<!tpu.dma_semaphore, #tpu.memory_space<semaphore_mem>>)
      %dma_wait3A = tpu.memref_slice %arg2[%multiple_of3A] : memref<200000xi32, #tpu.memory_space<hbm>> -> memref<6256xi32, #tpu.memory_space<hbm>>
      %dma_wait3A_25 = tpu.memref_slice %arg2[%multiple_of3A] : memref<200000xi32, #tpu.memory_space<hbm>> -> memref<6256xi32, #tpu.memory_space<hbm>>
      tpu.wait_dma2 semaphore(%run_scoped3A : memref<!tpu.dma_semaphore, #tpu.memory_space<semaphore_mem>>) src(%dma_wait3A_25 : memref<6256xi32, #tpu.memory_space<hbm>>) dst(%arg5 : memref<6256xi32, #tpu.memory_space<vmem>>)
      tpu.yield
    }) : () -> ()
    "tpu.region"() ({
      %run_scoped3A = tpu.sem_alloc : memref<!tpu.dma_semaphore, #tpu.memory_space<semaphore_mem>>
      tpu.enqueue_dma source(%arg3 : memref<32x256xf32, #tpu.memory_space<hbm>>) target(%arg6 : memref<32x256xf32, #tpu.memory_space<vmem>>) target_semaphore(%run_scoped3A : memref<!tpu.dma_semaphore, #tpu.memory_space<semaphore_mem>>)
      tpu.wait_dma2 semaphore(%run_scoped3A : memref<!tpu.dma_semaphore, #tpu.memory_space<semaphore_mem>>) src(%arg3 : memref<32x256xf32, #tpu.memory_space<hbm>>) dst(%arg6 : memref<32x256xf32, #tpu.memory_space<vmem>>)
      tpu.yield
    }) : () -> ()
    %scan3A = arith.constant 0 : i32
    %scan3A_18 = arith.constant 0 : i32
    %scan3A_19 = arith.constant 32 : i32
    %scan3A_20 = arith.addi %scan3A_18, %scan3A_19 : i32
    %scan3A_21 = arith.constant 1 : i32
    %scan3A_22 = scf.for %scan3A_24 = %scan3A_18 to %scan3A_20 step %scan3A_21 iter_args(%scan3A_25 = %scan3A) -> (i32)  : i32 {
      %add3A_26 = arith.constant 1 : i32
      %add3A_27 = arith.addi %scan3A_24, %add3A_26 : i32
      %broadcast_in_dim3A = vector.broadcast %add3A_27 : i32 to vector<16xi32>
      %add3A_28 = arith.constant 0 : i32
      %add3A_29 = arith.constant 256 : i32
      %add3A_30 = arith.addi %add3A_28, %add3A_29 : i32
      %sub3A_31 = arith.constant 1 : i32
      %sub3A_32 = arith.subi %add3A_30, %sub3A_31 : i32
      %min3A = arith.constant 390 : i32
      %min3A_33 = arith.minsi %sub3A_32, %min3A : i32
      %mul3A_34 = arith.constant 16 : i32
      %mul3A_35 = arith.muli %min3A_33, %mul3A_34 : i32
      %multiple_of3A_36 = tpu.assume_multiple %mul3A_35, 16 : i32
      %get3A = arith.index_cast %multiple_of3A_36 : i32 to index
      %get3A_37 = tpu.vector_load %arg5[%get3A] {strides = array<i32>} : memref<6256xi32, #tpu.memory_space<vmem>>, vector<16xi32>,
      %get3A_38 = vector.shape_cast %get3A_37 : vector<16xi32> to vector<16xi32>
      %le3A = arith.constant 391 : i32
      %le3A_39 = arith.cmpi sle, %add3A_30, %le3A : i32
      %slice3A = vector.extract_strided_slice %get3A_38 {offsets = [15], sizes = [1], strides = [1]} : vector<16xi32> to vector<1xi32>
      %squeeze3A = vector.extract %slice3A[0] : i32 from vector<1xi32>
      %lt3A = arith.cmpi slt, %squeeze3A, %add3A_27 : i32
      %and3A_40 = arith.andi %le3A_39, %lt3A : i1
      %jit3A = arith.constant 0 : i32
      %select_n3A = arith.select %and3A_40, %add3A_30, %jit3A : i32
      %add3A_41 = arith.constant 128 : i32
      %add3A_42 = arith.addi %select_n3A, %add3A_41 : i32
      %sub3A_43 = arith.constant 1 : i32
      %sub3A_44 = arith.subi %add3A_42, %sub3A_43 : i32
      %min3A_45 = arith.constant 390 : i32
      %min3A_46 = arith.minsi %sub3A_44, %min3A_45 : i32
      %mul3A_47 = arith.constant 16 : i32
      %mul3A_48 = arith.muli %min3A_46, %mul3A_47 : i32
      %multiple_of3A_49 = tpu.assume_multiple %mul3A_48, 16 : i32
      %get3A_50 = arith.index_cast %multiple_of3A_49 : i32 to index
      %get3A_51 = tpu.vector_load %arg5[%get3A_50] {strides = array<i32>} : memref<6256xi32, #tpu.memory_space<vmem>>, vector<16xi32>,
      %get3A_52 = vector.shape_cast %get3A_51 : vector<16xi32> to vector<16xi32>
      %le3A_53 = arith.constant 391 : i32
      %le3A_54 = arith.cmpi sle, %add3A_42, %le3A_53 : i32
      %slice3A_55 = vector.extract_strided_slice %get3A_52 {offsets = [15], sizes = [1], strides = [1]} : vector<16xi32> to vector<1xi32>
      %squeeze3A_56 = vector.extract %slice3A_55[0] : i32 from vector<1xi32>
      %lt3A_57 = arith.cmpi slt, %squeeze3A_56, %add3A_27 : i32
      %and3A_58 = arith.andi %le3A_54, %lt3A_57 : i1
      %select_n3A_59 = arith.select %and3A_58, %add3A_42, %select_n3A : i32
      %add3A_60 = arith.constant 64 : i32
      %add3A_61 = arith.addi %select_n3A_59, %add3A_60 : i32
      %sub3A_62 = arith.constant 1 : i32
      %sub3A_63 = arith.subi %add3A_61, %sub3A_62 : i32
      %min3A_64 = arith.constant 390 : i32
      %min3A_65 = arith.minsi %sub3A_63, %min3A_64 : i32
      %mul3A_66 = arith.constant 16 : i32
      %mul3A_67 = arith.muli %min3A_65, %mul3A_66 : i32
      %multiple_of3A_68 = tpu.assume_multiple %mul3A_67, 16 : i32
      %get3A_69 = arith.index_cast %multiple_of3A_68 : i32 to index
      %get3A_70 = tpu.vector_load %arg5[%get3A_69] {strides = array<i32>} : memref<6256xi32, #tpu.memory_space<vmem>>, vector<16xi32>,
      %get3A_71 = vector.shape_cast %get3A_70 : vector<16xi32> to vector<16xi32>
      %le3A_72 = arith.constant 391 : i32
      %le3A_73 = arith.cmpi sle, %add3A_61, %le3A_72 : i32
      %slice3A_74 = vector.extract_strided_slice %get3A_71 {offsets = [15], sizes = [1], strides = [1]} : vector<16xi32> to vector<1xi32>
      %squeeze3A_75 = vector.extract %slice3A_74[0] : i32 from vector<1xi32>
      %lt3A_76 = arith.cmpi slt, %squeeze3A_75, %add3A_27 : i32
      %and3A_77 = arith.andi %le3A_73, %lt3A_76 : i1
      %select_n3A_78 = arith.select %and3A_77, %add3A_61, %select_n3A_59 : i32
      %add3A_79 = arith.constant 32 : i32
      %add3A_80 = arith.addi %select_n3A_78, %add3A_79 : i32
      %sub3A_81 = arith.constant 1 : i32
      %sub3A_82 = arith.subi %add3A_80, %sub3A_81 : i32
      %min3A_83 = arith.constant 390 : i32
      %min3A_84 = arith.minsi %sub3A_82, %min3A_83 : i32
      %mul3A_85 = arith.constant 16 : i32
      %mul3A_86 = arith.muli %min3A_84, %mul3A_85 : i32
      %multiple_of3A_87 = tpu.assume_multiple %mul3A_86, 16 : i32
      %get3A_88 = arith.index_cast %multiple_of3A_87 : i32 to index
      %get3A_89 = tpu.vector_load %arg5[%get3A_88] {strides = array<i32>} : memref<6256xi32, #tpu.memory_space<vmem>>, vector<16xi32>,
      %get3A_90 = vector.shape_cast %get3A_89 : vector<16xi32> to vector<16xi32>
      %le3A_91 = arith.constant 391 : i32
      %le3A_92 = arith.cmpi sle, %add3A_80, %le3A_91 : i32
      %slice3A_93 = vector.extract_strided_slice %get3A_90 {offsets = [15], sizes = [1], strides = [1]} : vector<16xi32> to vector<1xi32>
      %squeeze3A_94 = vector.extract %slice3A_93[0] : i32 from vector<1xi32>
      %lt3A_95 = arith.cmpi slt, %squeeze3A_94, %add3A_27 : i32
      %and3A_96 = arith.andi %le3A_92, %lt3A_95 : i1
      %select_n3A_97 = arith.select %and3A_96, %add3A_80, %select_n3A_78 : i32
      %add3A_98 = arith.constant 16 : i32
      %add3A_99 = arith.addi %select_n3A_97, %add3A_98 : i32
      %sub3A_100 = arith.constant 1 : i32
      %sub3A_101 = arith.subi %add3A_99, %sub3A_100 : i32
      %min3A_102 = arith.constant 390 : i32
      %min3A_103 = arith.minsi %sub3A_101, %min3A_102 : i32
      %mul3A_104 = arith.constant 16 : i32
      %mul3A_105 = arith.muli %min3A_103, %mul3A_104 : i32
      %multiple_of3A_106 = tpu.assume_multiple %mul3A_105, 16 : i32
      %get3A_107 = arith.index_cast %multiple_of3A_106 : i32 to index
      %get3A_108 = tpu.vector_load %arg5[%get3A_107] {strides = array<i32>} : memref<6256xi32, #tpu.memory_space<vmem>>, vector<16xi32>,
      %get3A_109 = vector.shape_cast %get3A_108 : vector<16xi32> to vector<16xi32>
      %le3A_110 = arith.constant 391 : i32
      %le3A_111 = arith.cmpi sle, %add3A_99, %le3A_110 : i32
      %slice3A_112 = vector.extract_strided_slice %get3A_109 {offsets = [15], sizes = [1], strides = [1]} : vector<16xi32> to vector<1xi32>
      %squeeze3A_113 = vector.extract %slice3A_112[0] : i32 from vector<1xi32>
      %lt3A_114 = arith.cmpi slt, %squeeze3A_113, %add3A_27 : i32
      %and3A_115 = arith.andi %le3A_111, %lt3A_114 : i1
      %select_n3A_116 = arith.select %and3A_115, %add3A_99, %select_n3A_97 : i32
      %add3A_117 = arith.constant 8 : i32
      %add3A_118 = arith.addi %select_n3A_116, %add3A_117 : i32
      %sub3A_119 = arith.constant 1 : i32
      %sub3A_120 = arith.subi %add3A_118, %sub3A_119 : i32
      %min3A_121 = arith.constant 390 : i32
      %min3A_122 = arith.minsi %sub3A_120, %min3A_121 : i32
      %mul3A_123 = arith.constant 16 : i32
      %mul3A_124 = arith.muli %min3A_122, %mul3A_123 : i32
      %multiple_of3A_125 = tpu.assume_multiple %mul3A_124, 16 : i32
      %get3A_126 = arith.index_cast %multiple_of3A_125 : i32 to index
      %get3A_127 = tpu.vector_load %arg5[%get3A_126] {strides = array<i32>} : memref<6256xi32, #tpu.memory_space<vmem>>, vector<16xi32>,
      %get3A_128 = vector.shape_cast %get3A_127 : vector<16xi32> to vector<16xi32>
      %le3A_129 = arith.constant 391 : i32
      %le3A_130 = arith.cmpi sle, %add3A_118, %le3A_129 : i32
      %slice3A_131 = vector.extract_strided_slice %get3A_128 {offsets = [15], sizes = [1], strides = [1]} : vector<16xi32> to vector<1xi32>
      %squeeze3A_132 = vector.extract %slice3A_131[0] : i32 from vector<1xi32>
      %lt3A_133 = arith.cmpi slt, %squeeze3A_132, %add3A_27 : i32
      %and3A_134 = arith.andi %le3A_130, %lt3A_133 : i1
      %select_n3A_135 = arith.select %and3A_134, %add3A_118, %select_n3A_116 : i32
      %add3A_136 = arith.constant 4 : i32
      %add3A_137 = arith.addi %select_n3A_135, %add3A_136 : i32
      %sub3A_138 = arith.constant 1 : i32
      %sub3A_139 = arith.subi %add3A_137, %sub3A_138 : i32
      %min3A_140 = arith.constant 390 : i32
      %min3A_141 = arith.minsi %sub3A_139, %min3A_140 : i32
      %mul3A_142 = arith.constant 16 : i32
      %mul3A_143 = arith.muli %min3A_141, %mul3A_142 : i32
      %multiple_of3A_144 = tpu.assume_multiple %mul3A_143, 16 : i32
      %get3A_145 = arith.index_cast %multiple_of3A_144 : i32 to index
      %get3A_146 = tpu.vector_load %arg5[%get3A_145] {strides = array<i32>} : memref<6256xi32, #tpu.memory_space<vmem>>, vector<16xi32>,
      %get3A_147 = vector.shape_cast %get3A_146 : vector<16xi32> to vector<16xi32>
      %le3A_148 = arith.constant 391 : i32
      %le3A_149 = arith.cmpi sle, %add3A_137, %le3A_148 : i32
      %slice3A_150 = vector.extract_strided_slice %get3A_147 {offsets = [15], sizes = [1], strides = [1]} : vector<16xi32> to vector<1xi32>
      %squeeze3A_151 = vector.extract %slice3A_150[0] : i32 from vector<1xi32>
      %lt3A_152 = arith.cmpi slt, %squeeze3A_151, %add3A_27 : i32
      %and3A_153 = arith.andi %le3A_149, %lt3A_152 : i1
      %select_n3A_154 = arith.select %and3A_153, %add3A_137, %select_n3A_135 : i32
      %add3A_155 = arith.constant 2 : i32
      %add3A_156 = arith.addi %select_n3A_154, %add3A_155 : i32
      %sub3A_157 = arith.constant 1 : i32
      %sub3A_158 = arith.subi %add3A_156, %sub3A_157 : i32
      %min3A_159 = arith.constant 390 : i32
      %min3A_160 = arith.minsi %sub3A_158, %min3A_159 : i32
      %mul3A_161 = arith.constant 16 : i32
      %mul3A_162 = arith.muli %min3A_160, %mul3A_161 : i32
      %multiple_of3A_163 = tpu.assume_multiple %mul3A_162, 16 : i32
      %get3A_164 = arith.index_cast %multiple_of3A_163 : i32 to index
      %get3A_165 = tpu.vector_load %arg5[%get3A_164] {strides = array<i32>} : memref<6256xi32, #tpu.memory_space<vmem>>, vector<16xi32>,
      %get3A_166 = vector.shape_cast %get3A_165 : vector<16xi32> to vector<16xi32>
      %le3A_167 = arith.constant 391 : i32
      %le3A_168 = arith.cmpi sle, %add3A_156, %le3A_167 : i32
      %slice3A_169 = vector.extract_strided_slice %get3A_166 {offsets = [15], sizes = [1], strides = [1]} : vector<16xi32> to vector<1xi32>
      %squeeze3A_170 = vector.extract %slice3A_169[0] : i32 from vector<1xi32>
      %lt3A_171 = arith.cmpi slt, %squeeze3A_170, %add3A_27 : i32
      %and3A_172 = arith.andi %le3A_168, %lt3A_171 : i1
      %select_n3A_173 = arith.select %and3A_172, %add3A_156, %select_n3A_154 : i32
      %add3A_174 = arith.constant 1 : i32
      %add3A_175 = arith.addi %select_n3A_173, %add3A_174 : i32
      %sub3A_176 = arith.constant 1 : i32
      %sub3A_177 = arith.subi %add3A_175, %sub3A_176 : i32
      %min3A_178 = arith.constant 390 : i32
      %min3A_179 = arith.minsi %sub3A_177, %min3A_178 : i32
      %mul3A_180 = arith.constant 16 : i32
      %mul3A_181 = arith.muli %min3A_179, %mul3A_180 : i32
      %multiple_of3A_182 = tpu.assume_multiple %mul3A_181, 16 : i32
      %get3A_183 = arith.index_cast %multiple_of3A_182 : i32 to index
      %get3A_184 = tpu.vector_load %arg5[%get3A_183] {strides = array<i32>} : memref<6256xi32, #tpu.memory_space<vmem>>, vector<16xi32>,
      %get3A_185 = vector.shape_cast %get3A_184 : vector<16xi32> to vector<16xi32>
      %le3A_186 = arith.constant 391 : i32
      %le3A_187 = arith.cmpi sle, %add3A_175, %le3A_186 : i32
      %slice3A_188 = vector.extract_strided_slice %get3A_185 {offsets = [15], sizes = [1], strides = [1]} : vector<16xi32> to vector<1xi32>
      %squeeze3A_189 = vector.extract %slice3A_188[0] : i32 from vector<1xi32>
      %lt3A_190 = arith.cmpi slt, %squeeze3A_189, %add3A_27 : i32
      %and3A_191 = arith.andi %le3A_187, %lt3A_190 : i1
      %select_n3A_192 = arith.select %and3A_191, %add3A_175, %select_n3A_173 : i32
      %min3A_193 = arith.constant 390 : i32
      %min3A_194 = arith.minsi %select_n3A_192, %min3A_193 : i32
      %mul3A_195 = arith.constant 16 : i32
      %mul3A_196 = arith.muli %min3A_194, %mul3A_195 : i32
      %multiple_of3A_197 = tpu.assume_multiple %mul3A_196, 16 : i32
      %get3A_198 = arith.index_cast %multiple_of3A_197 : i32 to index
      %get3A_199 = tpu.vector_load %arg5[%get3A_198] {strides = array<i32>} : memref<6256xi32, #tpu.memory_space<vmem>>, vector<16xi32>,
      %get3A_200 = vector.shape_cast %get3A_199 : vector<16xi32> to vector<16xi32>
      %lt3A_201 = arith.cmpi slt, %get3A_200, %broadcast_in_dim3A : vector<16xi32>
      %broadcast_in_dim3A_202 = arith.constant 1 : i32
      %broadcast_in_dim3A_203 = vector.broadcast %broadcast_in_dim3A_202 : i32 to vector<16xi32>
      %broadcast_in_dim3A_204 = arith.constant 0 : i32
      %broadcast_in_dim3A_205 = vector.broadcast %broadcast_in_dim3A_204 : i32 to vector<16xi32>
      %select_n3A_206 = arith.select %lt3A_201, %broadcast_in_dim3A_203, %broadcast_in_dim3A_205 : vector<16xi1>, vector<16xi32>
      %slice3A_207 = vector.extract_strided_slice %select_n3A_206 {offsets = [0], sizes = [1], strides = [1]} : vector<16xi32> to vector<1xi32>
      %squeeze3A_208 = vector.extract %slice3A_207[0] : i32 from vector<1xi32>
      %slice3A_209 = vector.extract_strided_slice %select_n3A_206 {offsets = [1], sizes = [1], strides = [1]} : vector<16xi32> to vector<1xi32>
      %squeeze3A_210 = vector.extract %slice3A_209[0] : i32 from vector<1xi32>
      %add3A_211 = arith.addi %squeeze3A_208, %squeeze3A_210 : i32
      %slice3A_212 = vector.extract_strided_slice %select_n3A_206 {offsets = [2], sizes = [1], strides = [1]} : vector<16xi32> to vector<1xi32>
      %squeeze3A_213 = vector.extract %slice3A_212[0] : i32 from vector<1xi32>
      %add3A_214 = arith.addi %add3A_211, %squeeze3A_213 : i32
      %slice3A_215 = vector.extract_strided_slice %select_n3A_206 {offsets = [3], sizes = [1], strides = [1]} : vector<16xi32> to vector<1xi32>
      %squeeze3A_216 = vector.extract %slice3A_215[0] : i32 from vector<1xi32>
      %add3A_217 = arith.addi %add3A_214, %squeeze3A_216 : i32
      %slice3A_218 = vector.extract_strided_slice %select_n3A_206 {offsets = [4], sizes = [1], strides = [1]} : vector<16xi32> to vector<1xi32>
      %squeeze3A_219 = vector.extract %slice3A_218[0] : i32 from vector<1xi32>
      %add3A_220 = arith.addi %add3A_217, %squeeze3A_219 : i32
      %slice3A_221 = vector.extract_strided_slice %select_n3A_206 {offsets = [5], sizes = [1], strides = [1]} : vector<16xi32> to vector<1xi32>
      %squeeze3A_222 = vector.extract %slice3A_221[0] : i32 from vector<1xi32>
      %add3A_223 = arith.addi %add3A_220, %squeeze3A_222 : i32
      %slice3A_224 = vector.extract_strided_slice %select_n3A_206 {offsets = [6], sizes = [1], strides = [1]} : vector<16xi32> to vector<1xi32>
      %squeeze3A_225 = vector.extract %slice3A_224[0] : i32 from vector<1xi32>
      %add3A_226 = arith.addi %add3A_223, %squeeze3A_225 : i32
      %slice3A_227 = vector.extract_strided_slice %select_n3A_206 {offsets = [7], sizes = [1], strides = [1]} : vector<16xi32> to vector<1xi32>
      %squeeze3A_228 = vector.extract %slice3A_227[0] : i32 from vector<1xi32>
      %add3A_229 = arith.addi %add3A_226, %squeeze3A_228 : i32
      %slice3A_230 = vector.extract_strided_slice %select_n3A_206 {offsets = [8], sizes = [1], strides = [1]} : vector<16xi32> to vector<1xi32>
      %squeeze3A_231 = vector.extract %slice3A_230[0] : i32 from vector<1xi32>
      %add3A_232 = arith.addi %add3A_229, %squeeze3A_231 : i32
      %slice3A_233 = vector.extract_strided_slice %select_n3A_206 {offsets = [9], sizes = [1], strides = [1]} : vector<16xi32> to vector<1xi32>
      %squeeze3A_234 = vector.extract %slice3A_233[0] : i32 from vector<1xi32>
      %add3A_235 = arith.addi %add3A_232, %squeeze3A_234 : i32
      %slice3A_236 = vector.extract_strided_slice %select_n3A_206 {offsets = [10], sizes = [1], strides = [1]} : vector<16xi32> to vector<1xi32>
      %squeeze3A_237 = vector.extract %slice3A_236[0] : i32 from vector<1xi32>
      %add3A_238 = arith.addi %add3A_235, %squeeze3A_237 : i32
      %slice3A_239 = vector.extract_strided_slice %select_n3A_206 {offsets = [11], sizes = [1], strides = [1]} : vector<16xi32> to vector<1xi32>
      %squeeze3A_240 = vector.extract %slice3A_239[0] : i32 from vector<1xi32>
      %add3A_241 = arith.addi %add3A_238, %squeeze3A_240 : i32
      %slice3A_242 = vector.extract_strided_slice %select_n3A_206 {offsets = [12], sizes = [1], strides = [1]} : vector<16xi32> to vector<1xi32>
      %squeeze3A_243 = vector.extract %slice3A_242[0] : i32 from vector<1xi32>
      %add3A_244 = arith.addi %add3A_241, %squeeze3A_243 : i32
      %slice3A_245 = vector.extract_strided_slice %select_n3A_206 {offsets = [13], sizes = [1], strides = [1]} : vector<16xi32> to vector<1xi32>
      %squeeze3A_246 = vector.extract %slice3A_245[0] : i32 from vector<1xi32>
      %add3A_247 = arith.addi %add3A_244, %squeeze3A_246 : i32
      %slice3A_248 = vector.extract_strided_slice %select_n3A_206 {offsets = [14], sizes = [1], strides = [1]} : vector<16xi32> to vector<1xi32>
      %squeeze3A_249 = vector.extract %slice3A_248[0] : i32 from vector<1xi32>
      %add3A_250 = arith.addi %add3A_247, %squeeze3A_249 : i32
      %slice3A_251 = vector.extract_strided_slice %select_n3A_206 {offsets = [15], sizes = [1], strides = [1]} : vector<16xi32> to vector<1xi32>
      %squeeze3A_252 = vector.extract %slice3A_251[0] : i32 from vector<1xi32>
      %add3A_253 = arith.addi %add3A_250, %squeeze3A_252 : i32
      %mul3A_254 = arith.constant 16 : i32
      %mul3A_255 = arith.muli %select_n3A_192, %mul3A_254 : i32
      %add3A_256 = arith.addi %mul3A_255, %add3A_253 : i32
      %min3A_257 = arith.minsi %add3A_256, %sub3A_17 : i32
      %sub3A_258 = arith.subi %min3A_257, %scan3A_25 : i32
      %add3A_259 = arith.addi %sub3A, %scan3A_25 : i32
      %add3A_260 = arith.addi %sub3A, %min3A_257 : i32
      %add3A_261 = arith.constant 7 : i32
      %add3A_262 = arith.addi %add3A_259, %add3A_261 : i32
      %and3A_263 = arith.constant -8 : i32
      %and3A_264 = arith.andi %add3A_262, %and3A_263 : i32
      %and3A_265 = arith.constant -8 : i32
      %and3A_266 = arith.andi %add3A_260, %and3A_265 : i32
      %gt3A = arith.constant 0 : i32
      %gt3A_267 = arith.cmpi sgt, %sub3A_258, %gt3A : i32
      %convert_element_type3A = arith.extui %gt3A_267 : i1 to i32
      %cond3A = arith.constant 0 : i32
      %cond3A_268 = arith.cmpi ne, %convert_element_type3A, %cond3A : i32
      scf.if %cond3A_268 {
        %gt3A_269 = arith.cmpi sgt, %and3A_266, %and3A_264 : i32
        %convert_element_type3A_270 = arith.extui %gt3A_269 : i1 to i32
        %cond3A_271 = arith.constant 0 : i32
        %cond3A_272 = arith.cmpi ne, %convert_element_type3A_270, %cond3A_271 : i32
        scf.if %cond3A_272 {
          %scan3A_279 = arith.constant 0 : i32
          %scan3A_280 = arith.constant 0 : i32
          %scan3A_281 = arith.constant 8 : i32
          %scan3A_282 = arith.addi %scan3A_280, %scan3A_281 : i32
          %scan3A_283 = arith.constant 1 : i32
          scf.for %scan3A_329 = %scan3A_280 to %scan3A_282 step %scan3A_283  : i32 {
            %get3A_330 = arith.index_cast %scan3A_24 : i32 to index
            %get3A_331 = arith.constant 0 : index
            %get3A_332 = tpu.vector_load %arg6[%get3A_330, %get3A_331] {strides = array<i32>} : memref<32x256xf32, #tpu.memory_space<vmem>>, vector<1x16xf32>,
            %get3A_333 = vector.shape_cast %get3A_332 : vector<1x16xf32> to vector<16xf32>
            %swap3A = arith.index_cast %scan3A_329 : i32 to index
            %swap3A_334 = arith.constant 0 : index
            %swap3A_335 = tpu.vector_load %arg7[%swap3A, %swap3A_334] {strides = array<i32>} : memref<8x256xf32, #tpu.memory_space<vmem>>, vector<1x16xf32>,
            %swap3A_336 = vector.shape_cast %swap3A_335 : vector<1x16xf32> to vector<16xf32>
            %swap3A_337 = vector.shape_cast %get3A_333 : vector<16xf32> to vector<1x16xf32>
            tpu.vector_store %arg7[%swap3A, %swap3A_334], %swap3A_337 {strides = array<i32>} : memref<8x256xf32, #tpu.memory_space<vmem>>, vector<1x16xf32>,
            %get3A_338 = arith.index_cast %scan3A_24 : i32 to index
            %get3A_339 = arith.constant 16 : index
            %get3A_340 = tpu.vector_load %arg6[%get3A_338, %get3A_339] {strides = array<i32>} : memref<32x256xf32, #tpu.memory_space<vmem>>, vector<1x16xf32>,
            %get3A_341 = vector.shape_cast %get3A_340 : vector<1x16xf32> to vector<16xf32>
            %swap3A_342 = arith.index_cast %scan3A_329 : i32 to index
            %swap3A_343 = arith.constant 16 : index
            %swap3A_344 = tpu.vector_load %arg7[%swap3A_342, %swap3A_343] {strides = array<i32>} : memref<8x256xf32, #tpu.memory_space<vmem>>, vector<1x16xf32>,
            %swap3A_345 = vector.shape_cast %swap3A_344 : vector<1x16xf32> to vector<16xf32>
            %swap3A_346 = vector.shape_cast %get3A_341 : vector<16xf32> to vector<1x16xf32>
            tpu.vector_store %arg7[%swap3A_342, %swap3A_343], %swap3A_346 {strides = array<i32>} : memref<8x256xf32, #tpu.memory_space<vmem>>, vector<1x16xf32>,
            %get3A_347 = arith.index_cast %scan3A_24 : i32 to index
            %get3A_348 = arith.constant 32 : index
            %get3A_349 = tpu.vector_load %arg6[%get3A_347, %get3A_348] {strides = array<i32>} : memref<32x256xf32, #tpu.memory_space<vmem>>, vector<1x16xf32>,
            %get3A_350 = vector.shape_cast %get3A_349 : vector<1x16xf32> to vector<16xf32>
            %swap3A_351 = arith.index_cast %scan3A_329 : i32 to index
            %swap3A_352 = arith.constant 32 : index
            %swap3A_353 = tpu.vector_load %arg7[%swap3A_351, %swap3A_352] {strides = array<i32>} : memref<8x256xf32, #tpu.memory_space<vmem>>, vector<1x16xf32>,
            %swap3A_354 = vector.shape_cast %swap3A_353 : vector<1x16xf32> to vector<16xf32>
            %swap3A_355 = vector.shape_cast %get3A_350 : vector<16xf32> to vector<1x16xf32>
            tpu.vector_store %arg7[%swap3A_351, %swap3A_352], %swap3A_355 {strides = array<i32>} : memref<8x256xf32, #tpu.memory_space<vmem>>, vector<1x16xf32>,
            %get3A_356 = arith.index_cast %scan3A_24 : i32 to index
            %get3A_357 = arith.constant 48 : index
            %get3A_358 = tpu.vector_load %arg6[%get3A_356, %get3A_357] {strides = array<i32>} : memref<32x256xf32, #tpu.memory_space<vmem>>, vector<1x16xf32>,
            %get3A_359 = vector.shape_cast %get3A_358 : vector<1x16xf32> to vector<16xf32>
            %swap3A_360 = arith.index_cast %scan3A_329 : i32 to index
            %swap3A_361 = arith.constant 48 : index
            %swap3A_362 = tpu.vector_load %arg7[%swap3A_360, %swap3A_361] {strides = array<i32>} : memref<8x256xf32, #tpu.memory_space<vmem>>, vector<1x16xf32>,
            %swap3A_363 = vector.shape_cast %swap3A_362 : vector<1x16xf32> to vector<16xf32>
            %swap3A_364 = vector.shape_cast %get3A_359 : vector<16xf32> to vector<1x16xf32>
            tpu.vector_store %arg7[%swap3A_360, %swap3A_361], %swap3A_364 {strides = array<i32>} : memref<8x256xf32, #tpu.memory_space<vmem>>, vector<1x16xf32>,
            %get3A_365 = arith.index_cast %scan3A_24 : i32 to index
            %get3A_366 = arith.constant 64 : index
            %get3A_367 = tpu.vector_load %arg6[%get3A_365, %get3A_366] {strides = array<i32>} : memref<32x256xf32, #tpu.memory_space<vmem>>, vector<1x16xf32>,
            %get3A_368 = vector.shape_cast %get3A_367 : vector<1x16xf32> to vector<16xf32>
            %swap3A_369 = arith.index_cast %scan3A_329 : i32 to index
            %swap3A_370 = arith.constant 64 : index
            %swap3A_371 = tpu.vector_load %arg7[%swap3A_369, %swap3A_370] {strides = array<i32>} : memref<8x256xf32, #tpu.memory_space<vmem>>, vector<1x16xf32>,
            %swap3A_372 = vector.shape_cast %swap3A_371 : vector<1x16xf32> to vector<16xf32>
            %swap3A_373 = vector.shape_cast %get3A_368 : vector<16xf32> to vector<1x16xf32>
            tpu.vector_store %arg7[%swap3A_369, %swap3A_370], %swap3A_373 {strides = array<i32>} : memref<8x256xf32, #tpu.memory_space<vmem>>, vector<1x16xf32>,
            %get3A_374 = arith.index_cast %scan3A_24 : i32 to index
            %get3A_375 = arith.constant 80 : index
            %get3A_376 = tpu.vector_load %arg6[%get3A_374, %get3A_375] {strides = array<i32>} : memref<32x256xf32, #tpu.memory_space<vmem>>, vector<1x16xf32>,
            %get3A_377 = vector.shape_cast %get3A_376 : vector<1x16xf32> to vector<16xf32>
            %swap3A_378 = arith.index_cast %scan3A_329 : i32 to index
            %swap3A_379 = arith.constant 80 : index
            %swap3A_380 = tpu.vector_load %arg7[%swap3A_378, %swap3A_379] {strides = array<i32>} : memref<8x256xf32, #tpu.memory_space<vmem>>, vector<1x16xf32>,
            %swap3A_381 = vector.shape_cast %swap3A_380 : vector<1x16xf32> to vector<16xf32>
            %swap3A_382 = vector.shape_cast %get3A_377 : vector<16xf32> to vector<1x16xf32>
            tpu.vector_store %arg7[%swap3A_378, %swap3A_379], %swap3A_382 {strides = array<i32>} : memref<8x256xf32, #tpu.memory_space<vmem>>, vector<1x16xf32>,
            %get3A_383 = arith.index_cast %scan3A_24 : i32 to index
            %get3A_384 = arith.constant 96 : index
            %get3A_385 = tpu.vector_load %arg6[%get3A_383, %get3A_384] {strides = array<i32>} : memref<32x256xf32, #tpu.memory_space<vmem>>, vector<1x16xf32>,
            %get3A_386 = vector.shape_cast %get3A_385 : vector<1x16xf32> to vector<16xf32>
            %swap3A_387 = arith.index_cast %scan3A_329 : i32 to index
            %swap3A_388 = arith.constant 96 : index
            %swap3A_389 = tpu.vector_load %arg7[%swap3A_387, %swap3A_388] {strides = array<i32>} : memref<8x256xf32, #tpu.memory_space<vmem>>, vector<1x16xf32>,
            %swap3A_390 = vector.shape_cast %swap3A_389 : vector<1x16xf32> to vector<16xf32>
            %swap3A_391 = vector.shape_cast %get3A_386 : vector<16xf32> to vector<1x16xf32>
            tpu.vector_store %arg7[%swap3A_387, %swap3A_388], %swap3A_391 {strides = array<i32>} : memref<8x256xf32, #tpu.memory_space<vmem>>, vector<1x16xf32>,
            %get3A_392 = arith.index_cast %scan3A_24 : i32 to index
            %get3A_393 = arith.constant 112 : index
            %get3A_394 = tpu.vector_load %arg6[%get3A_392, %get3A_393] {strides = array<i32>} : memref<32x256xf32, #tpu.memory_space<vmem>>, vector<1x16xf32>,
            %get3A_395 = vector.shape_cast %get3A_394 : vector<1x16xf32> to vector<16xf32>
            %swap3A_396 = arith.index_cast %scan3A_329 : i32 to index
            %swap3A_397 = arith.constant 112 : index
            %swap3A_398 = tpu.vector_load %arg7[%swap3A_396, %swap3A_397] {strides = array<i32>} : memref<8x256xf32, #tpu.memory_space<vmem>>, vector<1x16xf32>,
            %swap3A_399 = vector.shape_cast %swap3A_398 : vector<1x16xf32> to vector<16xf32>
            %swap3A_400 = vector.shape_cast %get3A_395 : vector<16xf32> to vector<1x16xf32>
            tpu.vector_store %arg7[%swap3A_396, %swap3A_397], %swap3A_400 {strides = array<i32>} : memref<8x256xf32, #tpu.memory_space<vmem>>, vector<1x16xf32>,
            %get3A_401 = arith.index_cast %scan3A_24 : i32 to index
            %get3A_402 = arith.constant 128 : index
            %get3A_403 = tpu.vector_load %arg6[%get3A_401, %get3A_402] {strides = array<i32>} : memref<32x256xf32, #tpu.memory_space<vmem>>, vector<1x16xf32>,
            %get3A_404 = vector.shape_cast %get3A_403 : vector<1x16xf32> to vector<16xf32>
            %swap3A_405 = arith.index_cast %scan3A_329 : i32 to index
            %swap3A_406 = arith.constant 128 : index
            %swap3A_407 = tpu.vector_load %arg7[%swap3A_405, %swap3A_406] {strides = array<i32>} : memref<8x256xf32, #tpu.memory_space<vmem>>, vector<1x16xf32>,
            %swap3A_408 = vector.shape_cast %swap3A_407 : vector<1x16xf32> to vector<16xf32>
            %swap3A_409 = vector.shape_cast %get3A_404 : vector<16xf32> to vector<1x16xf32>
            tpu.vector_store %arg7[%swap3A_405, %swap3A_406], %swap3A_409 {strides = array<i32>} : memref<8x256xf32, #tpu.memory_space<vmem>>, vector<1x16xf32>,
            %get3A_410 = arith.index_cast %scan3A_24 : i32 to index
            %get3A_411 = arith.constant 144 : index
            %get3A_412 = tpu.vector_load %arg6[%get3A_410, %get3A_411] {strides = array<i32>} : memref<32x256xf32, #tpu.memory_space<vmem>>, vector<1x16xf32>,
            %get3A_413 = vector.shape_cast %get3A_412 : vector<1x16xf32> to vector<16xf32>
            %swap3A_414 = arith.index_cast %scan3A_329 : i32 to index
            %swap3A_415 = arith.constant 144 : index
            %swap3A_416 = tpu.vector_load %arg7[%swap3A_414, %swap3A_415] {strides = array<i32>} : memref<8x256xf32, #tpu.memory_space<vmem>>, vector<1x16xf32>,
            %swap3A_417 = vector.shape_cast %swap3A_416 : vector<1x16xf32> to vector<16xf32>
            %swap3A_418 = vector.shape_cast %get3A_413 : vector<16xf32> to vector<1x16xf32>
            tpu.vector_store %arg7[%swap3A_414, %swap3A_415], %swap3A_418 {strides = array<i32>} : memref<8x256xf32, #tpu.memory_space<vmem>>, vector<1x16xf32>,
            %get3A_419 = arith.index_cast %scan3A_24 : i32 to index
            %get3A_420 = arith.constant 160 : index
            %get3A_421 = tpu.vector_load %arg6[%get3A_419, %get3A_420] {strides = array<i32>} : memref<32x256xf32, #tpu.memory_space<vmem>>, vector<1x16xf32>,
            %get3A_422 = vector.shape_cast %get3A_421 : vector<1x16xf32> to vector<16xf32>
            %swap3A_423 = arith.index_cast %scan3A_329 : i32 to index
            %swap3A_424 = arith.constant 160 : index
            %swap3A_425 = tpu.vector_load %arg7[%swap3A_423, %swap3A_424] {strides = array<i32>} : memref<8x256xf32, #tpu.memory_space<vmem>>, vector<1x16xf32>,
            %swap3A_426 = vector.shape_cast %swap3A_425 : vector<1x16xf32> to vector<16xf32>
            %swap3A_427 = vector.shape_cast %get3A_422 : vector<16xf32> to vector<1x16xf32>
            tpu.vector_store %arg7[%swap3A_423, %swap3A_424], %swap3A_427 {strides = array<i32>} : memref<8x256xf32, #tpu.memory_space<vmem>>, vector<1x16xf32>,
            %get3A_428 = arith.index_cast %scan3A_24 : i32 to index
            %get3A_429 = arith.constant 176 : index
            %get3A_430 = tpu.vector_load %arg6[%get3A_428, %get3A_429] {strides = array<i32>} : memref<32x256xf32, #tpu.memory_space<vmem>>, vector<1x16xf32>,
            %get3A_431 = vector.shape_cast %get3A_430 : vector<1x16xf32> to vector<16xf32>
            %swap3A_432 = arith.index_cast %scan3A_329 : i32 to index
            %swap3A_433 = arith.constant 176 : index
            %swap3A_434 = tpu.vector_load %arg7[%swap3A_432, %swap3A_433] {strides = array<i32>} : memref<8x256xf32, #tpu.memory_space<vmem>>, vector<1x16xf32>,
            %swap3A_435 = vector.shape_cast %swap3A_434 : vector<1x16xf32> to vector<16xf32>
            %swap3A_436 = vector.shape_cast %get3A_431 : vector<16xf32> to vector<1x16xf32>
            tpu.vector_store %arg7[%swap3A_432, %swap3A_433], %swap3A_436 {strides = array<i32>} : memref<8x256xf32, #tpu.memory_space<vmem>>, vector<1x16xf32>,
            %get3A_437 = arith.index_cast %scan3A_24 : i32 to index
            %get3A_438 = arith.constant 192 : index
            %get3A_439 = tpu.vector_load %arg6[%get3A_437, %get3A_438] {strides = array<i32>} : memref<32x256xf32, #tpu.memory_space<vmem>>, vector<1x16xf32>,
            %get3A_440 = vector.shape_cast %get3A_439 : vector<1x16xf32> to vector<16xf32>
            %swap3A_441 = arith.index_cast %scan3A_329 : i32 to index
            %swap3A_442 = arith.constant 192 : index
            %swap3A_443 = tpu.vector_load %arg7[%swap3A_441, %swap3A_442] {strides = array<i32>} : memref<8x256xf32, #tpu.memory_space<vmem>>, vector<1x16xf32>,
            %swap3A_444 = vector.shape_cast %swap3A_443 : vector<1x16xf32> to vector<16xf32>
            %swap3A_445 = vector.shape_cast %get3A_440 : vector<16xf32> to vector<1x16xf32>
            tpu.vector_store %arg7[%swap3A_441, %swap3A_442], %swap3A_445 {strides = array<i32>} : memref<8x256xf32, #tpu.memory_space<vmem>>, vector<1x16xf32>,
            %get3A_446 = arith.index_cast %scan3A_24 : i32 to index
            %get3A_447 = arith.constant 208 : index
            %get3A_448 = tpu.vector_load %arg6[%get3A_446, %get3A_447] {strides = array<i32>} : memref<32x256xf32, #tpu.memory_space<vmem>>, vector<1x16xf32>,
            %get3A_449 = vector.shape_cast %get3A_448 : vector<1x16xf32> to vector<16xf32>
            %swap3A_450 = arith.index_cast %scan3A_329 : i32 to index
            %swap3A_451 = arith.constant 208 : index
            %swap3A_452 = tpu.vector_load %arg7[%swap3A_450, %swap3A_451] {strides = array<i32>} : memref<8x256xf32, #tpu.memory_space<vmem>>, vector<1x16xf32>,
            %swap3A_453 = vector.shape_cast %swap3A_452 : vector<1x16xf32> to vector<16xf32>
            %swap3A_454 = vector.shape_cast %get3A_449 : vector<16xf32> to vector<1x16xf32>
            tpu.vector_store %arg7[%swap3A_450, %swap3A_451], %swap3A_454 {strides = array<i32>} : memref<8x256xf32, #tpu.memory_space<vmem>>, vector<1x16xf32>,
            %get3A_455 = arith.index_cast %scan3A_24 : i32 to index
            %get3A_456 = arith.constant 224 : index
            %get3A_457 = tpu.vector_load %arg6[%get3A_455, %get3A_456] {strides = array<i32>} : memref<32x256xf32, #tpu.memory_space<vmem>>, vector<1x16xf32>,
            %get3A_458 = vector.shape_cast %get3A_457 : vector<1x16xf32> to vector<16xf32>
            %swap3A_459 = arith.index_cast %scan3A_329 : i32 to index
            %swap3A_460 = arith.constant 224 : index
            %swap3A_461 = tpu.vector_load %arg7[%swap3A_459, %swap3A_460] {strides = array<i32>} : memref<8x256xf32, #tpu.memory_space<vmem>>, vector<1x16xf32>,
            %swap3A_462 = vector.shape_cast %swap3A_461 : vector<1x16xf32> to vector<16xf32>
            %swap3A_463 = vector.shape_cast %get3A_458 : vector<16xf32> to vector<1x16xf32>
            tpu.vector_store %arg7[%swap3A_459, %swap3A_460], %swap3A_463 {strides = array<i32>} : memref<8x256xf32, #tpu.memory_space<vmem>>, vector<1x16xf32>,
            %get3A_464 = arith.index_cast %scan3A_24 : i32 to index
            %get3A_465 = arith.constant 240 : index
            %get3A_466 = tpu.vector_load %arg6[%get3A_464, %get3A_465] {strides = array<i32>} : memref<32x256xf32, #tpu.memory_space<vmem>>, vector<1x16xf32>,
            %get3A_467 = vector.shape_cast %get3A_466 : vector<1x16xf32> to vector<16xf32>
            %swap3A_468 = arith.index_cast %scan3A_329 : i32 to index
            %swap3A_469 = arith.constant 240 : index
            %swap3A_470 = tpu.vector_load %arg7[%swap3A_468, %swap3A_469] {strides = array<i32>} : memref<8x256xf32, #tpu.memory_space<vmem>>, vector<1x16xf32>,
            %swap3A_471 = vector.shape_cast %swap3A_470 : vector<1x16xf32> to vector<16xf32>
            %swap3A_472 = vector.shape_cast %get3A_467 : vector<16xf32> to vector<1x16xf32>
            tpu.vector_store %arg7[%swap3A_468, %swap3A_469], %swap3A_472 {strides = array<i32>} : memref<8x256xf32, #tpu.memory_space<vmem>>, vector<1x16xf32>,
          }
          %scan3A_284 = arith.constant 8 : i32
          %sub3A_285 = arith.subi %and3A_266, %and3A_264 : i32
          %jit3A_286 = arith.constant 8 : i32
          %div3A = arith.divsi %sub3A_285, %jit3A_286 : i32
          %sign3A = arith.constant 0 : i32
          %sign3A_287 = arith.cmpi sgt, %sub3A_285, %sign3A : i32
          %sign3A_288 = arith.extui %sign3A_287 : i1 to i32
          %sign3A_289 = arith.constant 0 : i32
          %sign3A_290 = arith.cmpi slt, %sub3A_285, %sign3A_289 : i32
          %sign3A_291 = arith.extui %sign3A_290 : i1 to i32
          %sign3A_292 = arith.subi %sign3A_288, %sign3A_291 : i32
          %sign3A_293 = arith.constant 0 : i32
          %sign3A_294 = arith.cmpi sgt, %jit3A_286, %sign3A_293 : i32
          %sign3A_295 = arith.extui %sign3A_294 : i1 to i32
          %sign3A_296 = arith.constant 0 : i32
          %sign3A_297 = arith.cmpi slt, %jit3A_286, %sign3A_296 : i32
          %sign3A_298 = arith.extui %sign3A_297 : i1 to i32
          %sign3A_299 = arith.subi %sign3A_295, %sign3A_298 : i32
          %ne3A_300 = arith.cmpi ne, %sign3A_292, %sign3A_299 : i32
          %rem3A = arith.remsi %sub3A_285, %jit3A_286 : i32
          %ne3A_301 = arith.constant 0 : i32
          %ne3A_302 = arith.cmpi ne, %rem3A, %ne3A_301 : i32
          %and3A_303 = arith.andi %ne3A_300, %ne3A_302 : i1
          %sub3A_304 = arith.constant 1 : i32
          %sub3A_305 = arith.subi %div3A, %sub3A_304 : i32
          %select_n3A_306 = arith.select %and3A_303, %sub3A_305, %div3A : i32
          %while3A = arith.constant 0 : i32
          %while3A_307 = arith.subi %select_n3A_306, %while3A : i32
          %while3A_308 = arith.addi %while3A, %while3A_307 : i32
          %while3A_309 = arith.constant 1 : i32
          %while3A_310 = arith.divsi %while3A_307, %while3A_309 : i32
          %while3A_311 = arith.muli %while3A_310, %while3A_309 : i32
          %while3A_312 = arith.addi %while3A, %while3A_311 : i32
          %while3A_313 = arith.constant 1 : i32
          %while3A_314 = scf.for %while3A_329 = %while3A to %while3A_312 step %while3A_313 iter_args(%while3A_330 = %and3A_264) -> (i32)  : i32 {
            %multiple_of3A_331 = tpu.assume_multiple %while3A_330, 8 : i32
            %dma_start3A = arith.constant 0 : i32
            %dma_start3A_332 = arith.constant 0 : i32
            %dma_start3A_333 = tpu.memref_slice %arg7[%dma_start3A, %dma_start3A_332] : memref<8x256xf32, #tpu.memory_space<vmem>> -> memref<8x256xf32, #tpu.memory_space<vmem>>
            %dma_start3A_334 = arith.constant 0 : i32
            %dma_start3A_335 = tpu.memref_slice %arg4[%multiple_of3A_331, %dma_start3A_334] : memref<200000x256xf32, #tpu.memory_space<hbm>> -> memref<8x256xf32, #tpu.memory_space<hbm>>
            %dma_start3A_336 = arith.constant 0 : i32
            %dma_start3A_337 = tpu.memref_slice %arg4[%multiple_of3A_331, %dma_start3A_336] : memref<200000x256xf32, #tpu.memory_space<hbm>> -> memref<8x256xf32, #tpu.memory_space<hbm>>
            %dma_start3A_338 = arith.constant 0 : i32
            %dma_start3A_339 = arith.constant 0 : i32
            %dma_start3A_340 = tpu.memref_slice %arg7[%dma_start3A_338, %dma_start3A_339] : memref<8x256xf32, #tpu.memory_space<vmem>> -> memref<8x256xf32, #tpu.memory_space<vmem>>
            tpu.enqueue_dma source(%dma_start3A_340 : memref<8x256xf32, #tpu.memory_space<vmem>>) target(%dma_start3A_337 : memref<8x256xf32, #tpu.memory_space<hbm>>) target_semaphore(%arg9 : memref<!tpu.dma_semaphore, #tpu.memory_space<semaphore_mem>>)
            %ge3A = arith.constant 48 : i32
            %ge3A_341 = arith.cmpi sge, %while3A_329, %ge3A : i32
            %convert_element_type3A_342 = arith.extui %ge3A_341 : i1 to i32
            %cond3A_343 = arith.constant 0 : i32
            %cond3A_344 = arith.cmpi ne, %convert_element_type3A_342, %cond3A_343 : i32
            scf.if %cond3A_344 {
              %multiple_of3A_347 = tpu.assume_multiple %and3A_264, 8 : i32
              %dma_wait3A = arith.constant 0 : i32
              %dma_wait3A_348 = arith.constant 0 : i32
              %dma_wait3A_349 = tpu.memref_slice %arg7[%dma_wait3A, %dma_wait3A_348] : memref<8x256xf32, #tpu.memory_space<vmem>> -> memref<8x256xf32, #tpu.memory_space<vmem>>
              %dma_wait3A_350 = arith.constant 0 : i32
              %dma_wait3A_351 = tpu.memref_slice %arg4[%multiple_of3A_347, %dma_wait3A_350] : memref<200000x256xf32, #tpu.memory_space<hbm>> -> memref<8x256xf32, #tpu.memory_space<hbm>>
              %dma_wait3A_352 = arith.constant 0 : i32
              %dma_wait3A_353 = tpu.memref_slice %arg4[%multiple_of3A_347, %dma_wait3A_352] : memref<200000x256xf32, #tpu.memory_space<hbm>> -> memref<8x256xf32, #tpu.memory_space<hbm>>
              %dma_wait3A_354 = arith.constant 0 : i32
              %dma_wait3A_355 = arith.constant 0 : i32
              %dma_wait3A_356 = tpu.memref_slice %arg7[%dma_wait3A_354, %dma_wait3A_355] : memref<8x256xf32, #tpu.memory_space<vmem>> -> memref<8x256xf32, #tpu.memory_space<vmem>>
              tpu.wait_dma2 semaphore(%arg9 : memref<!tpu.dma_semaphore, #tpu.memory_space<semaphore_mem>>) src(%dma_wait3A_356 : memref<8x256xf32, #tpu.memory_space<vmem>>) dst(%dma_wait3A_353 : memref<8x256xf32, #tpu.memory_space<hbm>>)
            } else {
            }
            %add3A_345 = arith.constant 8 : i32
            %add3A_346 = arith.addi %while3A_330, %add3A_345 : i32
            scf.yield %add3A_346 : i32
          }
          %while3A_315 = arith.constant 1 : i32
          %while3A_316 = scf.for %while3A_329 = %while3A_312 to %while3A_308 step %while3A_315 iter_args(%while3A_330 = %while3A_314) -> (i32)  : i32 {
            %multiple_of3A_331 = tpu.assume_multiple %while3A_330, 8 : i32
            %dma_start3A = arith.constant 0 : i32
            %dma_start3A_332 = arith.constant 0 : i32
            %dma_start3A_333 = tpu.memref_slice %arg7[%dma_start3A, %dma_start3A_332] : memref<8x256xf32, #tpu.memory_space<vmem>> -> memref<8x256xf32, #tpu.memory_space<vmem>>
            %dma_start3A_334 = arith.constant 0 : i32
            %dma_start3A_335 = tpu.memref_slice %arg4[%multiple_of3A_331, %dma_start3A_334] : memref<200000x256xf32, #tpu.memory_space<hbm>> -> memref<8x256xf32, #tpu.memory_space<hbm>>
            %dma_start3A_336 = arith.constant 0 : i32
            %dma_start3A_337 = tpu.memref_slice %arg4[%multiple_of3A_331, %dma_start3A_336] : memref<200000x256xf32, #tpu.memory_space<hbm>> -> memref<8x256xf32, #tpu.memory_space<hbm>>
            %dma_start3A_338 = arith.constant 0 : i32
            %dma_start3A_339 = arith.constant 0 : i32
            %dma_start3A_340 = tpu.memref_slice %arg7[%dma_start3A_338, %dma_start3A_339] : memref<8x256xf32, #tpu.memory_space<vmem>> -> memref<8x256xf32, #tpu.memory_space<vmem>>
            tpu.enqueue_dma source(%dma_start3A_340 : memref<8x256xf32, #tpu.memory_space<vmem>>) target(%dma_start3A_337 : memref<8x256xf32, #tpu.memory_space<hbm>>) target_semaphore(%arg9 : memref<!tpu.dma_semaphore, #tpu.memory_space<semaphore_mem>>)
            %ge3A = arith.constant 48 : i32
            %ge3A_341 = arith.cmpi sge, %while3A_329, %ge3A : i32
            %convert_element_type3A_342 = arith.extui %ge3A_341 : i1 to i32
            %cond3A_343 = arith.constant 0 : i32
            %cond3A_344 = arith.cmpi ne, %convert_element_type3A_342, %cond3A_343 : i32
            scf.if %cond3A_344 {
              %multiple_of3A_347 = tpu.assume_multiple %and3A_264, 8 : i32
              %dma_wait3A = arith.constant 0 : i32
              %dma_wait3A_348 = arith.constant 0 : i32
              %dma_wait3A_349 = tpu.memref_slice %arg7[%dma_wait3A, %dma_wait3A_348] : memref<8x256xf32, #tpu.memory_space<vmem>> -> memref<8x256xf32, #tpu.memory_space<vmem>>
              %dma_wait3A_350 = arith.constant 0 : i32
              %dma_wait3A_351 = tpu.memref_slice %arg4[%multiple_of3A_347, %dma_wait3A_350] : memref<200000x256xf32, #tpu.memory_space<hbm>> -> memref<8x256xf32, #tpu.memory_space<hbm>>
              %dma_wait3A_352 = arith.constant 0 : i32
              %dma_wait3A_353 = tpu.memref_slice %arg4[%multiple_of3A_347, %dma_wait3A_352] : memref<200000x256xf32, #tpu.memory_space<hbm>> -> memref<8x256xf32, #tpu.memory_space<hbm>>
              %dma_wait3A_354 = arith.constant 0 : i32
              %dma_wait3A_355 = arith.constant 0 : i32
              %dma_wait3A_356 = tpu.memref_slice %arg7[%dma_wait3A_354, %dma_wait3A_355] : memref<8x256xf32, #tpu.memory_space<vmem>> -> memref<8x256xf32, #tpu.memory_space<vmem>>
              tpu.wait_dma2 semaphore(%arg9 : memref<!tpu.dma_semaphore, #tpu.memory_space<semaphore_mem>>) src(%dma_wait3A_356 : memref<8x256xf32, #tpu.memory_space<vmem>>) dst(%dma_wait3A_353 : memref<8x256xf32, #tpu.memory_space<hbm>>)
            } else {
            }
            %add3A_345 = arith.constant 8 : i32
            %add3A_346 = arith.addi %while3A_330, %add3A_345 : i32
            scf.yield %add3A_346 : i32
          }
          %min3A_317 = arith.constant 48 : i32
          %min3A_318 = arith.minsi %select_n3A_306, %min3A_317 : i32
          %while3A_319 = arith.constant 0 : i32
          %while3A_320 = arith.constant 0 : i32
          %while3A_321 = arith.subi %min3A_318, %while3A_320 : i32
          %while3A_322 = arith.addi %while3A_320, %while3A_321 : i32
          %while3A_323 = arith.constant 1 : i32
          %while3A_324 = arith.divsi %while3A_321, %while3A_323 : i32
          %while3A_325 = arith.muli %while3A_324, %while3A_323 : i32
          %while3A_326 = arith.addi %while3A_320, %while3A_325 : i32
          %while3A_327 = arith.constant 1 : i32
          scf.for %while3A_329 = %while3A_320 to %while3A_326 step %while3A_327  : i32 {
            %multiple_of3A_330 = tpu.assume_multiple %and3A_264, 8 : i32
            %dma_wait3A = arith.constant 0 : i32
            %dma_wait3A_331 = arith.constant 0 : i32
            %dma_wait3A_332 = tpu.memref_slice %arg7[%dma_wait3A, %dma_wait3A_331] : memref<8x256xf32, #tpu.memory_space<vmem>> -> memref<8x256xf32, #tpu.memory_space<vmem>>
            %dma_wait3A_333 = arith.constant 0 : i32
            %dma_wait3A_334 = tpu.memref_slice %arg4[%multiple_of3A_330, %dma_wait3A_333] : memref<200000x256xf32, #tpu.memory_space<hbm>> -> memref<8x256xf32, #tpu.memory_space<hbm>>
            %dma_wait3A_335 = arith.constant 0 : i32
            %dma_wait3A_336 = tpu.memref_slice %arg4[%multiple_of3A_330, %dma_wait3A_335] : memref<200000x256xf32, #tpu.memory_space<hbm>> -> memref<8x256xf32, #tpu.memory_space<hbm>>
            %dma_wait3A_337 = arith.constant 0 : i32
            %dma_wait3A_338 = arith.constant 0 : i32
            %dma_wait3A_339 = tpu.memref_slice %arg7[%dma_wait3A_337, %dma_wait3A_338] : memref<8x256xf32, #tpu.memory_space<vmem>> -> memref<8x256xf32, #tpu.memory_space<vmem>>
            tpu.wait_dma2 semaphore(%arg9 : memref<!tpu.dma_semaphore, #tpu.memory_space<semaphore_mem>>) src(%dma_wait3A_339 : memref<8x256xf32, #tpu.memory_space<vmem>>) dst(%dma_wait3A_336 : memref<8x256xf32, #tpu.memory_space<hbm>>)
          }
          %while3A_328 = arith.constant 1 : i32
          scf.for %while3A_329 = %while3A_326 to %while3A_322 step %while3A_328  : i32 {
            %multiple_of3A_330 = tpu.assume_multiple %and3A_264, 8 : i32
            %dma_wait3A = arith.constant 0 : i32
            %dma_wait3A_331 = arith.constant 0 : i32
            %dma_wait3A_332 = tpu.memref_slice %arg7[%dma_wait3A, %dma_wait3A_331] : memref<8x256xf32, #tpu.memory_space<vmem>> -> memref<8x256xf32, #tpu.memory_space<vmem>>
            %dma_wait3A_333 = arith.constant 0 : i32
            %dma_wait3A_334 = tpu.memref_slice %arg4[%multiple_of3A_330, %dma_wait3A_333] : memref<200000x256xf32, #tpu.memory_space<hbm>> -> memref<8x256xf32, #tpu.memory_space<hbm>>
            %dma_wait3A_335 = arith.constant 0 : i32
            %dma_wait3A_336 = tpu.memref_slice %arg4[%multiple_of3A_330, %dma_wait3A_335] : memref<200000x256xf32, #tpu.memory_space<hbm>> -> memref<8x256xf32, #tpu.memory_space<hbm>>
            %dma_wait3A_337 = arith.constant 0 : i32
            %dma_wait3A_338 = arith.constant 0 : i32
            %dma_wait3A_339 = tpu.memref_slice %arg7[%dma_wait3A_337, %dma_wait3A_338] : memref<8x256xf32, #tpu.memory_space<vmem>> -> memref<8x256xf32, #tpu.memory_space<vmem>>
            tpu.wait_dma2 semaphore(%arg9 : memref<!tpu.dma_semaphore, #tpu.memory_space<semaphore_mem>>) src(%dma_wait3A_339 : memref<8x256xf32, #tpu.memory_space<vmem>>) dst(%dma_wait3A_336 : memref<8x256xf32, #tpu.memory_space<hbm>>)
          }
        } else {
        }
        %and3A_273 = arith.constant 7 : i32
        %and3A_274 = arith.andi %add3A_260, %and3A_273 : i32
        %ne3A = arith.constant 0 : i32
        %ne3A_275 = arith.cmpi ne, %and3A_274, %ne3A : i32
        %convert_element_type3A_276 = arith.extui %ne3A_275 : i1 to i32
        %cond3A_277 = arith.constant 0 : i32
        %cond3A_278 = arith.cmpi ne, %convert_element_type3A_276, %cond3A_277 : i32
        scf.if %cond3A_278 {
          %sub3A_279 = arith.subi %and3A_266, %sub3A : i32
          %shift_right_arithmetic3A = arith.constant 4 : i32
          %shift_right_arithmetic3A_280 = arith.shrsi %sub3A_279, %shift_right_arithmetic3A : i32
          %mul3A_281 = arith.constant 16 : i32
          %mul3A_282 = arith.muli %shift_right_arithmetic3A_280, %mul3A_281 : i32
          %multiple_of3A_283 = tpu.assume_multiple %mul3A_282, 16 : i32
          %get3A_284 = arith.index_cast %multiple_of3A_283 : i32 to index
          %get3A_285 = tpu.vector_load %arg5[%get3A_284] {strides = array<i32>} : memref<6256xi32, #tpu.memory_space<vmem>>, vector<16xi32>,
          %get3A_286 = vector.shape_cast %get3A_285 : vector<16xi32> to vector<16xi32>
          %and3A_287 = arith.constant 15 : i32
          %and3A_288 = arith.andi %sub3A_279, %and3A_287 : i32
          %eq3A = arith.constant 8 : i32
          %eq3A_289 = arith.cmpi eq, %and3A_288, %eq3A : i32
          %slice3A_290 = vector.extract_strided_slice %get3A_286 {offsets = [8], sizes = [1], strides = [1]} : vector<16xi32> to vector<1xi32>
          %squeeze3A_291 = vector.extract %slice3A_290[0] : i32 from vector<1xi32>
          %slice3A_292 = vector.extract_strided_slice %get3A_286 {offsets = [0], sizes = [1], strides = [1]} : vector<16xi32> to vector<1xi32>
          %squeeze3A_293 = vector.extract %slice3A_292[0] : i32 from vector<1xi32>
          %select_n3A_294 = arith.select %eq3A_289, %squeeze3A_291, %squeeze3A_293 : i32
          %get3A_295 = arith.index_cast %select_n3A_294 : i32 to index
          %get3A_296 = arith.constant 0 : index
          %get3A_297 = tpu.vector_load %arg6[%get3A_295, %get3A_296] {strides = array<i32>} : memref<32x256xf32, #tpu.memory_space<vmem>>, vector<1x16xf32>,
          %get3A_298 = vector.shape_cast %get3A_297 : vector<1x16xf32> to vector<16xf32>
          %swap3A = arith.constant 0 : i32
          %swap3A_299 = arith.index_cast %swap3A : i32 to index
          %swap3A_300 = arith.constant 0 : index
          %swap3A_301 = tpu.vector_load %arg8[%swap3A_299, %swap3A_300] {strides = array<i32>} : memref<8x256xf32, #tpu.memory_space<vmem>>, vector<1x16xf32>,
          %swap3A_302 = vector.shape_cast %swap3A_301 : vector<1x16xf32> to vector<16xf32>
          %swap3A_303 = vector.shape_cast %get3A_298 : vector<16xf32> to vector<1x16xf32>
          tpu.vector_store %arg8[%swap3A_299, %swap3A_300], %swap3A_303 {strides = array<i32>} : memref<8x256xf32, #tpu.memory_space<vmem>>, vector<1x16xf32>,
          %get3A_304 = arith.index_cast %select_n3A_294 : i32 to index
          %get3A_305 = arith.constant 16 : index
          %get3A_306 = tpu.vector_load %arg6[%get3A_304, %get3A_305] {strides = array<i32>} : memref<32x256xf32, #tpu.memory_space<vmem>>, vector<1x16xf32>,
          %get3A_307 = vector.shape_cast %get3A_306 : vector<1x16xf32> to vector<16xf32>
          %swap3A_308 = arith.constant 0 : i32
          %swap3A_309 = arith.index_cast %swap3A_308 : i32 to index
          %swap3A_310 = arith.constant 16 : index
          %swap3A_311 = tpu.vector_load %arg8[%swap3A_309, %swap3A_310] {strides = array<i32>} : memref<8x256xf32, #tpu.memory_space<vmem>>, vector<1x16xf32>,
          %swap3A_312 = vector.shape_cast %swap3A_311 : vector<1x16xf32> to vector<16xf32>
          %swap3A_313 = vector.shape_cast %get3A_307 : vector<16xf32> to vector<1x16xf32>
          tpu.vector_store %arg8[%swap3A_309, %swap3A_310], %swap3A_313 {strides = array<i32>} : memref<8x256xf32, #tpu.memory_space<vmem>>, vector<1x16xf32>,
          %get3A_314 = arith.index_cast %select_n3A_294 : i32 to index
          %get3A_315 = arith.constant 32 : index
          %get3A_316 = tpu.vector_load %arg6[%get3A_314, %get3A_315] {strides = array<i32>} : memref<32x256xf32, #tpu.memory_space<vmem>>, vector<1x16xf32>,
          %get3A_317 = vector.shape_cast %get3A_316 : vector<1x16xf32> to vector<16xf32>
          %swap3A_318 = arith.constant 0 : i32
          %swap3A_319 = arith.index_cast %swap3A_318 : i32 to index
          %swap3A_320 = arith.constant 32 : index
          %swap3A_321 = tpu.vector_load %arg8[%swap3A_319, %swap3A_320] {strides = array<i32>} : memref<8x256xf32, #tpu.memory_space<vmem>>, vector<1x16xf32>,
          %swap3A_322 = vector.shape_cast %swap3A_321 : vector<1x16xf32> to vector<16xf32>
          %swap3A_323 = vector.shape_cast %get3A_317 : vector<16xf32> to vector<1x16xf32>
          tpu.vector_store %arg8[%swap3A_319, %swap3A_320], %swap3A_323 {strides = array<i32>} : memref<8x256xf32, #tpu.memory_space<vmem>>, vector<1x16xf32>,
          %get3A_324 = arith.index_cast %select_n3A_294 : i32 to index
          %get3A_325 = arith.constant 48 : index
          %get3A_326 = tpu.vector_load %arg6[%get3A_324, %get3A_325] {strides = array<i32>} : memref<32x256xf32, #tpu.memory_space<vmem>>, vector<1x16xf32>,
          %get3A_327 = vector.shape_cast %get3A_326 : vector<1x16xf32> to vector<16xf32>
          %swap3A_328 = arith.constant 0 : i32
          %swap3A_329 = arith.index_cast %swap3A_328 : i32 to index
          %swap3A_330 = arith.constant 48 : index
          %swap3A_331 = tpu.vector_load %arg8[%swap3A_329, %swap3A_330] {strides = array<i32>} : memref<8x256xf32, #tpu.memory_space<vmem>>, vector<1x16xf32>,
          %swap3A_332 = vector.shape_cast %swap3A_331 : vector<1x16xf32> to vector<16xf32>
          %swap3A_333 = vector.shape_cast %get3A_327 : vector<16xf32> to vector<1x16xf32>
          tpu.vector_store %arg8[%swap3A_329, %swap3A_330], %swap3A_333 {strides = array<i32>} : memref<8x256xf32, #tpu.memory_space<vmem>>, vector<1x16xf32>,
          %get3A_334 = arith.index_cast %select_n3A_294 : i32 to index
          %get3A_335 = arith.constant 64 : index
          %get3A_336 = tpu.vector_load %arg6[%get3A_334, %get3A_335] {strides = array<i32>} : memref<32x256xf32, #tpu.memory_space<vmem>>, vector<1x16xf32>,
          %get3A_337 = vector.shape_cast %get3A_336 : vector<1x16xf32> to vector<16xf32>
          %swap3A_338 = arith.constant 0 : i32
          %swap3A_339 = arith.index_cast %swap3A_338 : i32 to index
          %swap3A_340 = arith.constant 64 : index
          %swap3A_341 = tpu.vector_load %arg8[%swap3A_339, %swap3A_340] {strides = array<i32>} : memref<8x256xf32, #tpu.memory_space<vmem>>, vector<1x16xf32>,
          %swap3A_342 = vector.shape_cast %swap3A_341 : vector<1x16xf32> to vector<16xf32>
          %swap3A_343 = vector.shape_cast %get3A_337 : vector<16xf32> to vector<1x16xf32>
          tpu.vector_store %arg8[%swap3A_339, %swap3A_340], %swap3A_343 {strides = array<i32>} : memref<8x256xf32, #tpu.memory_space<vmem>>, vector<1x16xf32>,
          %get3A_344 = arith.index_cast %select_n3A_294 : i32 to index
          %get3A_345 = arith.constant 80 : index
          %get3A_346 = tpu.vector_load %arg6[%get3A_344, %get3A_345] {strides = array<i32>} : memref<32x256xf32, #tpu.memory_space<vmem>>, vector<1x16xf32>,
          %get3A_347 = vector.shape_cast %get3A_346 : vector<1x16xf32> to vector<16xf32>
          %swap3A_348 = arith.constant 0 : i32
          %swap3A_349 = arith.index_cast %swap3A_348 : i32 to index
          %swap3A_350 = arith.constant 80 : index
          %swap3A_351 = tpu.vector_load %arg8[%swap3A_349, %swap3A_350] {strides = array<i32>} : memref<8x256xf32, #tpu.memory_space<vmem>>, vector<1x16xf32>,
          %swap3A_352 = vector.shape_cast %swap3A_351 : vector<1x16xf32> to vector<16xf32>
          %swap3A_353 = vector.shape_cast %get3A_347 : vector<16xf32> to vector<1x16xf32>
          tpu.vector_store %arg8[%swap3A_349, %swap3A_350], %swap3A_353 {strides = array<i32>} : memref<8x256xf32, #tpu.memory_space<vmem>>, vector<1x16xf32>,
          %get3A_354 = arith.index_cast %select_n3A_294 : i32 to index
          %get3A_355 = arith.constant 96 : index
          %get3A_356 = tpu.vector_load %arg6[%get3A_354, %get3A_355] {strides = array<i32>} : memref<32x256xf32, #tpu.memory_space<vmem>>, vector<1x16xf32>,
          %get3A_357 = vector.shape_cast %get3A_356 : vector<1x16xf32> to vector<16xf32>
          %swap3A_358 = arith.constant 0 : i32
          %swap3A_359 = arith.index_cast %swap3A_358 : i32 to index
          %swap3A_360 = arith.constant 96 : index
          %swap3A_361 = tpu.vector_load %arg8[%swap3A_359, %swap3A_360] {strides = array<i32>} : memref<8x256xf32, #tpu.memory_space<vmem>>, vector<1x16xf32>,
          %swap3A_362 = vector.shape_cast %swap3A_361 : vector<1x16xf32> to vector<16xf32>
          %swap3A_363 = vector.shape_cast %get3A_357 : vector<16xf32> to vector<1x16xf32>
          tpu.vector_store %arg8[%swap3A_359, %swap3A_360], %swap3A_363 {strides = array<i32>} : memref<8x256xf32, #tpu.memory_space<vmem>>, vector<1x16xf32>,
          %get3A_364 = arith.index_cast %select_n3A_294 : i32 to index
          %get3A_365 = arith.constant 112 : index
          %get3A_366 = tpu.vector_load %arg6[%get3A_364, %get3A_365] {strides = array<i32>} : memref<32x256xf32, #tpu.memory_space<vmem>>, vector<1x16xf32>,
          %get3A_367 = vector.shape_cast %get3A_366 : vector<1x16xf32> to vector<16xf32>
          %swap3A_368 = arith.constant 0 : i32
          %swap3A_369 = arith.index_cast %swap3A_368 : i32 to index
          %swap3A_370 = arith.constant 112 : index
          %swap3A_371 = tpu.vector_load %arg8[%swap3A_369, %swap3A_370] {strides = array<i32>} : memref<8x256xf32, #tpu.memory_space<vmem>>, vector<1x16xf32>,
          %swap3A_372 = vector.shape_cast %swap3A_371 : vector<1x16xf32> to vector<16xf32>
          %swap3A_373 = vector.shape_cast %get3A_367 : vector<16xf32> to vector<1x16xf32>
          tpu.vector_store %arg8[%swap3A_369, %swap3A_370], %swap3A_373 {strides = array<i32>} : memref<8x256xf32, #tpu.memory_space<vmem>>, vector<1x16xf32>,
          %get3A_374 = arith.index_cast %select_n3A_294 : i32 to index
          %get3A_375 = arith.constant 128 : index
          %get3A_376 = tpu.vector_load %arg6[%get3A_374, %get3A_375] {strides = array<i32>} : memref<32x256xf32, #tpu.memory_space<vmem>>, vector<1x16xf32>,
          %get3A_377 = vector.shape_cast %get3A_376 : vector<1x16xf32> to vector<16xf32>
          %swap3A_378 = arith.constant 0 : i32
          %swap3A_379 = arith.index_cast %swap3A_378 : i32 to index
          %swap3A_380 = arith.constant 128 : index
          %swap3A_381 = tpu.vector_load %arg8[%swap3A_379, %swap3A_380] {strides = array<i32>} : memref<8x256xf32, #tpu.memory_space<vmem>>, vector<1x16xf32>,
          %swap3A_382 = vector.shape_cast %swap3A_381 : vector<1x16xf32> to vector<16xf32>
          %swap3A_383 = vector.shape_cast %get3A_377 : vector<16xf32> to vector<1x16xf32>
          tpu.vector_store %arg8[%swap3A_379, %swap3A_380], %swap3A_383 {strides = array<i32>} : memref<8x256xf32, #tpu.memory_space<vmem>>, vector<1x16xf32>,
          %get3A_384 = arith.index_cast %select_n3A_294 : i32 to index
          %get3A_385 = arith.constant 144 : index
          %get3A_386 = tpu.vector_load %arg6[%get3A_384, %get3A_385] {strides = array<i32>} : memref<32x256xf32, #tpu.memory_space<vmem>>, vector<1x16xf32>,
          %get3A_387 = vector.shape_cast %get3A_386 : vector<1x16xf32> to vector<16xf32>
          %swap3A_388 = arith.constant 0 : i32
          %swap3A_389 = arith.index_cast %swap3A_388 : i32 to index
          %swap3A_390 = arith.constant 144 : index
          %swap3A_391 = tpu.vector_load %arg8[%swap3A_389, %swap3A_390] {strides = array<i32>} : memref<8x256xf32, #tpu.memory_space<vmem>>, vector<1x16xf32>,
          %swap3A_392 = vector.shape_cast %swap3A_391 : vector<1x16xf32> to vector<16xf32>
          %swap3A_393 = vector.shape_cast %get3A_387 : vector<16xf32> to vector<1x16xf32>
          tpu.vector_store %arg8[%swap3A_389, %swap3A_390], %swap3A_393 {strides = array<i32>} : memref<8x256xf32, #tpu.memory_space<vmem>>, vector<1x16xf32>,
          %get3A_394 = arith.index_cast %select_n3A_294 : i32 to index
          %get3A_395 = arith.constant 160 : index
          %get3A_396 = tpu.vector_load %arg6[%get3A_394, %get3A_395] {strides = array<i32>} : memref<32x256xf32, #tpu.memory_space<vmem>>, vector<1x16xf32>,
          %get3A_397 = vector.shape_cast %get3A_396 : vector<1x16xf32> to vector<16xf32>
          %swap3A_398 = arith.constant 0 : i32
          %swap3A_399 = arith.index_cast %swap3A_398 : i32 to index
          %swap3A_400 = arith.constant 160 : index
          %swap3A_401 = tpu.vector_load %arg8[%swap3A_399, %swap3A_400] {strides = array<i32>} : memref<8x256xf32, #tpu.memory_space<vmem>>, vector<1x16xf32>,
          %swap3A_402 = vector.shape_cast %swap3A_401 : vector<1x16xf32> to vector<16xf32>
          %swap3A_403 = vector.shape_cast %get3A_397 : vector<16xf32> to vector<1x16xf32>
          tpu.vector_store %arg8[%swap3A_399, %swap3A_400], %swap3A_403 {strides = array<i32>} : memref<8x256xf32, #tpu.memory_space<vmem>>, vector<1x16xf32>,
          %get3A_404 = arith.index_cast %select_n3A_294 : i32 to index
          %get3A_405 = arith.constant 176 : index
          %get3A_406 = tpu.vector_load %arg6[%get3A_404, %get3A_405] {strides = array<i32>} : memref<32x256xf32, #tpu.memory_space<vmem>>, vector<1x16xf32>,
          %get3A_407 = vector.shape_cast %get3A_406 : vector<1x16xf32> to vector<16xf32>
          %swap3A_408 = arith.constant 0 : i32
          %swap3A_409 = arith.index_cast %swap3A_408 : i32 to index
          %swap3A_410 = arith.constant 176 : index
          %swap3A_411 = tpu.vector_load %arg8[%swap3A_409, %swap3A_410] {strides = array<i32>} : memref<8x256xf32, #tpu.memory_space<vmem>>, vector<1x16xf32>,
          %swap3A_412 = vector.shape_cast %swap3A_411 : vector<1x16xf32> to vector<16xf32>
          %swap3A_413 = vector.shape_cast %get3A_407 : vector<16xf32> to vector<1x16xf32>
          tpu.vector_store %arg8[%swap3A_409, %swap3A_410], %swap3A_413 {strides = array<i32>} : memref<8x256xf32, #tpu.memory_space<vmem>>, vector<1x16xf32>,
          %get3A_414 = arith.index_cast %select_n3A_294 : i32 to index
          %get3A_415 = arith.constant 192 : index
          %get3A_416 = tpu.vector_load %arg6[%get3A_414, %get3A_415] {strides = array<i32>} : memref<32x256xf32, #tpu.memory_space<vmem>>, vector<1x16xf32>,
          %get3A_417 = vector.shape_cast %get3A_416 : vector<1x16xf32> to vector<16xf32>
          %swap3A_418 = arith.constant 0 : i32
          %swap3A_419 = arith.index_cast %swap3A_418 : i32 to index
          %swap3A_420 = arith.constant 192 : index
          %swap3A_421 = tpu.vector_load %arg8[%swap3A_419, %swap3A_420] {strides = array<i32>} : memref<8x256xf32, #tpu.memory_space<vmem>>, vector<1x16xf32>,
          %swap3A_422 = vector.shape_cast %swap3A_421 : vector<1x16xf32> to vector<16xf32>
          %swap3A_423 = vector.shape_cast %get3A_417 : vector<16xf32> to vector<1x16xf32>
          tpu.vector_store %arg8[%swap3A_419, %swap3A_420], %swap3A_423 {strides = array<i32>} : memref<8x256xf32, #tpu.memory_space<vmem>>, vector<1x16xf32>,
          %get3A_424 = arith.index_cast %select_n3A_294 : i32 to index
          %get3A_425 = arith.constant 208 : index
          %get3A_426 = tpu.vector_load %arg6[%get3A_424, %get3A_425] {strides = array<i32>} : memref<32x256xf32, #tpu.memory_space<vmem>>, vector<1x16xf32>,
          %get3A_427 = vector.shape_cast %get3A_426 : vector<1x16xf32> to vector<16xf32>
          %swap3A_428 = arith.constant 0 : i32
          %swap3A_429 = arith.index_cast %swap3A_428 : i32 to index
          %swap3A_430 = arith.constant 208 : index
          %swap3A_431 = tpu.vector_load %arg8[%swap3A_429, %swap3A_430] {strides = array<i32>} : memref<8x256xf32, #tpu.memory_space<vmem>>, vector<1x16xf32>,
          %swap3A_432 = vector.shape_cast %swap3A_431 : vector<1x16xf32> to vector<16xf32>
          %swap3A_433 = vector.shape_cast %get3A_427 : vector<16xf32> to vector<1x16xf32>
          tpu.vector_store %arg8[%swap3A_429, %swap3A_430], %swap3A_433 {strides = array<i32>} : memref<8x256xf32, #tpu.memory_space<vmem>>, vector<1x16xf32>,
          %get3A_434 = arith.index_cast %select_n3A_294 : i32 to index
          %get3A_435 = arith.constant 224 : index
          %get3A_436 = tpu.vector_load %arg6[%get3A_434, %get3A_435] {strides = array<i32>} : memref<32x256xf32, #tpu.memory_space<vmem>>, vector<1x16xf32>,
          %get3A_437 = vector.shape_cast %get3A_436 : vector<1x16xf32> to vector<16xf32>
          %swap3A_438 = arith.constant 0 : i32
          %swap3A_439 = arith.index_cast %swap3A_438 : i32 to index
          %swap3A_440 = arith.constant 224 : index
          %swap3A_441 = tpu.vector_load %arg8[%swap3A_439, %swap3A_440] {strides = array<i32>} : memref<8x256xf32, #tpu.memory_space<vmem>>, vector<1x16xf32>,
          %swap3A_442 = vector.shape_cast %swap3A_441 : vector<1x16xf32> to vector<16xf32>
          %swap3A_443 = vector.shape_cast %get3A_437 : vector<16xf32> to vector<1x16xf32>
          tpu.vector_store %arg8[%swap3A_439, %swap3A_440], %swap3A_443 {strides = array<i32>} : memref<8x256xf32, #tpu.memory_space<vmem>>, vector<1x16xf32>,
          %get3A_444 = arith.index_cast %select_n3A_294 : i32 to index
          %get3A_445 = arith.constant 240 : index
          %get3A_446 = tpu.vector_load %arg6[%get3A_444, %get3A_445] {strides = array<i32>} : memref<32x256xf32, #tpu.memory_space<vmem>>, vector<1x16xf32>,
          %get3A_447 = vector.shape_cast %get3A_446 : vector<1x16xf32> to vector<16xf32>
          %swap3A_448 = arith.constant 0 : i32
          %swap3A_449 = arith.index_cast %swap3A_448 : i32 to index
          %swap3A_450 = arith.constant 240 : index
          %swap3A_451 = tpu.vector_load %arg8[%swap3A_449, %swap3A_450] {strides = array<i32>} : memref<8x256xf32, #tpu.memory_space<vmem>>, vector<1x16xf32>,
          %swap3A_452 = vector.shape_cast %swap3A_451 : vector<1x16xf32> to vector<16xf32>
          %swap3A_453 = vector.shape_cast %get3A_447 : vector<16xf32> to vector<1x16xf32>
          tpu.vector_store %arg8[%swap3A_449, %swap3A_450], %swap3A_453 {strides = array<i32>} : memref<8x256xf32, #tpu.memory_space<vmem>>, vector<1x16xf32>,
          %slice3A_454 = vector.extract_strided_slice %get3A_286 {offsets = [9], sizes = [1], strides = [1]} : vector<16xi32> to vector<1xi32>
          %squeeze3A_455 = vector.extract %slice3A_454[0] : i32 from vector<1xi32>
          %slice3A_456 = vector.extract_strided_slice %get3A_286 {offsets = [1], sizes = [1], strides = [1]} : vector<16xi32> to vector<1xi32>
          %squeeze3A_457 = vector.extract %slice3A_456[0] : i32 from vector<1xi32>
          %select_n3A_458 = arith.select %eq3A_289, %squeeze3A_455, %squeeze3A_457 : i32
          %get3A_459 = arith.index_cast %select_n3A_458 : i32 to index
          %get3A_460 = arith.constant 0 : index
          %get3A_461 = tpu.vector_load %arg6[%get3A_459, %get3A_460] {strides = array<i32>} : memref<32x256xf32, #tpu.memory_space<vmem>>, vector<1x16xf32>,
          %get3A_462 = vector.shape_cast %get3A_461 : vector<1x16xf32> to vector<16xf32>
          %swap3A_463 = arith.constant 1 : i32
          %swap3A_464 = arith.index_cast %swap3A_463 : i32 to index
          %swap3A_465 = arith.constant 0 : index
          %swap3A_466 = tpu.vector_load %arg8[%swap3A_464, %swap3A_465] {strides = array<i32>} : memref<8x256xf32, #tpu.memory_space<vmem>>, vector<1x16xf32>,
          %swap3A_467 = vector.shape_cast %swap3A_466 : vector<1x16xf32> to vector<16xf32>
          %swap3A_468 = vector.shape_cast %get3A_462 : vector<16xf32> to vector<1x16xf32>
          tpu.vector_store %arg8[%swap3A_464, %swap3A_465], %swap3A_468 {strides = array<i32>} : memref<8x256xf32, #tpu.memory_space<vmem>>, vector<1x16xf32>,
          %get3A_469 = arith.index_cast %select_n3A_458 : i32 to index
          %get3A_470 = arith.constant 16 : index
          %get3A_471 = tpu.vector_load %arg6[%get3A_469, %get3A_470] {strides = array<i32>} : memref<32x256xf32, #tpu.memory_space<vmem>>, vector<1x16xf32>,
          %get3A_472 = vector.shape_cast %get3A_471 : vector<1x16xf32> to vector<16xf32>
          %swap3A_473 = arith.constant 1 : i32
          %swap3A_474 = arith.index_cast %swap3A_473 : i32 to index
          %swap3A_475 = arith.constant 16 : index
          %swap3A_476 = tpu.vector_load %arg8[%swap3A_474, %swap3A_475] {strides = array<i32>} : memref<8x256xf32, #tpu.memory_space<vmem>>, vector<1x16xf32>,
          %swap3A_477 = vector.shape_cast %swap3A_476 : vector<1x16xf32> to vector<16xf32>
          %swap3A_478 = vector.shape_cast %get3A_472 : vector<16xf32> to vector<1x16xf32>
          tpu.vector_store %arg8[%swap3A_474, %swap3A_475], %swap3A_478 {strides = array<i32>} : memref<8x256xf32, #tpu.memory_space<vmem>>, vector<1x16xf32>,
          %get3A_479 = arith.index_cast %select_n3A_458 : i32 to index
          %get3A_480 = arith.constant 32 : index
          %get3A_481 = tpu.vector_load %arg6[%get3A_479, %get3A_480] {strides = array<i32>} : memref<32x256xf32, #tpu.memory_space<vmem>>, vector<1x16xf32>,
          %get3A_482 = vector.shape_cast %get3A_481 : vector<1x16xf32> to vector<16xf32>
          %swap3A_483 = arith.constant 1 : i32
          %swap3A_484 = arith.index_cast %swap3A_483 : i32 to index
          %swap3A_485 = arith.constant 32 : index
          %swap3A_486 = tpu.vector_load %arg8[%swap3A_484, %swap3A_485] {strides = array<i32>} : memref<8x256xf32, #tpu.memory_space<vmem>>, vector<1x16xf32>,
          %swap3A_487 = vector.shape_cast %swap3A_486 : vector<1x16xf32> to vector<16xf32>
          %swap3A_488 = vector.shape_cast %get3A_482 : vector<16xf32> to vector<1x16xf32>
          tpu.vector_store %arg8[%swap3A_484, %swap3A_485], %swap3A_488 {strides = array<i32>} : memref<8x256xf32, #tpu.memory_space<vmem>>, vector<1x16xf32>,
          %get3A_489 = arith.index_cast %select_n3A_458 : i32 to index
          %get3A_490 = arith.constant 48 : index
          %get3A_491 = tpu.vector_load %arg6[%get3A_489, %get3A_490] {strides = array<i32>} : memref<32x256xf32, #tpu.memory_space<vmem>>, vector<1x16xf32>,
          %get3A_492 = vector.shape_cast %get3A_491 : vector<1x16xf32> to vector<16xf32>
          %swap3A_493 = arith.constant 1 : i32
          %swap3A_494 = arith.index_cast %swap3A_493 : i32 to index
          %swap3A_495 = arith.constant 48 : index
          %swap3A_496 = tpu.vector_load %arg8[%swap3A_494, %swap3A_495] {strides = array<i32>} : memref<8x256xf32, #tpu.memory_space<vmem>>, vector<1x16xf32>,
          %swap3A_497 = vector.shape_cast %swap3A_496 : vector<1x16xf32> to vector<16xf32>
          %swap3A_498 = vector.shape_cast %get3A_492 : vector<16xf32> to vector<1x16xf32>
          tpu.vector_store %arg8[%swap3A_494, %swap3A_495], %swap3A_498 {strides = array<i32>} : memref<8x256xf32, #tpu.memory_space<vmem>>, vector<1x16xf32>,
          %get3A_499 = arith.index_cast %select_n3A_458 : i32 to index
          %get3A_500 = arith.constant 64 : index
          %get3A_501 = tpu.vector_load %arg6[%get3A_499, %get3A_500] {strides = array<i32>} : memref<32x256xf32, #tpu.memory_space<vmem>>, vector<1x16xf32>,
          %get3A_502 = vector.shape_cast %get3A_501 : vector<1x16xf32> to vector<16xf32>
          %swap3A_503 = arith.constant 1 : i32
          %swap3A_504 = arith.index_cast %swap3A_503 : i32 to index
          %swap3A_505 = arith.constant 64 : index
          %swap3A_506 = tpu.vector_load %arg8[%swap3A_504, %swap3A_505] {strides = array<i32>} : memref<8x256xf32, #tpu.memory_space<vmem>>, vector<1x16xf32>,
          %swap3A_507 = vector.shape_cast %swap3A_506 : vector<1x16xf32> to vector<16xf32>
          %swap3A_508 = vector.shape_cast %get3A_502 : vector<16xf32> to vector<1x16xf32>
          tpu.vector_store %arg8[%swap3A_504, %swap3A_505], %swap3A_508 {strides = array<i32>} : memref<8x256xf32, #tpu.memory_space<vmem>>, vector<1x16xf32>,
          %get3A_509 = arith.index_cast %select_n3A_458 : i32 to index
          %get3A_510 = arith.constant 80 : index
          %get3A_511 = tpu.vector_load %arg6[%get3A_509, %get3A_510] {strides = array<i32>} : memref<32x256xf32, #tpu.memory_space<vmem>>, vector<1x16xf32>,
          %get3A_512 = vector.shape_cast %get3A_511 : vector<1x16xf32> to vector<16xf32>
          %swap3A_513 = arith.constant 1 : i32
          %swap3A_514 = arith.index_cast %swap3A_513 : i32 to index
          %swap3A_515 = arith.constant 80 : index
          %swap3A_516 = tpu.vector_load %arg8[%swap3A_514, %swap3A_515] {strides = array<i32>} : memref<8x256xf32, #tpu.memory_space<vmem>>, vector<1x16xf32>,
          %swap3A_517 = vector.shape_cast %swap3A_516 : vector<1x16xf32> to vector<16xf32>
          %swap3A_518 = vector.shape_cast %get3A_512 : vector<16xf32> to vector<1x16xf32>
          tpu.vector_store %arg8[%swap3A_514, %swap3A_515], %swap3A_518 {strides = array<i32>} : memref<8x256xf32, #tpu.memory_space<vmem>>, vector<1x16xf32>,
          %get3A_519 = arith.index_cast %select_n3A_458 : i32 to index
          %get3A_520 = arith.constant 96 : index
          %get3A_521 = tpu.vector_load %arg6[%get3A_519, %get3A_520] {strides = array<i32>} : memref<32x256xf32, #tpu.memory_space<vmem>>, vector<1x16xf32>,
          %get3A_522 = vector.shape_cast %get3A_521 : vector<1x16xf32> to vector<16xf32>
          %swap3A_523 = arith.constant 1 : i32
          %swap3A_524 = arith.index_cast %swap3A_523 : i32 to index
          %swap3A_525 = arith.constant 96 : index
          %swap3A_526 = tpu.vector_load %arg8[%swap3A_524, %swap3A_525] {strides = array<i32>} : memref<8x256xf32, #tpu.memory_space<vmem>>, vector<1x16xf32>,
          %swap3A_527 = vector.shape_cast %swap3A_526 : vector<1x16xf32> to vector<16xf32>
          %swap3A_528 = vector.shape_cast %get3A_522 : vector<16xf32> to vector<1x16xf32>
          tpu.vector_store %arg8[%swap3A_524, %swap3A_525], %swap3A_528 {strides = array<i32>} : memref<8x256xf32, #tpu.memory_space<vmem>>, vector<1x16xf32>,
          %get3A_529 = arith.index_cast %select_n3A_458 : i32 to index
          %get3A_530 = arith.constant 112 : index
          %get3A_531 = tpu.vector_load %arg6[%get3A_529, %get3A_530] {strides = array<i32>} : memref<32x256xf32, #tpu.memory_space<vmem>>, vector<1x16xf32>,
          %get3A_532 = vector.shape_cast %get3A_531 : vector<1x16xf32> to vector<16xf32>
          %swap3A_533 = arith.constant 1 : i32
          %swap3A_534 = arith.index_cast %swap3A_533 : i32 to index
          %swap3A_535 = arith.constant 112 : index
          %swap3A_536 = tpu.vector_load %arg8[%swap3A_534, %swap3A_535] {strides = array<i32>} : memref<8x256xf32, #tpu.memory_space<vmem>>, vector<1x16xf32>,
          %swap3A_537 = vector.shape_cast %swap3A_536 : vector<1x16xf32> to vector<16xf32>
          %swap3A_538 = vector.shape_cast %get3A_532 : vector<16xf32> to vector<1x16xf32>
          tpu.vector_store %arg8[%swap3A_534, %swap3A_535], %swap3A_538 {strides = array<i32>} : memref<8x256xf32, #tpu.memory_space<vmem>>, vector<1x16xf32>,
          %get3A_539 = arith.index_cast %select_n3A_458 : i32 to index
          %get3A_540 = arith.constant 128 : index
          %get3A_541 = tpu.vector_load %arg6[%get3A_539, %get3A_540] {strides = array<i32>} : memref<32x256xf32, #tpu.memory_space<vmem>>, vector<1x16xf32>,
          %get3A_542 = vector.shape_cast %get3A_541 : vector<1x16xf32> to vector<16xf32>
          %swap3A_543 = arith.constant 1 : i32
          %swap3A_544 = arith.index_cast %swap3A_543 : i32 to index
          %swap3A_545 = arith.constant 128 : index
          %swap3A_546 = tpu.vector_load %arg8[%swap3A_544, %swap3A_545] {strides = array<i32>} : memref<8x256xf32, #tpu.memory_space<vmem>>, vector<1x16xf32>,
          %swap3A_547 = vector.shape_cast %swap3A_546 : vector<1x16xf32> to vector<16xf32>
          %swap3A_548 = vector.shape_cast %get3A_542 : vector<16xf32> to vector<1x16xf32>
          tpu.vector_store %arg8[%swap3A_544, %swap3A_545], %swap3A_548 {strides = array<i32>} : memref<8x256xf32, #tpu.memory_space<vmem>>, vector<1x16xf32>,
          %get3A_549 = arith.index_cast %select_n3A_458 : i32 to index
          %get3A_550 = arith.constant 144 : index
          %get3A_551 = tpu.vector_load %arg6[%get3A_549, %get3A_550] {strides = array<i32>} : memref<32x256xf32, #tpu.memory_space<vmem>>, vector<1x16xf32>,
          %get3A_552 = vector.shape_cast %get3A_551 : vector<1x16xf32> to vector<16xf32>
          %swap3A_553 = arith.constant 1 : i32
          %swap3A_554 = arith.index_cast %swap3A_553 : i32 to index
          %swap3A_555 = arith.constant 144 : index
          %swap3A_556 = tpu.vector_load %arg8[%swap3A_554, %swap3A_555] {strides = array<i32>} : memref<8x256xf32, #tpu.memory_space<vmem>>, vector<1x16xf32>,
          %swap3A_557 = vector.shape_cast %swap3A_556 : vector<1x16xf32> to vector<16xf32>
          %swap3A_558 = vector.shape_cast %get3A_552 : vector<16xf32> to vector<1x16xf32>
          tpu.vector_store %arg8[%swap3A_554, %swap3A_555], %swap3A_558 {strides = array<i32>} : memref<8x256xf32, #tpu.memory_space<vmem>>, vector<1x16xf32>,
          %get3A_559 = arith.index_cast %select_n3A_458 : i32 to index
          %get3A_560 = arith.constant 160 : index
          %get3A_561 = tpu.vector_load %arg6[%get3A_559, %get3A_560] {strides = array<i32>} : memref<32x256xf32, #tpu.memory_space<vmem>>, vector<1x16xf32>,
          %get3A_562 = vector.shape_cast %get3A_561 : vector<1x16xf32> to vector<16xf32>
          %swap3A_563 = arith.constant 1 : i32
          %swap3A_564 = arith.index_cast %swap3A_563 : i32 to index
          %swap3A_565 = arith.constant 160 : index
          %swap3A_566 = tpu.vector_load %arg8[%swap3A_564, %swap3A_565] {strides = array<i32>} : memref<8x256xf32, #tpu.memory_space<vmem>>, vector<1x16xf32>,
          %swap3A_567 = vector.shape_cast %swap3A_566 : vector<1x16xf32> to vector<16xf32>
          %swap3A_568 = vector.shape_cast %get3A_562 : vector<16xf32> to vector<1x16xf32>
          tpu.vector_store %arg8[%swap3A_564, %swap3A_565], %swap3A_568 {strides = array<i32>} : memref<8x256xf32, #tpu.memory_space<vmem>>, vector<1x16xf32>,
          %get3A_569 = arith.index_cast %select_n3A_458 : i32 to index
          %get3A_570 = arith.constant 176 : index
          %get3A_571 = tpu.vector_load %arg6[%get3A_569, %get3A_570] {strides = array<i32>} : memref<32x256xf32, #tpu.memory_space<vmem>>, vector<1x16xf32>,
          %get3A_572 = vector.shape_cast %get3A_571 : vector<1x16xf32> to vector<16xf32>
          %swap3A_573 = arith.constant 1 : i32
          %swap3A_574 = arith.index_cast %swap3A_573 : i32 to index
          %swap3A_575 = arith.constant 176 : index
          %swap3A_576 = tpu.vector_load %arg8[%swap3A_574, %swap3A_575] {strides = array<i32>} : memref<8x256xf32, #tpu.memory_space<vmem>>, vector<1x16xf32>,
          %swap3A_577 = vector.shape_cast %swap3A_576 : vector<1x16xf32> to vector<16xf32>
          %swap3A_578 = vector.shape_cast %get3A_572 : vector<16xf32> to vector<1x16xf32>
          tpu.vector_store %arg8[%swap3A_574, %swap3A_575], %swap3A_578 {strides = array<i32>} : memref<8x256xf32, #tpu.memory_space<vmem>>, vector<1x16xf32>,
          %get3A_579 = arith.index_cast %select_n3A_458 : i32 to index
          %get3A_580 = arith.constant 192 : index
          %get3A_581 = tpu.vector_load %arg6[%get3A_579, %get3A_580] {strides = array<i32>} : memref<32x256xf32, #tpu.memory_space<vmem>>, vector<1x16xf32>,
          %get3A_582 = vector.shape_cast %get3A_581 : vector<1x16xf32> to vector<16xf32>
          %swap3A_583 = arith.constant 1 : i32
          %swap3A_584 = arith.index_cast %swap3A_583 : i32 to index
          %swap3A_585 = arith.constant 192 : index
          %swap3A_586 = tpu.vector_load %arg8[%swap3A_584, %swap3A_585] {strides = array<i32>} : memref<8x256xf32, #tpu.memory_space<vmem>>, vector<1x16xf32>,
          %swap3A_587 = vector.shape_cast %swap3A_586 : vector<1x16xf32> to vector<16xf32>
          %swap3A_588 = vector.shape_cast %get3A_582 : vector<16xf32> to vector<1x16xf32>
          tpu.vector_store %arg8[%swap3A_584, %swap3A_585], %swap3A_588 {strides = array<i32>} : memref<8x256xf32, #tpu.memory_space<vmem>>, vector<1x16xf32>,
          %get3A_589 = arith.index_cast %select_n3A_458 : i32 to index
          %get3A_590 = arith.constant 208 : index
          %get3A_591 = tpu.vector_load %arg6[%get3A_589, %get3A_590] {strides = array<i32>} : memref<32x256xf32, #tpu.memory_space<vmem>>, vector<1x16xf32>,
          %get3A_592 = vector.shape_cast %get3A_591 : vector<1x16xf32> to vector<16xf32>
          %swap3A_593 = arith.constant 1 : i32
          %swap3A_594 = arith.index_cast %swap3A_593 : i32 to index
          %swap3A_595 = arith.constant 208 : index
          %swap3A_596 = tpu.vector_load %arg8[%swap3A_594, %swap3A_595] {strides = array<i32>} : memref<8x256xf32, #tpu.memory_space<vmem>>, vector<1x16xf32>,
          %swap3A_597 = vector.shape_cast %swap3A_596 : vector<1x16xf32> to vector<16xf32>
          %swap3A_598 = vector.shape_cast %get3A_592 : vector<16xf32> to vector<1x16xf32>
          tpu.vector_store %arg8[%swap3A_594, %swap3A_595], %swap3A_598 {strides = array<i32>} : memref<8x256xf32, #tpu.memory_space<vmem>>, vector<1x16xf32>,
          %get3A_599 = arith.index_cast %select_n3A_458 : i32 to index
          %get3A_600 = arith.constant 224 : index
          %get3A_601 = tpu.vector_load %arg6[%get3A_599, %get3A_600] {strides = array<i32>} : memref<32x256xf32, #tpu.memory_space<vmem>>, vector<1x16xf32>,
          %get3A_602 = vector.shape_cast %get3A_601 : vector<1x16xf32> to vector<16xf32>
          %swap3A_603 = arith.constant 1 : i32
          %swap3A_604 = arith.index_cast %swap3A_603 : i32 to index
          %swap3A_605 = arith.constant 224 : index
          %swap3A_606 = tpu.vector_load %arg8[%swap3A_604, %swap3A_605] {strides = array<i32>} : memref<8x256xf32, #tpu.memory_space<vmem>>, vector<1x16xf32>,
          %swap3A_607 = vector.shape_cast %swap3A_606 : vector<1x16xf32> to vector<16xf32>
          %swap3A_608 = vector.shape_cast %get3A_602 : vector<16xf32> to vector<1x16xf32>
          tpu.vector_store %arg8[%swap3A_604, %swap3A_605], %swap3A_608 {strides = array<i32>} : memref<8x256xf32, #tpu.memory_space<vmem>>, vector<1x16xf32>,
          %get3A_609 = arith.index_cast %select_n3A_458 : i32 to index
          %get3A_610 = arith.constant 240 : index
          %get3A_611 = tpu.vector_load %arg6[%get3A_609, %get3A_610] {strides = array<i32>} : memref<32x256xf32, #tpu.memory_space<vmem>>, vector<1x16xf32>,
          %get3A_612 = vector.shape_cast %get3A_611 : vector<1x16xf32> to vector<16xf32>
          %swap3A_613 = arith.constant 1 : i32
          %swap3A_614 = arith.index_cast %swap3A_613 : i32 to index
          %swap3A_615 = arith.constant 240 : index
          %swap3A_616 = tpu.vector_load %arg8[%swap3A_614, %swap3A_615] {strides = array<i32>} : memref<8x256xf32, #tpu.memory_space<vmem>>, vector<1x16xf32>,
          %swap3A_617 = vector.shape_cast %swap3A_616 : vector<1x16xf32> to vector<16xf32>
          %swap3A_618 = vector.shape_cast %get3A_612 : vector<16xf32> to vector<1x16xf32>
          tpu.vector_store %arg8[%swap3A_614, %swap3A_615], %swap3A_618 {strides = array<i32>} : memref<8x256xf32, #tpu.memory_space<vmem>>, vector<1x16xf32>,
          %slice3A_619 = vector.extract_strided_slice %get3A_286 {offsets = [10], sizes = [1], strides = [1]} : vector<16xi32> to vector<1xi32>
          %squeeze3A_620 = vector.extract %slice3A_619[0] : i32 from vector<1xi32>
          %slice3A_621 = vector.extract_strided_slice %get3A_286 {offsets = [2], sizes = [1], strides = [1]} : vector<16xi32> to vector<1xi32>
          %squeeze3A_622 = vector.extract %slice3A_621[0] : i32 from vector<1xi32>
          %select_n3A_623 = arith.select %eq3A_289, %squeeze3A_620, %squeeze3A_622 : i32
          %get3A_624 = arith.index_cast %select_n3A_623 : i32 to index
          %get3A_625 = arith.constant 0 : index
          %get3A_626 = tpu.vector_load %arg6[%get3A_624, %get3A_625] {strides = array<i32>} : memref<32x256xf32, #tpu.memory_space<vmem>>, vector<1x16xf32>,
          %get3A_627 = vector.shape_cast %get3A_626 : vector<1x16xf32> to vector<16xf32>
          %swap3A_628 = arith.constant 2 : i32
          %swap3A_629 = arith.index_cast %swap3A_628 : i32 to index
          %swap3A_630 = arith.constant 0 : index
          %swap3A_631 = tpu.vector_load %arg8[%swap3A_629, %swap3A_630] {strides = array<i32>} : memref<8x256xf32, #tpu.memory_space<vmem>>, vector<1x16xf32>,
          %swap3A_632 = vector.shape_cast %swap3A_631 : vector<1x16xf32> to vector<16xf32>
          %swap3A_633 = vector.shape_cast %get3A_627 : vector<16xf32> to vector<1x16xf32>
          tpu.vector_store %arg8[%swap3A_629, %swap3A_630], %swap3A_633 {strides = array<i32>} : memref<8x256xf32, #tpu.memory_space<vmem>>, vector<1x16xf32>,
          %get3A_634 = arith.index_cast %select_n3A_623 : i32 to index
          %get3A_635 = arith.constant 16 : index
          %get3A_636 = tpu.vector_load %arg6[%get3A_634, %get3A_635] {strides = array<i32>} : memref<32x256xf32, #tpu.memory_space<vmem>>, vector<1x16xf32>,
          %get3A_637 = vector.shape_cast %get3A_636 : vector<1x16xf32> to vector<16xf32>
          %swap3A_638 = arith.constant 2 : i32
          %swap3A_639 = arith.index_cast %swap3A_638 : i32 to index
          %swap3A_640 = arith.constant 16 : index
          %swap3A_641 = tpu.vector_load %arg8[%swap3A_639, %swap3A_640] {strides = array<i32>} : memref<8x256xf32, #tpu.memory_space<vmem>>, vector<1x16xf32>,
          %swap3A_642 = vector.shape_cast %swap3A_641 : vector<1x16xf32> to vector<16xf32>
          %swap3A_643 = vector.shape_cast %get3A_637 : vector<16xf32> to vector<1x16xf32>
          tpu.vector_store %arg8[%swap3A_639, %swap3A_640], %swap3A_643 {strides = array<i32>} : memref<8x256xf32, #tpu.memory_space<vmem>>, vector<1x16xf32>,
          %get3A_644 = arith.index_cast %select_n3A_623 : i32 to index
          %get3A_645 = arith.constant 32 : index
          %get3A_646 = tpu.vector_load %arg6[%get3A_644, %get3A_645] {strides = array<i32>} : memref<32x256xf32, #tpu.memory_space<vmem>>, vector<1x16xf32>,
          %get3A_647 = vector.shape_cast %get3A_646 : vector<1x16xf32> to vector<16xf32>
          %swap3A_648 = arith.constant 2 : i32
          %swap3A_649 = arith.index_cast %swap3A_648 : i32 to index
          %swap3A_650 = arith.constant 32 : index
          %swap3A_651 = tpu.vector_load %arg8[%swap3A_649, %swap3A_650] {strides = array<i32>} : memref<8x256xf32, #tpu.memory_space<vmem>>, vector<1x16xf32>,
          %swap3A_652 = vector.shape_cast %swap3A_651 : vector<1x16xf32> to vector<16xf32>
          %swap3A_653 = vector.shape_cast %get3A_647 : vector<16xf32> to vector<1x16xf32>
          tpu.vector_store %arg8[%swap3A_649, %swap3A_650], %swap3A_653 {strides = array<i32>} : memref<8x256xf32, #tpu.memory_space<vmem>>, vector<1x16xf32>,
          %get3A_654 = arith.index_cast %select_n3A_623 : i32 to index
          %get3A_655 = arith.constant 48 : index
          %get3A_656 = tpu.vector_load %arg6[%get3A_654, %get3A_655] {strides = array<i32>} : memref<32x256xf32, #tpu.memory_space<vmem>>, vector<1x16xf32>,
          %get3A_657 = vector.shape_cast %get3A_656 : vector<1x16xf32> to vector<16xf32>
          %swap3A_658 = arith.constant 2 : i32
          %swap3A_659 = arith.index_cast %swap3A_658 : i32 to index
          %swap3A_660 = arith.constant 48 : index
          %swap3A_661 = tpu.vector_load %arg8[%swap3A_659, %swap3A_660] {strides = array<i32>} : memref<8x256xf32, #tpu.memory_space<vmem>>, vector<1x16xf32>,
          %swap3A_662 = vector.shape_cast %swap3A_661 : vector<1x16xf32> to vector<16xf32>
          %swap3A_663 = vector.shape_cast %get3A_657 : vector<16xf32> to vector<1x16xf32>
          tpu.vector_store %arg8[%swap3A_659, %swap3A_660], %swap3A_663 {strides = array<i32>} : memref<8x256xf32, #tpu.memory_space<vmem>>, vector<1x16xf32>,
          %get3A_664 = arith.index_cast %select_n3A_623 : i32 to index
          %get3A_665 = arith.constant 64 : index
          %get3A_666 = tpu.vector_load %arg6[%get3A_664, %get3A_665] {strides = array<i32>} : memref<32x256xf32, #tpu.memory_space<vmem>>, vector<1x16xf32>,
          %get3A_667 = vector.shape_cast %get3A_666 : vector<1x16xf32> to vector<16xf32>
          %swap3A_668 = arith.constant 2 : i32
          %swap3A_669 = arith.index_cast %swap3A_668 : i32 to index
          %swap3A_670 = arith.constant 64 : index
          %swap3A_671 = tpu.vector_load %arg8[%swap3A_669, %swap3A_670] {strides = array<i32>} : memref<8x256xf32, #tpu.memory_space<vmem>>, vector<1x16xf32>,
          %swap3A_672 = vector.shape_cast %swap3A_671 : vector<1x16xf32> to vector<16xf32>
          %swap3A_673 = vector.shape_cast %get3A_667 : vector<16xf32> to vector<1x16xf32>
          tpu.vector_store %arg8[%swap3A_669, %swap3A_670], %swap3A_673 {strides = array<i32>} : memref<8x256xf32, #tpu.memory_space<vmem>>, vector<1x16xf32>,
          %get3A_674 = arith.index_cast %select_n3A_623 : i32 to index
          %get3A_675 = arith.constant 80 : index
          %get3A_676 = tpu.vector_load %arg6[%get3A_674, %get3A_675] {strides = array<i32>} : memref<32x256xf32, #tpu.memory_space<vmem>>, vector<1x16xf32>,
          %get3A_677 = vector.shape_cast %get3A_676 : vector<1x16xf32> to vector<16xf32>
          %swap3A_678 = arith.constant 2 : i32
          %swap3A_679 = arith.index_cast %swap3A_678 : i32 to index
          %swap3A_680 = arith.constant 80 : index
          %swap3A_681 = tpu.vector_load %arg8[%swap3A_679, %swap3A_680] {strides = array<i32>} : memref<8x256xf32, #tpu.memory_space<vmem>>, vector<1x16xf32>,
          %swap3A_682 = vector.shape_cast %swap3A_681 : vector<1x16xf32> to vector<16xf32>
          %swap3A_683 = vector.shape_cast %get3A_677 : vector<16xf32> to vector<1x16xf32>
          tpu.vector_store %arg8[%swap3A_679, %swap3A_680], %swap3A_683 {strides = array<i32>} : memref<8x256xf32, #tpu.memory_space<vmem>>, vector<1x16xf32>,
          %get3A_684 = arith.index_cast %select_n3A_623 : i32 to index
          %get3A_685 = arith.constant 96 : index
          %get3A_686 = tpu.vector_load %arg6[%get3A_684, %get3A_685] {strides = array<i32>} : memref<32x256xf32, #tpu.memory_space<vmem>>, vector<1x16xf32>,
          %get3A_687 = vector.shape_cast %get3A_686 : vector<1x16xf32> to vector<16xf32>
          %swap3A_688 = arith.constant 2 : i32
          %swap3A_689 = arith.index_cast %swap3A_688 : i32 to index
          %swap3A_690 = arith.constant 96 : index
          %swap3A_691 = tpu.vector_load %arg8[%swap3A_689, %swap3A_690] {strides = array<i32>} : memref<8x256xf32, #tpu.memory_space<vmem>>, vector<1x16xf32>,
          %swap3A_692 = vector.shape_cast %swap3A_691 : vector<1x16xf32> to vector<16xf32>
          %swap3A_693 = vector.shape_cast %get3A_687 : vector<16xf32> to vector<1x16xf32>
          tpu.vector_store %arg8[%swap3A_689, %swap3A_690], %swap3A_693 {strides = array<i32>} : memref<8x256xf32, #tpu.memory_space<vmem>>, vector<1x16xf32>,
          %get3A_694 = arith.index_cast %select_n3A_623 : i32 to index
          %get3A_695 = arith.constant 112 : index
          %get3A_696 = tpu.vector_load %arg6[%get3A_694, %get3A_695] {strides = array<i32>} : memref<32x256xf32, #tpu.memory_space<vmem>>, vector<1x16xf32>,
          %get3A_697 = vector.shape_cast %get3A_696 : vector<1x16xf32> to vector<16xf32>
          %swap3A_698 = arith.constant 2 : i32
          %swap3A_699 = arith.index_cast %swap3A_698 : i32 to index
          %swap3A_700 = arith.constant 112 : index
          %swap3A_701 = tpu.vector_load %arg8[%swap3A_699, %swap3A_700] {strides = array<i32>} : memref<8x256xf32, #tpu.memory_space<vmem>>, vector<1x16xf32>,
          %swap3A_702 = vector.shape_cast %swap3A_701 : vector<1x16xf32> to vector<16xf32>
          %swap3A_703 = vector.shape_cast %get3A_697 : vector<16xf32> to vector<1x16xf32>
          tpu.vector_store %arg8[%swap3A_699, %swap3A_700], %swap3A_703 {strides = array<i32>} : memref<8x256xf32, #tpu.memory_space<vmem>>, vector<1x16xf32>,
          %get3A_704 = arith.index_cast %select_n3A_623 : i32 to index
          %get3A_705 = arith.constant 128 : index
          %get3A_706 = tpu.vector_load %arg6[%get3A_704, %get3A_705] {strides = array<i32>} : memref<32x256xf32, #tpu.memory_space<vmem>>, vector<1x16xf32>,
          %get3A_707 = vector.shape_cast %get3A_706 : vector<1x16xf32> to vector<16xf32>
          %swap3A_708 = arith.constant 2 : i32
          %swap3A_709 = arith.index_cast %swap3A_708 : i32 to index
          %swap3A_710 = arith.constant 128 : index
          %swap3A_711 = tpu.vector_load %arg8[%swap3A_709, %swap3A_710] {strides = array<i32>} : memref<8x256xf32, #tpu.memory_space<vmem>>, vector<1x16xf32>,
          %swap3A_712 = vector.shape_cast %swap3A_711 : vector<1x16xf32> to vector<16xf32>
          %swap3A_713 = vector.shape_cast %get3A_707 : vector<16xf32> to vector<1x16xf32>
          tpu.vector_store %arg8[%swap3A_709, %swap3A_710], %swap3A_713 {strides = array<i32>} : memref<8x256xf32, #tpu.memory_space<vmem>>, vector<1x16xf32>,
          %get3A_714 = arith.index_cast %select_n3A_623 : i32 to index
          %get3A_715 = arith.constant 144 : index
          %get3A_716 = tpu.vector_load %arg6[%get3A_714, %get3A_715] {strides = array<i32>} : memref<32x256xf32, #tpu.memory_space<vmem>>, vector<1x16xf32>,
          %get3A_717 = vector.shape_cast %get3A_716 : vector<1x16xf32> to vector<16xf32>
          %swap3A_718 = arith.constant 2 : i32
          %swap3A_719 = arith.index_cast %swap3A_718 : i32 to index
          %swap3A_720 = arith.constant 144 : index
          %swap3A_721 = tpu.vector_load %arg8[%swap3A_719, %swap3A_720] {strides = array<i32>} : memref<8x256xf32, #tpu.memory_space<vmem>>, vector<1x16xf32>,
          %swap3A_722 = vector.shape_cast %swap3A_721 : vector<1x16xf32> to vector<16xf32>
          %swap3A_723 = vector.shape_cast %get3A_717 : vector<16xf32> to vector<1x16xf32>
          tpu.vector_store %arg8[%swap3A_719, %swap3A_720], %swap3A_723 {strides = array<i32>} : memref<8x256xf32, #tpu.memory_space<vmem>>, vector<1x16xf32>,
          %get3A_724 = arith.index_cast %select_n3A_623 : i32 to index
          %get3A_725 = arith.constant 160 : index
          %get3A_726 = tpu.vector_load %arg6[%get3A_724, %get3A_725] {strides = array<i32>} : memref<32x256xf32, #tpu.memory_space<vmem>>, vector<1x16xf32>,
          %get3A_727 = vector.shape_cast %get3A_726 : vector<1x16xf32> to vector<16xf32>
          %swap3A_728 = arith.constant 2 : i32
          %swap3A_729 = arith.index_cast %swap3A_728 : i32 to index
          %swap3A_730 = arith.constant 160 : index
          %swap3A_731 = tpu.vector_load %arg8[%swap3A_729, %swap3A_730] {strides = array<i32>} : memref<8x256xf32, #tpu.memory_space<vmem>>, vector<1x16xf32>,
          %swap3A_732 = vector.shape_cast %swap3A_731 : vector<1x16xf32> to vector<16xf32>
          %swap3A_733 = vector.shape_cast %get3A_727 : vector<16xf32> to vector<1x16xf32>
          tpu.vector_store %arg8[%swap3A_729, %swap3A_730], %swap3A_733 {strides = array<i32>} : memref<8x256xf32, #tpu.memory_space<vmem>>, vector<1x16xf32>,
          %get3A_734 = arith.index_cast %select_n3A_623 : i32 to index
          %get3A_735 = arith.constant 176 : index
          %get3A_736 = tpu.vector_load %arg6[%get3A_734, %get3A_735] {strides = array<i32>} : memref<32x256xf32, #tpu.memory_space<vmem>>, vector<1x16xf32>,
          %get3A_737 = vector.shape_cast %get3A_736 : vector<1x16xf32> to vector<16xf32>
          %swap3A_738 = arith.constant 2 : i32
          %swap3A_739 = arith.index_cast %swap3A_738 : i32 to index
          %swap3A_740 = arith.constant 176 : index
          %swap3A_741 = tpu.vector_load %arg8[%swap3A_739, %swap3A_740] {strides = array<i32>} : memref<8x256xf32, #tpu.memory_space<vmem>>, vector<1x16xf32>,
          %swap3A_742 = vector.shape_cast %swap3A_741 : vector<1x16xf32> to vector<16xf32>
          %swap3A_743 = vector.shape_cast %get3A_737 : vector<16xf32> to vector<1x16xf32>
          tpu.vector_store %arg8[%swap3A_739, %swap3A_740], %swap3A_743 {strides = array<i32>} : memref<8x256xf32, #tpu.memory_space<vmem>>, vector<1x16xf32>,
          %get3A_744 = arith.index_cast %select_n3A_623 : i32 to index
          %get3A_745 = arith.constant 192 : index
          %get3A_746 = tpu.vector_load %arg6[%get3A_744, %get3A_745] {strides = array<i32>} : memref<32x256xf32, #tpu.memory_space<vmem>>, vector<1x16xf32>,
          %get3A_747 = vector.shape_cast %get3A_746 : vector<1x16xf32> to vector<16xf32>
          %swap3A_748 = arith.constant 2 : i32
          %swap3A_749 = arith.index_cast %swap3A_748 : i32 to index
          %swap3A_750 = arith.constant 192 : index
          %swap3A_751 = tpu.vector_load %arg8[%swap3A_749, %swap3A_750] {strides = array<i32>} : memref<8x256xf32, #tpu.memory_space<vmem>>, vector<1x16xf32>,
          %swap3A_752 = vector.shape_cast %swap3A_751 : vector<1x16xf32> to vector<16xf32>
          %swap3A_753 = vector.shape_cast %get3A_747 : vector<16xf32> to vector<1x16xf32>
          tpu.vector_store %arg8[%swap3A_749, %swap3A_750], %swap3A_753 {strides = array<i32>} : memref<8x256xf32, #tpu.memory_space<vmem>>, vector<1x16xf32>,
          %get3A_754 = arith.index_cast %select_n3A_623 : i32 to index
          %get3A_755 = arith.constant 208 : index
          %get3A_756 = tpu.vector_load %arg6[%get3A_754, %get3A_755] {strides = array<i32>} : memref<32x256xf32, #tpu.memory_space<vmem>>, vector<1x16xf32>,
          %get3A_757 = vector.shape_cast %get3A_756 : vector<1x16xf32> to vector<16xf32>
          %swap3A_758 = arith.constant 2 : i32
          %swap3A_759 = arith.index_cast %swap3A_758 : i32 to index
          %swap3A_760 = arith.constant 208 : index
          %swap3A_761 = tpu.vector_load %arg8[%swap3A_759, %swap3A_760] {strides = array<i32>} : memref<8x256xf32, #tpu.memory_space<vmem>>, vector<1x16xf32>,
          %swap3A_762 = vector.shape_cast %swap3A_761 : vector<1x16xf32> to vector<16xf32>
          %swap3A_763 = vector.shape_cast %get3A_757 : vector<16xf32> to vector<1x16xf32>
          tpu.vector_store %arg8[%swap3A_759, %swap3A_760], %swap3A_763 {strides = array<i32>} : memref<8x256xf32, #tpu.memory_space<vmem>>, vector<1x16xf32>,
          %get3A_764 = arith.index_cast %select_n3A_623 : i32 to index
          %get3A_765 = arith.constant 224 : index
          %get3A_766 = tpu.vector_load %arg6[%get3A_764, %get3A_765] {strides = array<i32>} : memref<32x256xf32, #tpu.memory_space<vmem>>, vector<1x16xf32>,
          %get3A_767 = vector.shape_cast %get3A_766 : vector<1x16xf32> to vector<16xf32>
          %swap3A_768 = arith.constant 2 : i32
          %swap3A_769 = arith.index_cast %swap3A_768 : i32 to index
          %swap3A_770 = arith.constant 224 : index
          %swap3A_771 = tpu.vector_load %arg8[%swap3A_769, %swap3A_770] {strides = array<i32>} : memref<8x256xf32, #tpu.memory_space<vmem>>, vector<1x16xf32>,
          %swap3A_772 = vector.shape_cast %swap3A_771 : vector<1x16xf32> to vector<16xf32>
          %swap3A_773 = vector.shape_cast %get3A_767 : vector<16xf32> to vector<1x16xf32>
          tpu.vector_store %arg8[%swap3A_769, %swap3A_770], %swap3A_773 {strides = array<i32>} : memref<8x256xf32, #tpu.memory_space<vmem>>, vector<1x16xf32>,
          %get3A_774 = arith.index_cast %select_n3A_623 : i32 to index
          %get3A_775 = arith.constant 240 : index
          %get3A_776 = tpu.vector_load %arg6[%get3A_774, %get3A_775] {strides = array<i32>} : memref<32x256xf32, #tpu.memory_space<vmem>>, vector<1x16xf32>,
          %get3A_777 = vector.shape_cast %get3A_776 : vector<1x16xf32> to vector<16xf32>
          %swap3A_778 = arith.constant 2 : i32
          %swap3A_779 = arith.index_cast %swap3A_778 : i32 to index
          %swap3A_780 = arith.constant 240 : index
          %swap3A_781 = tpu.vector_load %arg8[%swap3A_779, %swap3A_780] {strides = array<i32>} : memref<8x256xf32, #tpu.memory_space<vmem>>, vector<1x16xf32>,
          %swap3A_782 = vector.shape_cast %swap3A_781 : vector<1x16xf32> to vector<16xf32>
          %swap3A_783 = vector.shape_cast %get3A_777 : vector<16xf32> to vector<1x16xf32>
          tpu.vector_store %arg8[%swap3A_779, %swap3A_780], %swap3A_783 {strides = array<i32>} : memref<8x256xf32, #tpu.memory_space<vmem>>, vector<1x16xf32>,
          %slice3A_784 = vector.extract_strided_slice %get3A_286 {offsets = [11], sizes = [1], strides = [1]} : vector<16xi32> to vector<1xi32>
          %squeeze3A_785 = vector.extract %slice3A_784[0] : i32 from vector<1xi32>
          %slice3A_786 = vector.extract_strided_slice %get3A_286 {offsets = [3], sizes = [1], strides = [1]} : vector<16xi32> to vector<1xi32>
          %squeeze3A_787 = vector.extract %slice3A_786[0] : i32 from vector<1xi32>
          %select_n3A_788 = arith.select %eq3A_289, %squeeze3A_785, %squeeze3A_787 : i32
          %get3A_789 = arith.index_cast %select_n3A_788 : i32 to index
          %get3A_790 = arith.constant 0 : index
          %get3A_791 = tpu.vector_load %arg6[%get3A_789, %get3A_790] {strides = array<i32>} : memref<32x256xf32, #tpu.memory_space<vmem>>, vector<1x16xf32>,
          %get3A_792 = vector.shape_cast %get3A_791 : vector<1x16xf32> to vector<16xf32>
          %swap3A_793 = arith.constant 3 : i32
          %swap3A_794 = arith.index_cast %swap3A_793 : i32 to index
          %swap3A_795 = arith.constant 0 : index
          %swap3A_796 = tpu.vector_load %arg8[%swap3A_794, %swap3A_795] {strides = array<i32>} : memref<8x256xf32, #tpu.memory_space<vmem>>, vector<1x16xf32>,
          %swap3A_797 = vector.shape_cast %swap3A_796 : vector<1x16xf32> to vector<16xf32>
          %swap3A_798 = vector.shape_cast %get3A_792 : vector<16xf32> to vector<1x16xf32>
          tpu.vector_store %arg8[%swap3A_794, %swap3A_795], %swap3A_798 {strides = array<i32>} : memref<8x256xf32, #tpu.memory_space<vmem>>, vector<1x16xf32>,
          %get3A_799 = arith.index_cast %select_n3A_788 : i32 to index
          %get3A_800 = arith.constant 16 : index
          %get3A_801 = tpu.vector_load %arg6[%get3A_799, %get3A_800] {strides = array<i32>} : memref<32x256xf32, #tpu.memory_space<vmem>>, vector<1x16xf32>,
          %get3A_802 = vector.shape_cast %get3A_801 : vector<1x16xf32> to vector<16xf32>
          %swap3A_803 = arith.constant 3 : i32
          %swap3A_804 = arith.index_cast %swap3A_803 : i32 to index
          %swap3A_805 = arith.constant 16 : index
          %swap3A_806 = tpu.vector_load %arg8[%swap3A_804, %swap3A_805] {strides = array<i32>} : memref<8x256xf32, #tpu.memory_space<vmem>>, vector<1x16xf32>,
          %swap3A_807 = vector.shape_cast %swap3A_806 : vector<1x16xf32> to vector<16xf32>
          %swap3A_808 = vector.shape_cast %get3A_802 : vector<16xf32> to vector<1x16xf32>
          tpu.vector_store %arg8[%swap3A_804, %swap3A_805], %swap3A_808 {strides = array<i32>} : memref<8x256xf32, #tpu.memory_space<vmem>>, vector<1x16xf32>,
          %get3A_809 = arith.index_cast %select_n3A_788 : i32 to index
          %get3A_810 = arith.constant 32 : index
          %get3A_811 = tpu.vector_load %arg6[%get3A_809, %get3A_810] {strides = array<i32>} : memref<32x256xf32, #tpu.memory_space<vmem>>, vector<1x16xf32>,
          %get3A_812 = vector.shape_cast %get3A_811 : vector<1x16xf32> to vector<16xf32>
          %swap3A_813 = arith.constant 3 : i32
          %swap3A_814 = arith.index_cast %swap3A_813 : i32 to index
          %swap3A_815 = arith.constant 32 : index
          %swap3A_816 = tpu.vector_load %arg8[%swap3A_814, %swap3A_815] {strides = array<i32>} : memref<8x256xf32, #tpu.memory_space<vmem>>, vector<1x16xf32>,
          %swap3A_817 = vector.shape_cast %swap3A_816 : vector<1x16xf32> to vector<16xf32>
          %swap3A_818 = vector.shape_cast %get3A_812 : vector<16xf32> to vector<1x16xf32>
          tpu.vector_store %arg8[%swap3A_814, %swap3A_815], %swap3A_818 {strides = array<i32>} : memref<8x256xf32, #tpu.memory_space<vmem>>, vector<1x16xf32>,
          %get3A_819 = arith.index_cast %select_n3A_788 : i32 to index
          %get3A_820 = arith.constant 48 : index
          %get3A_821 = tpu.vector_load %arg6[%get3A_819, %get3A_820] {strides = array<i32>} : memref<32x256xf32, #tpu.memory_space<vmem>>, vector<1x16xf32>,
          %get3A_822 = vector.shape_cast %get3A_821 : vector<1x16xf32> to vector<16xf32>
          %swap3A_823 = arith.constant 3 : i32
          %swap3A_824 = arith.index_cast %swap3A_823 : i32 to index
          %swap3A_825 = arith.constant 48 : index
          %swap3A_826 = tpu.vector_load %arg8[%swap3A_824, %swap3A_825] {strides = array<i32>} : memref<8x256xf32, #tpu.memory_space<vmem>>, vector<1x16xf32>,
          %swap3A_827 = vector.shape_cast %swap3A_826 : vector<1x16xf32> to vector<16xf32>
          %swap3A_828 = vector.shape_cast %get3A_822 : vector<16xf32> to vector<1x16xf32>
          tpu.vector_store %arg8[%swap3A_824, %swap3A_825], %swap3A_828 {strides = array<i32>} : memref<8x256xf32, #tpu.memory_space<vmem>>, vector<1x16xf32>,
          %get3A_829 = arith.index_cast %select_n3A_788 : i32 to index
          %get3A_830 = arith.constant 64 : index
          %get3A_831 = tpu.vector_load %arg6[%get3A_829, %get3A_830] {strides = array<i32>} : memref<32x256xf32, #tpu.memory_space<vmem>>, vector<1x16xf32>,
          %get3A_832 = vector.shape_cast %get3A_831 : vector<1x16xf32> to vector<16xf32>
          %swap3A_833 = arith.constant 3 : i32
          %swap3A_834 = arith.index_cast %swap3A_833 : i32 to index
          %swap3A_835 = arith.constant 64 : index
          %swap3A_836 = tpu.vector_load %arg8[%swap3A_834, %swap3A_835] {strides = array<i32>} : memref<8x256xf32, #tpu.memory_space<vmem>>, vector<1x16xf32>,
          %swap3A_837 = vector.shape_cast %swap3A_836 : vector<1x16xf32> to vector<16xf32>
          %swap3A_838 = vector.shape_cast %get3A_832 : vector<16xf32> to vector<1x16xf32>
          tpu.vector_store %arg8[%swap3A_834, %swap3A_835], %swap3A_838 {strides = array<i32>} : memref<8x256xf32, #tpu.memory_space<vmem>>, vector<1x16xf32>,
          %get3A_839 = arith.index_cast %select_n3A_788 : i32 to index
          %get3A_840 = arith.constant 80 : index
          %get3A_841 = tpu.vector_load %arg6[%get3A_839, %get3A_840] {strides = array<i32>} : memref<32x256xf32, #tpu.memory_space<vmem>>, vector<1x16xf32>,
          %get3A_842 = vector.shape_cast %get3A_841 : vector<1x16xf32> to vector<16xf32>
          %swap3A_843 = arith.constant 3 : i32
          %swap3A_844 = arith.index_cast %swap3A_843 : i32 to index
          %swap3A_845 = arith.constant 80 : index
          %swap3A_846 = tpu.vector_load %arg8[%swap3A_844, %swap3A_845] {strides = array<i32>} : memref<8x256xf32, #tpu.memory_space<vmem>>, vector<1x16xf32>,
          %swap3A_847 = vector.shape_cast %swap3A_846 : vector<1x16xf32> to vector<16xf32>
          %swap3A_848 = vector.shape_cast %get3A_842 : vector<16xf32> to vector<1x16xf32>
          tpu.vector_store %arg8[%swap3A_844, %swap3A_845], %swap3A_848 {strides = array<i32>} : memref<8x256xf32, #tpu.memory_space<vmem>>, vector<1x16xf32>,
          %get3A_849 = arith.index_cast %select_n3A_788 : i32 to index
          %get3A_850 = arith.constant 96 : index
          %get3A_851 = tpu.vector_load %arg6[%get3A_849, %get3A_850] {strides = array<i32>} : memref<32x256xf32, #tpu.memory_space<vmem>>, vector<1x16xf32>,
          %get3A_852 = vector.shape_cast %get3A_851 : vector<1x16xf32> to vector<16xf32>
          %swap3A_853 = arith.constant 3 : i32
          %swap3A_854 = arith.index_cast %swap3A_853 : i32 to index
          %swap3A_855 = arith.constant 96 : index
          %swap3A_856 = tpu.vector_load %arg8[%swap3A_854, %swap3A_855] {strides = array<i32>} : memref<8x256xf32, #tpu.memory_space<vmem>>, vector<1x16xf32>,
          %swap3A_857 = vector.shape_cast %swap3A_856 : vector<1x16xf32> to vector<16xf32>
          %swap3A_858 = vector.shape_cast %get3A_852 : vector<16xf32> to vector<1x16xf32>
          tpu.vector_store %arg8[%swap3A_854, %swap3A_855], %swap3A_858 {strides = array<i32>} : memref<8x256xf32, #tpu.memory_space<vmem>>, vector<1x16xf32>,
          %get3A_859 = arith.index_cast %select_n3A_788 : i32 to index
          %get3A_860 = arith.constant 112 : index
          %get3A_861 = tpu.vector_load %arg6[%get3A_859, %get3A_860] {strides = array<i32>} : memref<32x256xf32, #tpu.memory_space<vmem>>, vector<1x16xf32>,
          %get3A_862 = vector.shape_cast %get3A_861 : vector<1x16xf32> to vector<16xf32>
          %swap3A_863 = arith.constant 3 : i32
          %swap3A_864 = arith.index_cast %swap3A_863 : i32 to index
          %swap3A_865 = arith.constant 112 : index
          %swap3A_866 = tpu.vector_load %arg8[%swap3A_864, %swap3A_865] {strides = array<i32>} : memref<8x256xf32, #tpu.memory_space<vmem>>, vector<1x16xf32>,
          %swap3A_867 = vector.shape_cast %swap3A_866 : vector<1x16xf32> to vector<16xf32>
          %swap3A_868 = vector.shape_cast %get3A_862 : vector<16xf32> to vector<1x16xf32>
          tpu.vector_store %arg8[%swap3A_864, %swap3A_865], %swap3A_868 {strides = array<i32>} : memref<8x256xf32, #tpu.memory_space<vmem>>, vector<1x16xf32>,
          %get3A_869 = arith.index_cast %select_n3A_788 : i32 to index
          %get3A_870 = arith.constant 128 : index
          %get3A_871 = tpu.vector_load %arg6[%get3A_869, %get3A_870] {strides = array<i32>} : memref<32x256xf32, #tpu.memory_space<vmem>>, vector<1x16xf32>,
          %get3A_872 = vector.shape_cast %get3A_871 : vector<1x16xf32> to vector<16xf32>
          %swap3A_873 = arith.constant 3 : i32
          %swap3A_874 = arith.index_cast %swap3A_873 : i32 to index
          %swap3A_875 = arith.constant 128 : index
          %swap3A_876 = tpu.vector_load %arg8[%swap3A_874, %swap3A_875] {strides = array<i32>} : memref<8x256xf32, #tpu.memory_space<vmem>>, vector<1x16xf32>,
          %swap3A_877 = vector.shape_cast %swap3A_876 : vector<1x16xf32> to vector<16xf32>
          %swap3A_878 = vector.shape_cast %get3A_872 : vector<16xf32> to vector<1x16xf32>
          tpu.vector_store %arg8[%swap3A_874, %swap3A_875], %swap3A_878 {strides = array<i32>} : memref<8x256xf32, #tpu.memory_space<vmem>>, vector<1x16xf32>,
          %get3A_879 = arith.index_cast %select_n3A_788 : i32 to index
          %get3A_880 = arith.constant 144 : index
          %get3A_881 = tpu.vector_load %arg6[%get3A_879, %get3A_880] {strides = array<i32>} : memref<32x256xf32, #tpu.memory_space<vmem>>, vector<1x16xf32>,
          %get3A_882 = vector.shape_cast %get3A_881 : vector<1x16xf32> to vector<16xf32>
          %swap3A_883 = arith.constant 3 : i32
          %swap3A_884 = arith.index_cast %swap3A_883 : i32 to index
          %swap3A_885 = arith.constant 144 : index
          %swap3A_886 = tpu.vector_load %arg8[%swap3A_884, %swap3A_885] {strides = array<i32>} : memref<8x256xf32, #tpu.memory_space<vmem>>, vector<1x16xf32>,
          %swap3A_887 = vector.shape_cast %swap3A_886 : vector<1x16xf32> to vector<16xf32>
          %swap3A_888 = vector.shape_cast %get3A_882 : vector<16xf32> to vector<1x16xf32>
          tpu.vector_store %arg8[%swap3A_884, %swap3A_885], %swap3A_888 {strides = array<i32>} : memref<8x256xf32, #tpu.memory_space<vmem>>, vector<1x16xf32>,
          %get3A_889 = arith.index_cast %select_n3A_788 : i32 to index
          %get3A_890 = arith.constant 160 : index
          %get3A_891 = tpu.vector_load %arg6[%get3A_889, %get3A_890] {strides = array<i32>} : memref<32x256xf32, #tpu.memory_space<vmem>>, vector<1x16xf32>,
          %get3A_892 = vector.shape_cast %get3A_891 : vector<1x16xf32> to vector<16xf32>
          %swap3A_893 = arith.constant 3 : i32
          %swap3A_894 = arith.index_cast %swap3A_893 : i32 to index
          %swap3A_895 = arith.constant 160 : index
          %swap3A_896 = tpu.vector_load %arg8[%swap3A_894, %swap3A_895] {strides = array<i32>} : memref<8x256xf32, #tpu.memory_space<vmem>>, vector<1x16xf32>,
          %swap3A_897 = vector.shape_cast %swap3A_896 : vector<1x16xf32> to vector<16xf32>
          %swap3A_898 = vector.shape_cast %get3A_892 : vector<16xf32> to vector<1x16xf32>
          tpu.vector_store %arg8[%swap3A_894, %swap3A_895], %swap3A_898 {strides = array<i32>} : memref<8x256xf32, #tpu.memory_space<vmem>>, vector<1x16xf32>,
          %get3A_899 = arith.index_cast %select_n3A_788 : i32 to index
          %get3A_900 = arith.constant 176 : index
          %get3A_901 = tpu.vector_load %arg6[%get3A_899, %get3A_900] {strides = array<i32>} : memref<32x256xf32, #tpu.memory_space<vmem>>, vector<1x16xf32>,
          %get3A_902 = vector.shape_cast %get3A_901 : vector<1x16xf32> to vector<16xf32>
          %swap3A_903 = arith.constant 3 : i32
          %swap3A_904 = arith.index_cast %swap3A_903 : i32 to index
          %swap3A_905 = arith.constant 176 : index
          %swap3A_906 = tpu.vector_load %arg8[%swap3A_904, %swap3A_905] {strides = array<i32>} : memref<8x256xf32, #tpu.memory_space<vmem>>, vector<1x16xf32>,
          %swap3A_907 = vector.shape_cast %swap3A_906 : vector<1x16xf32> to vector<16xf32>
          %swap3A_908 = vector.shape_cast %get3A_902 : vector<16xf32> to vector<1x16xf32>
          tpu.vector_store %arg8[%swap3A_904, %swap3A_905], %swap3A_908 {strides = array<i32>} : memref<8x256xf32, #tpu.memory_space<vmem>>, vector<1x16xf32>,
          %get3A_909 = arith.index_cast %select_n3A_788 : i32 to index
          %get3A_910 = arith.constant 192 : index
          %get3A_911 = tpu.vector_load %arg6[%get3A_909, %get3A_910] {strides = array<i32>} : memref<32x256xf32, #tpu.memory_space<vmem>>, vector<1x16xf32>,
          %get3A_912 = vector.shape_cast %get3A_911 : vector<1x16xf32> to vector<16xf32>
          %swap3A_913 = arith.constant 3 : i32
          %swap3A_914 = arith.index_cast %swap3A_913 : i32 to index
          %swap3A_915 = arith.constant 192 : index
          %swap3A_916 = tpu.vector_load %arg8[%swap3A_914, %swap3A_915] {strides = array<i32>} : memref<8x256xf32, #tpu.memory_space<vmem>>, vector<1x16xf32>,
          %swap3A_917 = vector.shape_cast %swap3A_916 : vector<1x16xf32> to vector<16xf32>
          %swap3A_918 = vector.shape_cast %get3A_912 : vector<16xf32> to vector<1x16xf32>
          tpu.vector_store %arg8[%swap3A_914, %swap3A_915], %swap3A_918 {strides = array<i32>} : memref<8x256xf32, #tpu.memory_space<vmem>>, vector<1x16xf32>,
          %get3A_919 = arith.index_cast %select_n3A_788 : i32 to index
          %get3A_920 = arith.constant 208 : index
          %get3A_921 = tpu.vector_load %arg6[%get3A_919, %get3A_920] {strides = array<i32>} : memref<32x256xf32, #tpu.memory_space<vmem>>, vector<1x16xf32>,
          %get3A_922 = vector.shape_cast %get3A_921 : vector<1x16xf32> to vector<16xf32>
          %swap3A_923 = arith.constant 3 : i32
          %swap3A_924 = arith.index_cast %swap3A_923 : i32 to index
          %swap3A_925 = arith.constant 208 : index
          %swap3A_926 = tpu.vector_load %arg8[%swap3A_924, %swap3A_925] {strides = array<i32>} : memref<8x256xf32, #tpu.memory_space<vmem>>, vector<1x16xf32>,
          %swap3A_927 = vector.shape_cast %swap3A_926 : vector<1x16xf32> to vector<16xf32>
          %swap3A_928 = vector.shape_cast %get3A_922 : vector<16xf32> to vector<1x16xf32>
          tpu.vector_store %arg8[%swap3A_924, %swap3A_925], %swap3A_928 {strides = array<i32>} : memref<8x256xf32, #tpu.memory_space<vmem>>, vector<1x16xf32>,
          %get3A_929 = arith.index_cast %select_n3A_788 : i32 to index
          %get3A_930 = arith.constant 224 : index
          %get3A_931 = tpu.vector_load %arg6[%get3A_929, %get3A_930] {strides = array<i32>} : memref<32x256xf32, #tpu.memory_space<vmem>>, vector<1x16xf32>,
          %get3A_932 = vector.shape_cast %get3A_931 : vector<1x16xf32> to vector<16xf32>
          %swap3A_933 = arith.constant 3 : i32
          %swap3A_934 = arith.index_cast %swap3A_933 : i32 to index
          %swap3A_935 = arith.constant 224 : index
          %swap3A_936 = tpu.vector_load %arg8[%swap3A_934, %swap3A_935] {strides = array<i32>} : memref<8x256xf32, #tpu.memory_space<vmem>>, vector<1x16xf32>,
          %swap3A_937 = vector.shape_cast %swap3A_936 : vector<1x16xf32> to vector<16xf32>
          %swap3A_938 = vector.shape_cast %get3A_932 : vector<16xf32> to vector<1x16xf32>
          tpu.vector_store %arg8[%swap3A_934, %swap3A_935], %swap3A_938 {strides = array<i32>} : memref<8x256xf32, #tpu.memory_space<vmem>>, vector<1x16xf32>,
          %get3A_939 = arith.index_cast %select_n3A_788 : i32 to index
          %get3A_940 = arith.constant 240 : index
          %get3A_941 = tpu.vector_load %arg6[%get3A_939, %get3A_940] {strides = array<i32>} : memref<32x256xf32, #tpu.memory_space<vmem>>, vector<1x16xf32>,
          %get3A_942 = vector.shape_cast %get3A_941 : vector<1x16xf32> to vector<16xf32>
          %swap3A_943 = arith.constant 3 : i32
          %swap3A_944 = arith.index_cast %swap3A_943 : i32 to index
          %swap3A_945 = arith.constant 240 : index
          %swap3A_946 = tpu.vector_load %arg8[%swap3A_944, %swap3A_945] {strides = array<i32>} : memref<8x256xf32, #tpu.memory_space<vmem>>, vector<1x16xf32>,
          %swap3A_947 = vector.shape_cast %swap3A_946 : vector<1x16xf32> to vector<16xf32>
          %swap3A_948 = vector.shape_cast %get3A_942 : vector<16xf32> to vector<1x16xf32>
          tpu.vector_store %arg8[%swap3A_944, %swap3A_945], %swap3A_948 {strides = array<i32>} : memref<8x256xf32, #tpu.memory_space<vmem>>, vector<1x16xf32>,
          %slice3A_949 = vector.extract_strided_slice %get3A_286 {offsets = [12], sizes = [1], strides = [1]} : vector<16xi32> to vector<1xi32>
          %squeeze3A_950 = vector.extract %slice3A_949[0] : i32 from vector<1xi32>
          %slice3A_951 = vector.extract_strided_slice %get3A_286 {offsets = [4], sizes = [1], strides = [1]} : vector<16xi32> to vector<1xi32>
          %squeeze3A_952 = vector.extract %slice3A_951[0] : i32 from vector<1xi32>
          %select_n3A_953 = arith.select %eq3A_289, %squeeze3A_950, %squeeze3A_952 : i32
          %get3A_954 = arith.index_cast %select_n3A_953 : i32 to index
          %get3A_955 = arith.constant 0 : index
          %get3A_956 = tpu.vector_load %arg6[%get3A_954, %get3A_955] {strides = array<i32>} : memref<32x256xf32, #tpu.memory_space<vmem>>, vector<1x16xf32>,
          %get3A_957 = vector.shape_cast %get3A_956 : vector<1x16xf32> to vector<16xf32>
          %swap3A_958 = arith.constant 4 : i32
          %swap3A_959 = arith.index_cast %swap3A_958 : i32 to index
          %swap3A_960 = arith.constant 0 : index
          %swap3A_961 = tpu.vector_load %arg8[%swap3A_959, %swap3A_960] {strides = array<i32>} : memref<8x256xf32, #tpu.memory_space<vmem>>, vector<1x16xf32>,
          %swap3A_962 = vector.shape_cast %swap3A_961 : vector<1x16xf32> to vector<16xf32>
          %swap3A_963 = vector.shape_cast %get3A_957 : vector<16xf32> to vector<1x16xf32>
          tpu.vector_store %arg8[%swap3A_959, %swap3A_960], %swap3A_963 {strides = array<i32>} : memref<8x256xf32, #tpu.memory_space<vmem>>, vector<1x16xf32>,
          %get3A_964 = arith.index_cast %select_n3A_953 : i32 to index
          %get3A_965 = arith.constant 16 : index
          %get3A_966 = tpu.vector_load %arg6[%get3A_964, %get3A_965] {strides = array<i32>} : memref<32x256xf32, #tpu.memory_space<vmem>>, vector<1x16xf32>,
          %get3A_967 = vector.shape_cast %get3A_966 : vector<1x16xf32> to vector<16xf32>
          %swap3A_968 = arith.constant 4 : i32
          %swap3A_969 = arith.index_cast %swap3A_968 : i32 to index
          %swap3A_970 = arith.constant 16 : index
          %swap3A_971 = tpu.vector_load %arg8[%swap3A_969, %swap3A_970] {strides = array<i32>} : memref<8x256xf32, #tpu.memory_space<vmem>>, vector<1x16xf32>,
          %swap3A_972 = vector.shape_cast %swap3A_971 : vector<1x16xf32> to vector<16xf32>
          %swap3A_973 = vector.shape_cast %get3A_967 : vector<16xf32> to vector<1x16xf32>
          tpu.vector_store %arg8[%swap3A_969, %swap3A_970], %swap3A_973 {strides = array<i32>} : memref<8x256xf32, #tpu.memory_space<vmem>>, vector<1x16xf32>,
          %get3A_974 = arith.index_cast %select_n3A_953 : i32 to index
          %get3A_975 = arith.constant 32 : index
          %get3A_976 = tpu.vector_load %arg6[%get3A_974, %get3A_975] {strides = array<i32>} : memref<32x256xf32, #tpu.memory_space<vmem>>, vector<1x16xf32>,
          %get3A_977 = vector.shape_cast %get3A_976 : vector<1x16xf32> to vector<16xf32>
          %swap3A_978 = arith.constant 4 : i32
          %swap3A_979 = arith.index_cast %swap3A_978 : i32 to index
          %swap3A_980 = arith.constant 32 : index
          %swap3A_981 = tpu.vector_load %arg8[%swap3A_979, %swap3A_980] {strides = array<i32>} : memref<8x256xf32, #tpu.memory_space<vmem>>, vector<1x16xf32>,
          %swap3A_982 = vector.shape_cast %swap3A_981 : vector<1x16xf32> to vector<16xf32>
          %swap3A_983 = vector.shape_cast %get3A_977 : vector<16xf32> to vector<1x16xf32>
          tpu.vector_store %arg8[%swap3A_979, %swap3A_980], %swap3A_983 {strides = array<i32>} : memref<8x256xf32, #tpu.memory_space<vmem>>, vector<1x16xf32>,
          %get3A_984 = arith.index_cast %select_n3A_953 : i32 to index
          %get3A_985 = arith.constant 48 : index
          %get3A_986 = tpu.vector_load %arg6[%get3A_984, %get3A_985] {strides = array<i32>} : memref<32x256xf32, #tpu.memory_space<vmem>>, vector<1x16xf32>,
          %get3A_987 = vector.shape_cast %get3A_986 : vector<1x16xf32> to vector<16xf32>
          %swap3A_988 = arith.constant 4 : i32
          %swap3A_989 = arith.index_cast %swap3A_988 : i32 to index
          %swap3A_990 = arith.constant 48 : index
          %swap3A_991 = tpu.vector_load %arg8[%swap3A_989, %swap3A_990] {strides = array<i32>} : memref<8x256xf32, #tpu.memory_space<vmem>>, vector<1x16xf32>,
          %swap3A_992 = vector.shape_cast %swap3A_991 : vector<1x16xf32> to vector<16xf32>
          %swap3A_993 = vector.shape_cast %get3A_987 : vector<16xf32> to vector<1x16xf32>
          tpu.vector_store %arg8[%swap3A_989, %swap3A_990], %swap3A_993 {strides = array<i32>} : memref<8x256xf32, #tpu.memory_space<vmem>>, vector<1x16xf32>,
          %get3A_994 = arith.index_cast %select_n3A_953 : i32 to index
          %get3A_995 = arith.constant 64 : index
          %get3A_996 = tpu.vector_load %arg6[%get3A_994, %get3A_995] {strides = array<i32>} : memref<32x256xf32, #tpu.memory_space<vmem>>, vector<1x16xf32>,
          %get3A_997 = vector.shape_cast %get3A_996 : vector<1x16xf32> to vector<16xf32>
          %swap3A_998 = arith.constant 4 : i32
          %swap3A_999 = arith.index_cast %swap3A_998 : i32 to index
          %swap3A_1000 = arith.constant 64 : index
          %swap3A_1001 = tpu.vector_load %arg8[%swap3A_999, %swap3A_1000] {strides = array<i32>} : memref<8x256xf32, #tpu.memory_space<vmem>>, vector<1x16xf32>,
          %swap3A_1002 = vector.shape_cast %swap3A_1001 : vector<1x16xf32> to vector<16xf32>
          %swap3A_1003 = vector.shape_cast %get3A_997 : vector<16xf32> to vector<1x16xf32>
          tpu.vector_store %arg8[%swap3A_999, %swap3A_1000], %swap3A_1003 {strides = array<i32>} : memref<8x256xf32, #tpu.memory_space<vmem>>, vector<1x16xf32>,
          %get3A_1004 = arith.index_cast %select_n3A_953 : i32 to index
          %get3A_1005 = arith.constant 80 : index
          %get3A_1006 = tpu.vector_load %arg6[%get3A_1004, %get3A_1005] {strides = array<i32>} : memref<32x256xf32, #tpu.memory_space<vmem>>, vector<1x16xf32>,
          %get3A_1007 = vector.shape_cast %get3A_1006 : vector<1x16xf32> to vector<16xf32>
          %swap3A_1008 = arith.constant 4 : i32
          %swap3A_1009 = arith.index_cast %swap3A_1008 : i32 to index
          %swap3A_1010 = arith.constant 80 : index
          %swap3A_1011 = tpu.vector_load %arg8[%swap3A_1009, %swap3A_1010] {strides = array<i32>} : memref<8x256xf32, #tpu.memory_space<vmem>>, vector<1x16xf32>,
          %swap3A_1012 = vector.shape_cast %swap3A_1011 : vector<1x16xf32> to vector<16xf32>
          %swap3A_1013 = vector.shape_cast %get3A_1007 : vector<16xf32> to vector<1x16xf32>
          tpu.vector_store %arg8[%swap3A_1009, %swap3A_1010], %swap3A_1013 {strides = array<i32>} : memref<8x256xf32, #tpu.memory_space<vmem>>, vector<1x16xf32>,
          %get3A_1014 = arith.index_cast %select_n3A_953 : i32 to index
          %get3A_1015 = arith.constant 96 : index
          %get3A_1016 = tpu.vector_load %arg6[%get3A_1014, %get3A_1015] {strides = array<i32>} : memref<32x256xf32, #tpu.memory_space<vmem>>, vector<1x16xf32>,
          %get3A_1017 = vector.shape_cast %get3A_1016 : vector<1x16xf32> to vector<16xf32>
          %swap3A_1018 = arith.constant 4 : i32
          %swap3A_1019 = arith.index_cast %swap3A_1018 : i32 to index
          %swap3A_1020 = arith.constant 96 : index
          %swap3A_1021 = tpu.vector_load %arg8[%swap3A_1019, %swap3A_1020] {strides = array<i32>} : memref<8x256xf32, #tpu.memory_space<vmem>>, vector<1x16xf32>,
          %swap3A_1022 = vector.shape_cast %swap3A_1021 : vector<1x16xf32> to vector<16xf32>
          %swap3A_1023 = vector.shape_cast %get3A_1017 : vector<16xf32> to vector<1x16xf32>
          tpu.vector_store %arg8[%swap3A_1019, %swap3A_1020], %swap3A_1023 {strides = array<i32>} : memref<8x256xf32, #tpu.memory_space<vmem>>, vector<1x16xf32>,
          %get3A_1024 = arith.index_cast %select_n3A_953 : i32 to index
          %get3A_1025 = arith.constant 112 : index
          %get3A_1026 = tpu.vector_load %arg6[%get3A_1024, %get3A_1025] {strides = array<i32>} : memref<32x256xf32, #tpu.memory_space<vmem>>, vector<1x16xf32>,
          %get3A_1027 = vector.shape_cast %get3A_1026 : vector<1x16xf32> to vector<16xf32>
          %swap3A_1028 = arith.constant 4 : i32
          %swap3A_1029 = arith.index_cast %swap3A_1028 : i32 to index
          %swap3A_1030 = arith.constant 112 : index
          %swap3A_1031 = tpu.vector_load %arg8[%swap3A_1029, %swap3A_1030] {strides = array<i32>} : memref<8x256xf32, #tpu.memory_space<vmem>>, vector<1x16xf32>,
          %swap3A_1032 = vector.shape_cast %swap3A_1031 : vector<1x16xf32> to vector<16xf32>
          %swap3A_1033 = vector.shape_cast %get3A_1027 : vector<16xf32> to vector<1x16xf32>
          tpu.vector_store %arg8[%swap3A_1029, %swap3A_1030], %swap3A_1033 {strides = array<i32>} : memref<8x256xf32, #tpu.memory_space<vmem>>, vector<1x16xf32>,
          %get3A_1034 = arith.index_cast %select_n3A_953 : i32 to index
          %get3A_1035 = arith.constant 128 : index
          %get3A_1036 = tpu.vector_load %arg6[%get3A_1034, %get3A_1035] {strides = array<i32>} : memref<32x256xf32, #tpu.memory_space<vmem>>, vector<1x16xf32>,
          %get3A_1037 = vector.shape_cast %get3A_1036 : vector<1x16xf32> to vector<16xf32>
          %swap3A_1038 = arith.constant 4 : i32
          %swap3A_1039 = arith.index_cast %swap3A_1038 : i32 to index
          %swap3A_1040 = arith.constant 128 : index
          %swap3A_1041 = tpu.vector_load %arg8[%swap3A_1039, %swap3A_1040] {strides = array<i32>} : memref<8x256xf32, #tpu.memory_space<vmem>>, vector<1x16xf32>,
          %swap3A_1042 = vector.shape_cast %swap3A_1041 : vector<1x16xf32> to vector<16xf32>
          %swap3A_1043 = vector.shape_cast %get3A_1037 : vector<16xf32> to vector<1x16xf32>
          tpu.vector_store %arg8[%swap3A_1039, %swap3A_1040], %swap3A_1043 {strides = array<i32>} : memref<8x256xf32, #tpu.memory_space<vmem>>, vector<1x16xf32>,
          %get3A_1044 = arith.index_cast %select_n3A_953 : i32 to index
          %get3A_1045 = arith.constant 144 : index
          %get3A_1046 = tpu.vector_load %arg6[%get3A_1044, %get3A_1045] {strides = array<i32>} : memref<32x256xf32, #tpu.memory_space<vmem>>, vector<1x16xf32>,
          %get3A_1047 = vector.shape_cast %get3A_1046 : vector<1x16xf32> to vector<16xf32>
          %swap3A_1048 = arith.constant 4 : i32
          %swap3A_1049 = arith.index_cast %swap3A_1048 : i32 to index
          %swap3A_1050 = arith.constant 144 : index
          %swap3A_1051 = tpu.vector_load %arg8[%swap3A_1049, %swap3A_1050] {strides = array<i32>} : memref<8x256xf32, #tpu.memory_space<vmem>>, vector<1x16xf32>,
          %swap3A_1052 = vector.shape_cast %swap3A_1051 : vector<1x16xf32> to vector<16xf32>
          %swap3A_1053 = vector.shape_cast %get3A_1047 : vector<16xf32> to vector<1x16xf32>
          tpu.vector_store %arg8[%swap3A_1049, %swap3A_1050], %swap3A_1053 {strides = array<i32>} : memref<8x256xf32, #tpu.memory_space<vmem>>, vector<1x16xf32>,
          %get3A_1054 = arith.index_cast %select_n3A_953 : i32 to index
          %get3A_1055 = arith.constant 160 : index
          %get3A_1056 = tpu.vector_load %arg6[%get3A_1054, %get3A_1055] {strides = array<i32>} : memref<32x256xf32, #tpu.memory_space<vmem>>, vector<1x16xf32>,
          %get3A_1057 = vector.shape_cast %get3A_1056 : vector<1x16xf32> to vector<16xf32>
          %swap3A_1058 = arith.constant 4 : i32
          %swap3A_1059 = arith.index_cast %swap3A_1058 : i32 to index
          %swap3A_1060 = arith.constant 160 : index
          %swap3A_1061 = tpu.vector_load %arg8[%swap3A_1059, %swap3A_1060] {strides = array<i32>} : memref<8x256xf32, #tpu.memory_space<vmem>>, vector<1x16xf32>,
          %swap3A_1062 = vector.shape_cast %swap3A_1061 : vector<1x16xf32> to vector<16xf32>
          %swap3A_1063 = vector.shape_cast %get3A_1057 : vector<16xf32> to vector<1x16xf32>
          tpu.vector_store %arg8[%swap3A_1059, %swap3A_1060], %swap3A_1063 {strides = array<i32>} : memref<8x256xf32, #tpu.memory_space<vmem>>, vector<1x16xf32>,
          %get3A_1064 = arith.index_cast %select_n3A_953 : i32 to index
          %get3A_1065 = arith.constant 176 : index
          %get3A_1066 = tpu.vector_load %arg6[%get3A_1064, %get3A_1065] {strides = array<i32>} : memref<32x256xf32, #tpu.memory_space<vmem>>, vector<1x16xf32>,
          %get3A_1067 = vector.shape_cast %get3A_1066 : vector<1x16xf32> to vector<16xf32>
          %swap3A_1068 = arith.constant 4 : i32
          %swap3A_1069 = arith.index_cast %swap3A_1068 : i32 to index
          %swap3A_1070 = arith.constant 176 : index
          %swap3A_1071 = tpu.vector_load %arg8[%swap3A_1069, %swap3A_1070] {strides = array<i32>} : memref<8x256xf32, #tpu.memory_space<vmem>>, vector<1x16xf32>,
          %swap3A_1072 = vector.shape_cast %swap3A_1071 : vector<1x16xf32> to vector<16xf32>
          %swap3A_1073 = vector.shape_cast %get3A_1067 : vector<16xf32> to vector<1x16xf32>
          tpu.vector_store %arg8[%swap3A_1069, %swap3A_1070], %swap3A_1073 {strides = array<i32>} : memref<8x256xf32, #tpu.memory_space<vmem>>, vector<1x16xf32>,
          %get3A_1074 = arith.index_cast %select_n3A_953 : i32 to index
          %get3A_1075 = arith.constant 192 : index
          %get3A_1076 = tpu.vector_load %arg6[%get3A_1074, %get3A_1075] {strides = array<i32>} : memref<32x256xf32, #tpu.memory_space<vmem>>, vector<1x16xf32>,
          %get3A_1077 = vector.shape_cast %get3A_1076 : vector<1x16xf32> to vector<16xf32>
          %swap3A_1078 = arith.constant 4 : i32
          %swap3A_1079 = arith.index_cast %swap3A_1078 : i32 to index
          %swap3A_1080 = arith.constant 192 : index
          %swap3A_1081 = tpu.vector_load %arg8[%swap3A_1079, %swap3A_1080] {strides = array<i32>} : memref<8x256xf32, #tpu.memory_space<vmem>>, vector<1x16xf32>,
          %swap3A_1082 = vector.shape_cast %swap3A_1081 : vector<1x16xf32> to vector<16xf32>
          %swap3A_1083 = vector.shape_cast %get3A_1077 : vector<16xf32> to vector<1x16xf32>
          tpu.vector_store %arg8[%swap3A_1079, %swap3A_1080], %swap3A_1083 {strides = array<i32>} : memref<8x256xf32, #tpu.memory_space<vmem>>, vector<1x16xf32>,
          %get3A_1084 = arith.index_cast %select_n3A_953 : i32 to index
          %get3A_1085 = arith.constant 208 : index
          %get3A_1086 = tpu.vector_load %arg6[%get3A_1084, %get3A_1085] {strides = array<i32>} : memref<32x256xf32, #tpu.memory_space<vmem>>, vector<1x16xf32>,
          %get3A_1087 = vector.shape_cast %get3A_1086 : vector<1x16xf32> to vector<16xf32>
          %swap3A_1088 = arith.constant 4 : i32
          %swap3A_1089 = arith.index_cast %swap3A_1088 : i32 to index
          %swap3A_1090 = arith.constant 208 : index
          %swap3A_1091 = tpu.vector_load %arg8[%swap3A_1089, %swap3A_1090] {strides = array<i32>} : memref<8x256xf32, #tpu.memory_space<vmem>>, vector<1x16xf32>,
          %swap3A_1092 = vector.shape_cast %swap3A_1091 : vector<1x16xf32> to vector<16xf32>
          %swap3A_1093 = vector.shape_cast %get3A_1087 : vector<16xf32> to vector<1x16xf32>
          tpu.vector_store %arg8[%swap3A_1089, %swap3A_1090], %swap3A_1093 {strides = array<i32>} : memref<8x256xf32, #tpu.memory_space<vmem>>, vector<1x16xf32>,
          %get3A_1094 = arith.index_cast %select_n3A_953 : i32 to index
          %get3A_1095 = arith.constant 224 : index
          %get3A_1096 = tpu.vector_load %arg6[%get3A_1094, %get3A_1095] {strides = array<i32>} : memref<32x256xf32, #tpu.memory_space<vmem>>, vector<1x16xf32>,
          %get3A_1097 = vector.shape_cast %get3A_1096 : vector<1x16xf32> to vector<16xf32>
          %swap3A_1098 = arith.constant 4 : i32
          %swap3A_1099 = arith.index_cast %swap3A_1098 : i32 to index
          %swap3A_1100 = arith.constant 224 : index
          %swap3A_1101 = tpu.vector_load %arg8[%swap3A_1099, %swap3A_1100] {strides = array<i32>} : memref<8x256xf32, #tpu.memory_space<vmem>>, vector<1x16xf32>,
          %swap3A_1102 = vector.shape_cast %swap3A_1101 : vector<1x16xf32> to vector<16xf32>
          %swap3A_1103 = vector.shape_cast %get3A_1097 : vector<16xf32> to vector<1x16xf32>
          tpu.vector_store %arg8[%swap3A_1099, %swap3A_1100], %swap3A_1103 {strides = array<i32>} : memref<8x256xf32, #tpu.memory_space<vmem>>, vector<1x16xf32>,
          %get3A_1104 = arith.index_cast %select_n3A_953 : i32 to index
          %get3A_1105 = arith.constant 240 : index
          %get3A_1106 = tpu.vector_load %arg6[%get3A_1104, %get3A_1105] {strides = array<i32>} : memref<32x256xf32, #tpu.memory_space<vmem>>, vector<1x16xf32>,
          %get3A_1107 = vector.shape_cast %get3A_1106 : vector<1x16xf32> to vector<16xf32>
          %swap3A_1108 = arith.constant 4 : i32
          %swap3A_1109 = arith.index_cast %swap3A_1108 : i32 to index
          %swap3A_1110 = arith.constant 240 : index
          %swap3A_1111 = tpu.vector_load %arg8[%swap3A_1109, %swap3A_1110] {strides = array<i32>} : memref<8x256xf32, #tpu.memory_space<vmem>>, vector<1x16xf32>,
          %swap3A_1112 = vector.shape_cast %swap3A_1111 : vector<1x16xf32> to vector<16xf32>
          %swap3A_1113 = vector.shape_cast %get3A_1107 : vector<16xf32> to vector<1x16xf32>
          tpu.vector_store %arg8[%swap3A_1109, %swap3A_1110], %swap3A_1113 {strides = array<i32>} : memref<8x256xf32, #tpu.memory_space<vmem>>, vector<1x16xf32>,
          %slice3A_1114 = vector.extract_strided_slice %get3A_286 {offsets = [13], sizes = [1], strides = [1]} : vector<16xi32> to vector<1xi32>
          %squeeze3A_1115 = vector.extract %slice3A_1114[0] : i32 from vector<1xi32>
          %slice3A_1116 = vector.extract_strided_slice %get3A_286 {offsets = [5], sizes = [1], strides = [1]} : vector<16xi32> to vector<1xi32>
          %squeeze3A_1117 = vector.extract %slice3A_1116[0] : i32 from vector<1xi32>
          %select_n3A_1118 = arith.select %eq3A_289, %squeeze3A_1115, %squeeze3A_1117 : i32
          %get3A_1119 = arith.index_cast %select_n3A_1118 : i32 to index
          %get3A_1120 = arith.constant 0 : index
          %get3A_1121 = tpu.vector_load %arg6[%get3A_1119, %get3A_1120] {strides = array<i32>} : memref<32x256xf32, #tpu.memory_space<vmem>>, vector<1x16xf32>,
          %get3A_1122 = vector.shape_cast %get3A_1121 : vector<1x16xf32> to vector<16xf32>
          %swap3A_1123 = arith.constant 5 : i32
          %swap3A_1124 = arith.index_cast %swap3A_1123 : i32 to index
          %swap3A_1125 = arith.constant 0 : index
          %swap3A_1126 = tpu.vector_load %arg8[%swap3A_1124, %swap3A_1125] {strides = array<i32>} : memref<8x256xf32, #tpu.memory_space<vmem>>, vector<1x16xf32>,
          %swap3A_1127 = vector.shape_cast %swap3A_1126 : vector<1x16xf32> to vector<16xf32>
          %swap3A_1128 = vector.shape_cast %get3A_1122 : vector<16xf32> to vector<1x16xf32>
          tpu.vector_store %arg8[%swap3A_1124, %swap3A_1125], %swap3A_1128 {strides = array<i32>} : memref<8x256xf32, #tpu.memory_space<vmem>>, vector<1x16xf32>,
          %get3A_1129 = arith.index_cast %select_n3A_1118 : i32 to index
          %get3A_1130 = arith.constant 16 : index
          %get3A_1131 = tpu.vector_load %arg6[%get3A_1129, %get3A_1130] {strides = array<i32>} : memref<32x256xf32, #tpu.memory_space<vmem>>, vector<1x16xf32>,
          %get3A_1132 = vector.shape_cast %get3A_1131 : vector<1x16xf32> to vector<16xf32>
          %swap3A_1133 = arith.constant 5 : i32
          %swap3A_1134 = arith.index_cast %swap3A_1133 : i32 to index
          %swap3A_1135 = arith.constant 16 : index
          %swap3A_1136 = tpu.vector_load %arg8[%swap3A_1134, %swap3A_1135] {strides = array<i32>} : memref<8x256xf32, #tpu.memory_space<vmem>>, vector<1x16xf32>,
          %swap3A_1137 = vector.shape_cast %swap3A_1136 : vector<1x16xf32> to vector<16xf32>
          %swap3A_1138 = vector.shape_cast %get3A_1132 : vector<16xf32> to vector<1x16xf32>
          tpu.vector_store %arg8[%swap3A_1134, %swap3A_1135], %swap3A_1138 {strides = array<i32>} : memref<8x256xf32, #tpu.memory_space<vmem>>, vector<1x16xf32>,
          %get3A_1139 = arith.index_cast %select_n3A_1118 : i32 to index
          %get3A_1140 = arith.constant 32 : index
          %get3A_1141 = tpu.vector_load %arg6[%get3A_1139, %get3A_1140] {strides = array<i32>} : memref<32x256xf32, #tpu.memory_space<vmem>>, vector<1x16xf32>,
          %get3A_1142 = vector.shape_cast %get3A_1141 : vector<1x16xf32> to vector<16xf32>
          %swap3A_1143 = arith.constant 5 : i32
          %swap3A_1144 = arith.index_cast %swap3A_1143 : i32 to index
          %swap3A_1145 = arith.constant 32 : index
          %swap3A_1146 = tpu.vector_load %arg8[%swap3A_1144, %swap3A_1145] {strides = array<i32>} : memref<8x256xf32, #tpu.memory_space<vmem>>, vector<1x16xf32>,
          %swap3A_1147 = vector.shape_cast %swap3A_1146 : vector<1x16xf32> to vector<16xf32>
          %swap3A_1148 = vector.shape_cast %get3A_1142 : vector<16xf32> to vector<1x16xf32>
          tpu.vector_store %arg8[%swap3A_1144, %swap3A_1145], %swap3A_1148 {strides = array<i32>} : memref<8x256xf32, #tpu.memory_space<vmem>>, vector<1x16xf32>,
          %get3A_1149 = arith.index_cast %select_n3A_1118 : i32 to index
          %get3A_1150 = arith.constant 48 : index
          %get3A_1151 = tpu.vector_load %arg6[%get3A_1149, %get3A_1150] {strides = array<i32>} : memref<32x256xf32, #tpu.memory_space<vmem>>, vector<1x16xf32>,
          %get3A_1152 = vector.shape_cast %get3A_1151 : vector<1x16xf32> to vector<16xf32>
          %swap3A_1153 = arith.constant 5 : i32
          %swap3A_1154 = arith.index_cast %swap3A_1153 : i32 to index
          %swap3A_1155 = arith.constant 48 : index
          %swap3A_1156 = tpu.vector_load %arg8[%swap3A_1154, %swap3A_1155] {strides = array<i32>} : memref<8x256xf32, #tpu.memory_space<vmem>>, vector<1x16xf32>,
          %swap3A_1157 = vector.shape_cast %swap3A_1156 : vector<1x16xf32> to vector<16xf32>
          %swap3A_1158 = vector.shape_cast %get3A_1152 : vector<16xf32> to vector<1x16xf32>
          tpu.vector_store %arg8[%swap3A_1154, %swap3A_1155], %swap3A_1158 {strides = array<i32>} : memref<8x256xf32, #tpu.memory_space<vmem>>, vector<1x16xf32>,
          %get3A_1159 = arith.index_cast %select_n3A_1118 : i32 to index
          %get3A_1160 = arith.constant 64 : index
          %get3A_1161 = tpu.vector_load %arg6[%get3A_1159, %get3A_1160] {strides = array<i32>} : memref<32x256xf32, #tpu.memory_space<vmem>>, vector<1x16xf32>,
          %get3A_1162 = vector.shape_cast %get3A_1161 : vector<1x16xf32> to vector<16xf32>
          %swap3A_1163 = arith.constant 5 : i32
          %swap3A_1164 = arith.index_cast %swap3A_1163 : i32 to index
          %swap3A_1165 = arith.constant 64 : index
          %swap3A_1166 = tpu.vector_load %arg8[%swap3A_1164, %swap3A_1165] {strides = array<i32>} : memref<8x256xf32, #tpu.memory_space<vmem>>, vector<1x16xf32>,
          %swap3A_1167 = vector.shape_cast %swap3A_1166 : vector<1x16xf32> to vector<16xf32>
          %swap3A_1168 = vector.shape_cast %get3A_1162 : vector<16xf32> to vector<1x16xf32>
          tpu.vector_store %arg8[%swap3A_1164, %swap3A_1165], %swap3A_1168 {strides = array<i32>} : memref<8x256xf32, #tpu.memory_space<vmem>>, vector<1x16xf32>,
          %get3A_1169 = arith.index_cast %select_n3A_1118 : i32 to index
          %get3A_1170 = arith.constant 80 : index
          %get3A_1171 = tpu.vector_load %arg6[%get3A_1169, %get3A_1170] {strides = array<i32>} : memref<32x256xf32, #tpu.memory_space<vmem>>, vector<1x16xf32>,
          %get3A_1172 = vector.shape_cast %get3A_1171 : vector<1x16xf32> to vector<16xf32>
          %swap3A_1173 = arith.constant 5 : i32
          %swap3A_1174 = arith.index_cast %swap3A_1173 : i32 to index
          %swap3A_1175 = arith.constant 80 : index
          %swap3A_1176 = tpu.vector_load %arg8[%swap3A_1174, %swap3A_1175] {strides = array<i32>} : memref<8x256xf32, #tpu.memory_space<vmem>>, vector<1x16xf32>,
          %swap3A_1177 = vector.shape_cast %swap3A_1176 : vector<1x16xf32> to vector<16xf32>
          %swap3A_1178 = vector.shape_cast %get3A_1172 : vector<16xf32> to vector<1x16xf32>
          tpu.vector_store %arg8[%swap3A_1174, %swap3A_1175], %swap3A_1178 {strides = array<i32>} : memref<8x256xf32, #tpu.memory_space<vmem>>, vector<1x16xf32>,
          %get3A_1179 = arith.index_cast %select_n3A_1118 : i32 to index
          %get3A_1180 = arith.constant 96 : index
          %get3A_1181 = tpu.vector_load %arg6[%get3A_1179, %get3A_1180] {strides = array<i32>} : memref<32x256xf32, #tpu.memory_space<vmem>>, vector<1x16xf32>,
          %get3A_1182 = vector.shape_cast %get3A_1181 : vector<1x16xf32> to vector<16xf32>
          %swap3A_1183 = arith.constant 5 : i32
          %swap3A_1184 = arith.index_cast %swap3A_1183 : i32 to index
          %swap3A_1185 = arith.constant 96 : index
          %swap3A_1186 = tpu.vector_load %arg8[%swap3A_1184, %swap3A_1185] {strides = array<i32>} : memref<8x256xf32, #tpu.memory_space<vmem>>, vector<1x16xf32>,
          %swap3A_1187 = vector.shape_cast %swap3A_1186 : vector<1x16xf32> to vector<16xf32>
          %swap3A_1188 = vector.shape_cast %get3A_1182 : vector<16xf32> to vector<1x16xf32>
          tpu.vector_store %arg8[%swap3A_1184, %swap3A_1185], %swap3A_1188 {strides = array<i32>} : memref<8x256xf32, #tpu.memory_space<vmem>>, vector<1x16xf32>,
          %get3A_1189 = arith.index_cast %select_n3A_1118 : i32 to index
          %get3A_1190 = arith.constant 112 : index
          %get3A_1191 = tpu.vector_load %arg6[%get3A_1189, %get3A_1190] {strides = array<i32>} : memref<32x256xf32, #tpu.memory_space<vmem>>, vector<1x16xf32>,
          %get3A_1192 = vector.shape_cast %get3A_1191 : vector<1x16xf32> to vector<16xf32>
          %swap3A_1193 = arith.constant 5 : i32
          %swap3A_1194 = arith.index_cast %swap3A_1193 : i32 to index
          %swap3A_1195 = arith.constant 112 : index
          %swap3A_1196 = tpu.vector_load %arg8[%swap3A_1194, %swap3A_1195] {strides = array<i32>} : memref<8x256xf32, #tpu.memory_space<vmem>>, vector<1x16xf32>,
          %swap3A_1197 = vector.shape_cast %swap3A_1196 : vector<1x16xf32> to vector<16xf32>
          %swap3A_1198 = vector.shape_cast %get3A_1192 : vector<16xf32> to vector<1x16xf32>
          tpu.vector_store %arg8[%swap3A_1194, %swap3A_1195], %swap3A_1198 {strides = array<i32>} : memref<8x256xf32, #tpu.memory_space<vmem>>, vector<1x16xf32>,
          %get3A_1199 = arith.index_cast %select_n3A_1118 : i32 to index
          %get3A_1200 = arith.constant 128 : index
          %get3A_1201 = tpu.vector_load %arg6[%get3A_1199, %get3A_1200] {strides = array<i32>} : memref<32x256xf32, #tpu.memory_space<vmem>>, vector<1x16xf32>,
          %get3A_1202 = vector.shape_cast %get3A_1201 : vector<1x16xf32> to vector<16xf32>
          %swap3A_1203 = arith.constant 5 : i32
          %swap3A_1204 = arith.index_cast %swap3A_1203 : i32 to index
          %swap3A_1205 = arith.constant 128 : index
          %swap3A_1206 = tpu.vector_load %arg8[%swap3A_1204, %swap3A_1205] {strides = array<i32>} : memref<8x256xf32, #tpu.memory_space<vmem>>, vector<1x16xf32>,
          %swap3A_1207 = vector.shape_cast %swap3A_1206 : vector<1x16xf32> to vector<16xf32>
          %swap3A_1208 = vector.shape_cast %get3A_1202 : vector<16xf32> to vector<1x16xf32>
          tpu.vector_store %arg8[%swap3A_1204, %swap3A_1205], %swap3A_1208 {strides = array<i32>} : memref<8x256xf32, #tpu.memory_space<vmem>>, vector<1x16xf32>,
          %get3A_1209 = arith.index_cast %select_n3A_1118 : i32 to index
          %get3A_1210 = arith.constant 144 : index
          %get3A_1211 = tpu.vector_load %arg6[%get3A_1209, %get3A_1210] {strides = array<i32>} : memref<32x256xf32, #tpu.memory_space<vmem>>, vector<1x16xf32>,
          %get3A_1212 = vector.shape_cast %get3A_1211 : vector<1x16xf32> to vector<16xf32>
          %swap3A_1213 = arith.constant 5 : i32
          %swap3A_1214 = arith.index_cast %swap3A_1213 : i32 to index
          %swap3A_1215 = arith.constant 144 : index
          %swap3A_1216 = tpu.vector_load %arg8[%swap3A_1214, %swap3A_1215] {strides = array<i32>} : memref<8x256xf32, #tpu.memory_space<vmem>>, vector<1x16xf32>,
          %swap3A_1217 = vector.shape_cast %swap3A_1216 : vector<1x16xf32> to vector<16xf32>
          %swap3A_1218 = vector.shape_cast %get3A_1212 : vector<16xf32> to vector<1x16xf32>
          tpu.vector_store %arg8[%swap3A_1214, %swap3A_1215], %swap3A_1218 {strides = array<i32>} : memref<8x256xf32, #tpu.memory_space<vmem>>, vector<1x16xf32>,
          %get3A_1219 = arith.index_cast %select_n3A_1118 : i32 to index
          %get3A_1220 = arith.constant 160 : index
          %get3A_1221 = tpu.vector_load %arg6[%get3A_1219, %get3A_1220] {strides = array<i32>} : memref<32x256xf32, #tpu.memory_space<vmem>>, vector<1x16xf32>,
          %get3A_1222 = vector.shape_cast %get3A_1221 : vector<1x16xf32> to vector<16xf32>
          %swap3A_1223 = arith.constant 5 : i32
          %swap3A_1224 = arith.index_cast %swap3A_1223 : i32 to index
          %swap3A_1225 = arith.constant 160 : index
          %swap3A_1226 = tpu.vector_load %arg8[%swap3A_1224, %swap3A_1225] {strides = array<i32>} : memref<8x256xf32, #tpu.memory_space<vmem>>, vector<1x16xf32>,
          %swap3A_1227 = vector.shape_cast %swap3A_1226 : vector<1x16xf32> to vector<16xf32>
          %swap3A_1228 = vector.shape_cast %get3A_1222 : vector<16xf32> to vector<1x16xf32>
          tpu.vector_store %arg8[%swap3A_1224, %swap3A_1225], %swap3A_1228 {strides = array<i32>} : memref<8x256xf32, #tpu.memory_space<vmem>>, vector<1x16xf32>,
          %get3A_1229 = arith.index_cast %select_n3A_1118 : i32 to index
          %get3A_1230 = arith.constant 176 : index
          %get3A_1231 = tpu.vector_load %arg6[%get3A_1229, %get3A_1230] {strides = array<i32>} : memref<32x256xf32, #tpu.memory_space<vmem>>, vector<1x16xf32>,
          %get3A_1232 = vector.shape_cast %get3A_1231 : vector<1x16xf32> to vector<16xf32>
          %swap3A_1233 = arith.constant 5 : i32
          %swap3A_1234 = arith.index_cast %swap3A_1233 : i32 to index
          %swap3A_1235 = arith.constant 176 : index
          %swap3A_1236 = tpu.vector_load %arg8[%swap3A_1234, %swap3A_1235] {strides = array<i32>} : memref<8x256xf32, #tpu.memory_space<vmem>>, vector<1x16xf32>,
          %swap3A_1237 = vector.shape_cast %swap3A_1236 : vector<1x16xf32> to vector<16xf32>
          %swap3A_1238 = vector.shape_cast %get3A_1232 : vector<16xf32> to vector<1x16xf32>
          tpu.vector_store %arg8[%swap3A_1234, %swap3A_1235], %swap3A_1238 {strides = array<i32>} : memref<8x256xf32, #tpu.memory_space<vmem>>, vector<1x16xf32>,
          %get3A_1239 = arith.index_cast %select_n3A_1118 : i32 to index
          %get3A_1240 = arith.constant 192 : index
          %get3A_1241 = tpu.vector_load %arg6[%get3A_1239, %get3A_1240] {strides = array<i32>} : memref<32x256xf32, #tpu.memory_space<vmem>>, vector<1x16xf32>,
          %get3A_1242 = vector.shape_cast %get3A_1241 : vector<1x16xf32> to vector<16xf32>
          %swap3A_1243 = arith.constant 5 : i32
          %swap3A_1244 = arith.index_cast %swap3A_1243 : i32 to index
          %swap3A_1245 = arith.constant 192 : index
          %swap3A_1246 = tpu.vector_load %arg8[%swap3A_1244, %swap3A_1245] {strides = array<i32>} : memref<8x256xf32, #tpu.memory_space<vmem>>, vector<1x16xf32>,
          %swap3A_1247 = vector.shape_cast %swap3A_1246 : vector<1x16xf32> to vector<16xf32>
          %swap3A_1248 = vector.shape_cast %get3A_1242 : vector<16xf32> to vector<1x16xf32>
          tpu.vector_store %arg8[%swap3A_1244, %swap3A_1245], %swap3A_1248 {strides = array<i32>} : memref<8x256xf32, #tpu.memory_space<vmem>>, vector<1x16xf32>,
          %get3A_1249 = arith.index_cast %select_n3A_1118 : i32 to index
          %get3A_1250 = arith.constant 208 : index
          %get3A_1251 = tpu.vector_load %arg6[%get3A_1249, %get3A_1250] {strides = array<i32>} : memref<32x256xf32, #tpu.memory_space<vmem>>, vector<1x16xf32>,
          %get3A_1252 = vector.shape_cast %get3A_1251 : vector<1x16xf32> to vector<16xf32>
          %swap3A_1253 = arith.constant 5 : i32
          %swap3A_1254 = arith.index_cast %swap3A_1253 : i32 to index
          %swap3A_1255 = arith.constant 208 : index
          %swap3A_1256 = tpu.vector_load %arg8[%swap3A_1254, %swap3A_1255] {strides = array<i32>} : memref<8x256xf32, #tpu.memory_space<vmem>>, vector<1x16xf32>,
          %swap3A_1257 = vector.shape_cast %swap3A_1256 : vector<1x16xf32> to vector<16xf32>
          %swap3A_1258 = vector.shape_cast %get3A_1252 : vector<16xf32> to vector<1x16xf32>
          tpu.vector_store %arg8[%swap3A_1254, %swap3A_1255], %swap3A_1258 {strides = array<i32>} : memref<8x256xf32, #tpu.memory_space<vmem>>, vector<1x16xf32>,
          %get3A_1259 = arith.index_cast %select_n3A_1118 : i32 to index
          %get3A_1260 = arith.constant 224 : index
          %get3A_1261 = tpu.vector_load %arg6[%get3A_1259, %get3A_1260] {strides = array<i32>} : memref<32x256xf32, #tpu.memory_space<vmem>>, vector<1x16xf32>,
          %get3A_1262 = vector.shape_cast %get3A_1261 : vector<1x16xf32> to vector<16xf32>
          %swap3A_1263 = arith.constant 5 : i32
          %swap3A_1264 = arith.index_cast %swap3A_1263 : i32 to index
          %swap3A_1265 = arith.constant 224 : index
          %swap3A_1266 = tpu.vector_load %arg8[%swap3A_1264, %swap3A_1265] {strides = array<i32>} : memref<8x256xf32, #tpu.memory_space<vmem>>, vector<1x16xf32>,
          %swap3A_1267 = vector.shape_cast %swap3A_1266 : vector<1x16xf32> to vector<16xf32>
          %swap3A_1268 = vector.shape_cast %get3A_1262 : vector<16xf32> to vector<1x16xf32>
          tpu.vector_store %arg8[%swap3A_1264, %swap3A_1265], %swap3A_1268 {strides = array<i32>} : memref<8x256xf32, #tpu.memory_space<vmem>>, vector<1x16xf32>,
          %get3A_1269 = arith.index_cast %select_n3A_1118 : i32 to index
          %get3A_1270 = arith.constant 240 : index
          %get3A_1271 = tpu.vector_load %arg6[%get3A_1269, %get3A_1270] {strides = array<i32>} : memref<32x256xf32, #tpu.memory_space<vmem>>, vector<1x16xf32>,
          %get3A_1272 = vector.shape_cast %get3A_1271 : vector<1x16xf32> to vector<16xf32>
          %swap3A_1273 = arith.constant 5 : i32
          %swap3A_1274 = arith.index_cast %swap3A_1273 : i32 to index
          %swap3A_1275 = arith.constant 240 : index
          %swap3A_1276 = tpu.vector_load %arg8[%swap3A_1274, %swap3A_1275] {strides = array<i32>} : memref<8x256xf32, #tpu.memory_space<vmem>>, vector<1x16xf32>,
          %swap3A_1277 = vector.shape_cast %swap3A_1276 : vector<1x16xf32> to vector<16xf32>
          %swap3A_1278 = vector.shape_cast %get3A_1272 : vector<16xf32> to vector<1x16xf32>
          tpu.vector_store %arg8[%swap3A_1274, %swap3A_1275], %swap3A_1278 {strides = array<i32>} : memref<8x256xf32, #tpu.memory_space<vmem>>, vector<1x16xf32>,
          %slice3A_1279 = vector.extract_strided_slice %get3A_286 {offsets = [14], sizes = [1], strides = [1]} : vector<16xi32> to vector<1xi32>
          %squeeze3A_1280 = vector.extract %slice3A_1279[0] : i32 from vector<1xi32>
          %slice3A_1281 = vector.extract_strided_slice %get3A_286 {offsets = [6], sizes = [1], strides = [1]} : vector<16xi32> to vector<1xi32>
          %squeeze3A_1282 = vector.extract %slice3A_1281[0] : i32 from vector<1xi32>
          %select_n3A_1283 = arith.select %eq3A_289, %squeeze3A_1280, %squeeze3A_1282 : i32
          %get3A_1284 = arith.index_cast %select_n3A_1283 : i32 to index
          %get3A_1285 = arith.constant 0 : index
          %get3A_1286 = tpu.vector_load %arg6[%get3A_1284, %get3A_1285] {strides = array<i32>} : memref<32x256xf32, #tpu.memory_space<vmem>>, vector<1x16xf32>,
          %get3A_1287 = vector.shape_cast %get3A_1286 : vector<1x16xf32> to vector<16xf32>
          %swap3A_1288 = arith.constant 6 : i32
          %swap3A_1289 = arith.index_cast %swap3A_1288 : i32 to index
          %swap3A_1290 = arith.constant 0 : index
          %swap3A_1291 = tpu.vector_load %arg8[%swap3A_1289, %swap3A_1290] {strides = array<i32>} : memref<8x256xf32, #tpu.memory_space<vmem>>, vector<1x16xf32>,
          %swap3A_1292 = vector.shape_cast %swap3A_1291 : vector<1x16xf32> to vector<16xf32>
          %swap3A_1293 = vector.shape_cast %get3A_1287 : vector<16xf32> to vector<1x16xf32>
          tpu.vector_store %arg8[%swap3A_1289, %swap3A_1290], %swap3A_1293 {strides = array<i32>} : memref<8x256xf32, #tpu.memory_space<vmem>>, vector<1x16xf32>,
          %get3A_1294 = arith.index_cast %select_n3A_1283 : i32 to index
          %get3A_1295 = arith.constant 16 : index
          %get3A_1296 = tpu.vector_load %arg6[%get3A_1294, %get3A_1295] {strides = array<i32>} : memref<32x256xf32, #tpu.memory_space<vmem>>, vector<1x16xf32>,
          %get3A_1297 = vector.shape_cast %get3A_1296 : vector<1x16xf32> to vector<16xf32>
          %swap3A_1298 = arith.constant 6 : i32
          %swap3A_1299 = arith.index_cast %swap3A_1298 : i32 to index
          %swap3A_1300 = arith.constant 16 : index
          %swap3A_1301 = tpu.vector_load %arg8[%swap3A_1299, %swap3A_1300] {strides = array<i32>} : memref<8x256xf32, #tpu.memory_space<vmem>>, vector<1x16xf32>,
          %swap3A_1302 = vector.shape_cast %swap3A_1301 : vector<1x16xf32> to vector<16xf32>
          %swap3A_1303 = vector.shape_cast %get3A_1297 : vector<16xf32> to vector<1x16xf32>
          tpu.vector_store %arg8[%swap3A_1299, %swap3A_1300], %swap3A_1303 {strides = array<i32>} : memref<8x256xf32, #tpu.memory_space<vmem>>, vector<1x16xf32>,
          %get3A_1304 = arith.index_cast %select_n3A_1283 : i32 to index
          %get3A_1305 = arith.constant 32 : index
          %get3A_1306 = tpu.vector_load %arg6[%get3A_1304, %get3A_1305] {strides = array<i32>} : memref<32x256xf32, #tpu.memory_space<vmem>>, vector<1x16xf32>,
          %get3A_1307 = vector.shape_cast %get3A_1306 : vector<1x16xf32> to vector<16xf32>
          %swap3A_1308 = arith.constant 6 : i32
          %swap3A_1309 = arith.index_cast %swap3A_1308 : i32 to index
          %swap3A_1310 = arith.constant 32 : index
          %swap3A_1311 = tpu.vector_load %arg8[%swap3A_1309, %swap3A_1310] {strides = array<i32>} : memref<8x256xf32, #tpu.memory_space<vmem>>, vector<1x16xf32>,
          %swap3A_1312 = vector.shape_cast %swap3A_1311 : vector<1x16xf32> to vector<16xf32>
          %swap3A_1313 = vector.shape_cast %get3A_1307 : vector<16xf32> to vector<1x16xf32>
          tpu.vector_store %arg8[%swap3A_1309, %swap3A_1310], %swap3A_1313 {strides = array<i32>} : memref<8x256xf32, #tpu.memory_space<vmem>>, vector<1x16xf32>,
          %get3A_1314 = arith.index_cast %select_n3A_1283 : i32 to index
          %get3A_1315 = arith.constant 48 : index
          %get3A_1316 = tpu.vector_load %arg6[%get3A_1314, %get3A_1315] {strides = array<i32>} : memref<32x256xf32, #tpu.memory_space<vmem>>, vector<1x16xf32>,
          %get3A_1317 = vector.shape_cast %get3A_1316 : vector<1x16xf32> to vector<16xf32>
          %swap3A_1318 = arith.constant 6 : i32
          %swap3A_1319 = arith.index_cast %swap3A_1318 : i32 to index
          %swap3A_1320 = arith.constant 48 : index
          %swap3A_1321 = tpu.vector_load %arg8[%swap3A_1319, %swap3A_1320] {strides = array<i32>} : memref<8x256xf32, #tpu.memory_space<vmem>>, vector<1x16xf32>,
          %swap3A_1322 = vector.shape_cast %swap3A_1321 : vector<1x16xf32> to vector<16xf32>
          %swap3A_1323 = vector.shape_cast %get3A_1317 : vector<16xf32> to vector<1x16xf32>
          tpu.vector_store %arg8[%swap3A_1319, %swap3A_1320], %swap3A_1323 {strides = array<i32>} : memref<8x256xf32, #tpu.memory_space<vmem>>, vector<1x16xf32>,
          %get3A_1324 = arith.index_cast %select_n3A_1283 : i32 to index
          %get3A_1325 = arith.constant 64 : index
          %get3A_1326 = tpu.vector_load %arg6[%get3A_1324, %get3A_1325] {strides = array<i32>} : memref<32x256xf32, #tpu.memory_space<vmem>>, vector<1x16xf32>,
          %get3A_1327 = vector.shape_cast %get3A_1326 : vector<1x16xf32> to vector<16xf32>
          %swap3A_1328 = arith.constant 6 : i32
          %swap3A_1329 = arith.index_cast %swap3A_1328 : i32 to index
          %swap3A_1330 = arith.constant 64 : index
          %swap3A_1331 = tpu.vector_load %arg8[%swap3A_1329, %swap3A_1330] {strides = array<i32>} : memref<8x256xf32, #tpu.memory_space<vmem>>, vector<1x16xf32>,
          %swap3A_1332 = vector.shape_cast %swap3A_1331 : vector<1x16xf32> to vector<16xf32>
          %swap3A_1333 = vector.shape_cast %get3A_1327 : vector<16xf32> to vector<1x16xf32>
          tpu.vector_store %arg8[%swap3A_1329, %swap3A_1330], %swap3A_1333 {strides = array<i32>} : memref<8x256xf32, #tpu.memory_space<vmem>>, vector<1x16xf32>,
          %get3A_1334 = arith.index_cast %select_n3A_1283 : i32 to index
          %get3A_1335 = arith.constant 80 : index
          %get3A_1336 = tpu.vector_load %arg6[%get3A_1334, %get3A_1335] {strides = array<i32>} : memref<32x256xf32, #tpu.memory_space<vmem>>, vector<1x16xf32>,
          %get3A_1337 = vector.shape_cast %get3A_1336 : vector<1x16xf32> to vector<16xf32>
          %swap3A_1338 = arith.constant 6 : i32
          %swap3A_1339 = arith.index_cast %swap3A_1338 : i32 to index
          %swap3A_1340 = arith.constant 80 : index
          %swap3A_1341 = tpu.vector_load %arg8[%swap3A_1339, %swap3A_1340] {strides = array<i32>} : memref<8x256xf32, #tpu.memory_space<vmem>>, vector<1x16xf32>,
          %swap3A_1342 = vector.shape_cast %swap3A_1341 : vector<1x16xf32> to vector<16xf32>
          %swap3A_1343 = vector.shape_cast %get3A_1337 : vector<16xf32> to vector<1x16xf32>
          tpu.vector_store %arg8[%swap3A_1339, %swap3A_1340], %swap3A_1343 {strides = array<i32>} : memref<8x256xf32, #tpu.memory_space<vmem>>, vector<1x16xf32>,
          %get3A_1344 = arith.index_cast %select_n3A_1283 : i32 to index
          %get3A_1345 = arith.constant 96 : index
          %get3A_1346 = tpu.vector_load %arg6[%get3A_1344, %get3A_1345] {strides = array<i32>} : memref<32x256xf32, #tpu.memory_space<vmem>>, vector<1x16xf32>,
          %get3A_1347 = vector.shape_cast %get3A_1346 : vector<1x16xf32> to vector<16xf32>
          %swap3A_1348 = arith.constant 6 : i32
          %swap3A_1349 = arith.index_cast %swap3A_1348 : i32 to index
          %swap3A_1350 = arith.constant 96 : index
          %swap3A_1351 = tpu.vector_load %arg8[%swap3A_1349, %swap3A_1350] {strides = array<i32>} : memref<8x256xf32, #tpu.memory_space<vmem>>, vector<1x16xf32>,
          %swap3A_1352 = vector.shape_cast %swap3A_1351 : vector<1x16xf32> to vector<16xf32>
          %swap3A_1353 = vector.shape_cast %get3A_1347 : vector<16xf32> to vector<1x16xf32>
          tpu.vector_store %arg8[%swap3A_1349, %swap3A_1350], %swap3A_1353 {strides = array<i32>} : memref<8x256xf32, #tpu.memory_space<vmem>>, vector<1x16xf32>,
          %get3A_1354 = arith.index_cast %select_n3A_1283 : i32 to index
          %get3A_1355 = arith.constant 112 : index
          %get3A_1356 = tpu.vector_load %arg6[%get3A_1354, %get3A_1355] {strides = array<i32>} : memref<32x256xf32, #tpu.memory_space<vmem>>, vector<1x16xf32>,
          %get3A_1357 = vector.shape_cast %get3A_1356 : vector<1x16xf32> to vector<16xf32>
          %swap3A_1358 = arith.constant 6 : i32
          %swap3A_1359 = arith.index_cast %swap3A_1358 : i32 to index
          %swap3A_1360 = arith.constant 112 : index
          %swap3A_1361 = tpu.vector_load %arg8[%swap3A_1359, %swap3A_1360] {strides = array<i32>} : memref<8x256xf32, #tpu.memory_space<vmem>>, vector<1x16xf32>,
          %swap3A_1362 = vector.shape_cast %swap3A_1361 : vector<1x16xf32> to vector<16xf32>
          %swap3A_1363 = vector.shape_cast %get3A_1357 : vector<16xf32> to vector<1x16xf32>
          tpu.vector_store %arg8[%swap3A_1359, %swap3A_1360], %swap3A_1363 {strides = array<i32>} : memref<8x256xf32, #tpu.memory_space<vmem>>, vector<1x16xf32>,
          %get3A_1364 = arith.index_cast %select_n3A_1283 : i32 to index
          %get3A_1365 = arith.constant 128 : index
          %get3A_1366 = tpu.vector_load %arg6[%get3A_1364, %get3A_1365] {strides = array<i32>} : memref<32x256xf32, #tpu.memory_space<vmem>>, vector<1x16xf32>,
          %get3A_1367 = vector.shape_cast %get3A_1366 : vector<1x16xf32> to vector<16xf32>
          %swap3A_1368 = arith.constant 6 : i32
          %swap3A_1369 = arith.index_cast %swap3A_1368 : i32 to index
          %swap3A_1370 = arith.constant 128 : index
          %swap3A_1371 = tpu.vector_load %arg8[%swap3A_1369, %swap3A_1370] {strides = array<i32>} : memref<8x256xf32, #tpu.memory_space<vmem>>, vector<1x16xf32>,
          %swap3A_1372 = vector.shape_cast %swap3A_1371 : vector<1x16xf32> to vector<16xf32>
          %swap3A_1373 = vector.shape_cast %get3A_1367 : vector<16xf32> to vector<1x16xf32>
          tpu.vector_store %arg8[%swap3A_1369, %swap3A_1370], %swap3A_1373 {strides = array<i32>} : memref<8x256xf32, #tpu.memory_space<vmem>>, vector<1x16xf32>,
          %get3A_1374 = arith.index_cast %select_n3A_1283 : i32 to index
          %get3A_1375 = arith.constant 144 : index
          %get3A_1376 = tpu.vector_load %arg6[%get3A_1374, %get3A_1375] {strides = array<i32>} : memref<32x256xf32, #tpu.memory_space<vmem>>, vector<1x16xf32>,
          %get3A_1377 = vector.shape_cast %get3A_1376 : vector<1x16xf32> to vector<16xf32>
          %swap3A_1378 = arith.constant 6 : i32
          %swap3A_1379 = arith.index_cast %swap3A_1378 : i32 to index
          %swap3A_1380 = arith.constant 144 : index
          %swap3A_1381 = tpu.vector_load %arg8[%swap3A_1379, %swap3A_1380] {strides = array<i32>} : memref<8x256xf32, #tpu.memory_space<vmem>>, vector<1x16xf32>,
          %swap3A_1382 = vector.shape_cast %swap3A_1381 : vector<1x16xf32> to vector<16xf32>
          %swap3A_1383 = vector.shape_cast %get3A_1377 : vector<16xf32> to vector<1x16xf32>
          tpu.vector_store %arg8[%swap3A_1379, %swap3A_1380], %swap3A_1383 {strides = array<i32>} : memref<8x256xf32, #tpu.memory_space<vmem>>, vector<1x16xf32>,
          %get3A_1384 = arith.index_cast %select_n3A_1283 : i32 to index
          %get3A_1385 = arith.constant 160 : index
          %get3A_1386 = tpu.vector_load %arg6[%get3A_1384, %get3A_1385] {strides = array<i32>} : memref<32x256xf32, #tpu.memory_space<vmem>>, vector<1x16xf32>,
          %get3A_1387 = vector.shape_cast %get3A_1386 : vector<1x16xf32> to vector<16xf32>
          %swap3A_1388 = arith.constant 6 : i32
          %swap3A_1389 = arith.index_cast %swap3A_1388 : i32 to index
          %swap3A_1390 = arith.constant 160 : index
          %swap3A_1391 = tpu.vector_load %arg8[%swap3A_1389, %swap3A_1390] {strides = array<i32>} : memref<8x256xf32, #tpu.memory_space<vmem>>, vector<1x16xf32>,
          %swap3A_1392 = vector.shape_cast %swap3A_1391 : vector<1x16xf32> to vector<16xf32>
          %swap3A_1393 = vector.shape_cast %get3A_1387 : vector<16xf32> to vector<1x16xf32>
          tpu.vector_store %arg8[%swap3A_1389, %swap3A_1390], %swap3A_1393 {strides = array<i32>} : memref<8x256xf32, #tpu.memory_space<vmem>>, vector<1x16xf32>,
          %get3A_1394 = arith.index_cast %select_n3A_1283 : i32 to index
          %get3A_1395 = arith.constant 176 : index
          %get3A_1396 = tpu.vector_load %arg6[%get3A_1394, %get3A_1395] {strides = array<i32>} : memref<32x256xf32, #tpu.memory_space<vmem>>, vector<1x16xf32>,
          %get3A_1397 = vector.shape_cast %get3A_1396 : vector<1x16xf32> to vector<16xf32>
          %swap3A_1398 = arith.constant 6 : i32
          %swap3A_1399 = arith.index_cast %swap3A_1398 : i32 to index
          %swap3A_1400 = arith.constant 176 : index
          %swap3A_1401 = tpu.vector_load %arg8[%swap3A_1399, %swap3A_1400] {strides = array<i32>} : memref<8x256xf32, #tpu.memory_space<vmem>>, vector<1x16xf32>,
          %swap3A_1402 = vector.shape_cast %swap3A_1401 : vector<1x16xf32> to vector<16xf32>
          %swap3A_1403 = vector.shape_cast %get3A_1397 : vector<16xf32> to vector<1x16xf32>
          tpu.vector_store %arg8[%swap3A_1399, %swap3A_1400], %swap3A_1403 {strides = array<i32>} : memref<8x256xf32, #tpu.memory_space<vmem>>, vector<1x16xf32>,
          %get3A_1404 = arith.index_cast %select_n3A_1283 : i32 to index
          %get3A_1405 = arith.constant 192 : index
          %get3A_1406 = tpu.vector_load %arg6[%get3A_1404, %get3A_1405] {strides = array<i32>} : memref<32x256xf32, #tpu.memory_space<vmem>>, vector<1x16xf32>,
          %get3A_1407 = vector.shape_cast %get3A_1406 : vector<1x16xf32> to vector<16xf32>
          %swap3A_1408 = arith.constant 6 : i32
          %swap3A_1409 = arith.index_cast %swap3A_1408 : i32 to index
          %swap3A_1410 = arith.constant 192 : index
          %swap3A_1411 = tpu.vector_load %arg8[%swap3A_1409, %swap3A_1410] {strides = array<i32>} : memref<8x256xf32, #tpu.memory_space<vmem>>, vector<1x16xf32>,
          %swap3A_1412 = vector.shape_cast %swap3A_1411 : vector<1x16xf32> to vector<16xf32>
          %swap3A_1413 = vector.shape_cast %get3A_1407 : vector<16xf32> to vector<1x16xf32>
          tpu.vector_store %arg8[%swap3A_1409, %swap3A_1410], %swap3A_1413 {strides = array<i32>} : memref<8x256xf32, #tpu.memory_space<vmem>>, vector<1x16xf32>,
          %get3A_1414 = arith.index_cast %select_n3A_1283 : i32 to index
          %get3A_1415 = arith.constant 208 : index
          %get3A_1416 = tpu.vector_load %arg6[%get3A_1414, %get3A_1415] {strides = array<i32>} : memref<32x256xf32, #tpu.memory_space<vmem>>, vector<1x16xf32>,
          %get3A_1417 = vector.shape_cast %get3A_1416 : vector<1x16xf32> to vector<16xf32>
          %swap3A_1418 = arith.constant 6 : i32
          %swap3A_1419 = arith.index_cast %swap3A_1418 : i32 to index
          %swap3A_1420 = arith.constant 208 : index
          %swap3A_1421 = tpu.vector_load %arg8[%swap3A_1419, %swap3A_1420] {strides = array<i32>} : memref<8x256xf32, #tpu.memory_space<vmem>>, vector<1x16xf32>,
          %swap3A_1422 = vector.shape_cast %swap3A_1421 : vector<1x16xf32> to vector<16xf32>
          %swap3A_1423 = vector.shape_cast %get3A_1417 : vector<16xf32> to vector<1x16xf32>
          tpu.vector_store %arg8[%swap3A_1419, %swap3A_1420], %swap3A_1423 {strides = array<i32>} : memref<8x256xf32, #tpu.memory_space<vmem>>, vector<1x16xf32>,
          %get3A_1424 = arith.index_cast %select_n3A_1283 : i32 to index
          %get3A_1425 = arith.constant 224 : index
          %get3A_1426 = tpu.vector_load %arg6[%get3A_1424, %get3A_1425] {strides = array<i32>} : memref<32x256xf32, #tpu.memory_space<vmem>>, vector<1x16xf32>,
          %get3A_1427 = vector.shape_cast %get3A_1426 : vector<1x16xf32> to vector<16xf32>
          %swap3A_1428 = arith.constant 6 : i32
          %swap3A_1429 = arith.index_cast %swap3A_1428 : i32 to index
          %swap3A_1430 = arith.constant 224 : index
          %swap3A_1431 = tpu.vector_load %arg8[%swap3A_1429, %swap3A_1430] {strides = array<i32>} : memref<8x256xf32, #tpu.memory_space<vmem>>, vector<1x16xf32>,
          %swap3A_1432 = vector.shape_cast %swap3A_1431 : vector<1x16xf32> to vector<16xf32>
          %swap3A_1433 = vector.shape_cast %get3A_1427 : vector<16xf32> to vector<1x16xf32>
          tpu.vector_store %arg8[%swap3A_1429, %swap3A_1430], %swap3A_1433 {strides = array<i32>} : memref<8x256xf32, #tpu.memory_space<vmem>>, vector<1x16xf32>,
          %get3A_1434 = arith.index_cast %select_n3A_1283 : i32 to index
          %get3A_1435 = arith.constant 240 : index
          %get3A_1436 = tpu.vector_load %arg6[%get3A_1434, %get3A_1435] {strides = array<i32>} : memref<32x256xf32, #tpu.memory_space<vmem>>, vector<1x16xf32>,
          %get3A_1437 = vector.shape_cast %get3A_1436 : vector<1x16xf32> to vector<16xf32>
          %swap3A_1438 = arith.constant 6 : i32
          %swap3A_1439 = arith.index_cast %swap3A_1438 : i32 to index
          %swap3A_1440 = arith.constant 240 : index
          %swap3A_1441 = tpu.vector_load %arg8[%swap3A_1439, %swap3A_1440] {strides = array<i32>} : memref<8x256xf32, #tpu.memory_space<vmem>>, vector<1x16xf32>,
          %swap3A_1442 = vector.shape_cast %swap3A_1441 : vector<1x16xf32> to vector<16xf32>
          %swap3A_1443 = vector.shape_cast %get3A_1437 : vector<16xf32> to vector<1x16xf32>
          tpu.vector_store %arg8[%swap3A_1439, %swap3A_1440], %swap3A_1443 {strides = array<i32>} : memref<8x256xf32, #tpu.memory_space<vmem>>, vector<1x16xf32>,
          %slice3A_1444 = vector.extract_strided_slice %get3A_286 {offsets = [15], sizes = [1], strides = [1]} : vector<16xi32> to vector<1xi32>
          %squeeze3A_1445 = vector.extract %slice3A_1444[0] : i32 from vector<1xi32>
          %slice3A_1446 = vector.extract_strided_slice %get3A_286 {offsets = [7], sizes = [1], strides = [1]} : vector<16xi32> to vector<1xi32>
          %squeeze3A_1447 = vector.extract %slice3A_1446[0] : i32 from vector<1xi32>
          %select_n3A_1448 = arith.select %eq3A_289, %squeeze3A_1445, %squeeze3A_1447 : i32
          %get3A_1449 = arith.index_cast %select_n3A_1448 : i32 to index
          %get3A_1450 = arith.constant 0 : index
          %get3A_1451 = tpu.vector_load %arg6[%get3A_1449, %get3A_1450] {strides = array<i32>} : memref<32x256xf32, #tpu.memory_space<vmem>>, vector<1x16xf32>,
          %get3A_1452 = vector.shape_cast %get3A_1451 : vector<1x16xf32> to vector<16xf32>
          %swap3A_1453 = arith.constant 7 : i32
          %swap3A_1454 = arith.index_cast %swap3A_1453 : i32 to index
          %swap3A_1455 = arith.constant 0 : index
          %swap3A_1456 = tpu.vector_load %arg8[%swap3A_1454, %swap3A_1455] {strides = array<i32>} : memref<8x256xf32, #tpu.memory_space<vmem>>, vector<1x16xf32>,
          %swap3A_1457 = vector.shape_cast %swap3A_1456 : vector<1x16xf32> to vector<16xf32>
          %swap3A_1458 = vector.shape_cast %get3A_1452 : vector<16xf32> to vector<1x16xf32>
          tpu.vector_store %arg8[%swap3A_1454, %swap3A_1455], %swap3A_1458 {strides = array<i32>} : memref<8x256xf32, #tpu.memory_space<vmem>>, vector<1x16xf32>,
          %get3A_1459 = arith.index_cast %select_n3A_1448 : i32 to index
          %get3A_1460 = arith.constant 16 : index
          %get3A_1461 = tpu.vector_load %arg6[%get3A_1459, %get3A_1460] {strides = array<i32>} : memref<32x256xf32, #tpu.memory_space<vmem>>, vector<1x16xf32>,
          %get3A_1462 = vector.shape_cast %get3A_1461 : vector<1x16xf32> to vector<16xf32>
          %swap3A_1463 = arith.constant 7 : i32
          %swap3A_1464 = arith.index_cast %swap3A_1463 : i32 to index
          %swap3A_1465 = arith.constant 16 : index
          %swap3A_1466 = tpu.vector_load %arg8[%swap3A_1464, %swap3A_1465] {strides = array<i32>} : memref<8x256xf32, #tpu.memory_space<vmem>>, vector<1x16xf32>,
          %swap3A_1467 = vector.shape_cast %swap3A_1466 : vector<1x16xf32> to vector<16xf32>
          %swap3A_1468 = vector.shape_cast %get3A_1462 : vector<16xf32> to vector<1x16xf32>
          tpu.vector_store %arg8[%swap3A_1464, %swap3A_1465], %swap3A_1468 {strides = array<i32>} : memref<8x256xf32, #tpu.memory_space<vmem>>, vector<1x16xf32>,
          %get3A_1469 = arith.index_cast %select_n3A_1448 : i32 to index
          %get3A_1470 = arith.constant 32 : index
          %get3A_1471 = tpu.vector_load %arg6[%get3A_1469, %get3A_1470] {strides = array<i32>} : memref<32x256xf32, #tpu.memory_space<vmem>>, vector<1x16xf32>,
          %get3A_1472 = vector.shape_cast %get3A_1471 : vector<1x16xf32> to vector<16xf32>
          %swap3A_1473 = arith.constant 7 : i32
          %swap3A_1474 = arith.index_cast %swap3A_1473 : i32 to index
          %swap3A_1475 = arith.constant 32 : index
          %swap3A_1476 = tpu.vector_load %arg8[%swap3A_1474, %swap3A_1475] {strides = array<i32>} : memref<8x256xf32, #tpu.memory_space<vmem>>, vector<1x16xf32>,
          %swap3A_1477 = vector.shape_cast %swap3A_1476 : vector<1x16xf32> to vector<16xf32>
          %swap3A_1478 = vector.shape_cast %get3A_1472 : vector<16xf32> to vector<1x16xf32>
          tpu.vector_store %arg8[%swap3A_1474, %swap3A_1475], %swap3A_1478 {strides = array<i32>} : memref<8x256xf32, #tpu.memory_space<vmem>>, vector<1x16xf32>,
          %get3A_1479 = arith.index_cast %select_n3A_1448 : i32 to index
          %get3A_1480 = arith.constant 48 : index
          %get3A_1481 = tpu.vector_load %arg6[%get3A_1479, %get3A_1480] {strides = array<i32>} : memref<32x256xf32, #tpu.memory_space<vmem>>, vector<1x16xf32>,
          %get3A_1482 = vector.shape_cast %get3A_1481 : vector<1x16xf32> to vector<16xf32>
          %swap3A_1483 = arith.constant 7 : i32
          %swap3A_1484 = arith.index_cast %swap3A_1483 : i32 to index
          %swap3A_1485 = arith.constant 48 : index
          %swap3A_1486 = tpu.vector_load %arg8[%swap3A_1484, %swap3A_1485] {strides = array<i32>} : memref<8x256xf32, #tpu.memory_space<vmem>>, vector<1x16xf32>,
          %swap3A_1487 = vector.shape_cast %swap3A_1486 : vector<1x16xf32> to vector<16xf32>
          %swap3A_1488 = vector.shape_cast %get3A_1482 : vector<16xf32> to vector<1x16xf32>
          tpu.vector_store %arg8[%swap3A_1484, %swap3A_1485], %swap3A_1488 {strides = array<i32>} : memref<8x256xf32, #tpu.memory_space<vmem>>, vector<1x16xf32>,
          %get3A_1489 = arith.index_cast %select_n3A_1448 : i32 to index
          %get3A_1490 = arith.constant 64 : index
          %get3A_1491 = tpu.vector_load %arg6[%get3A_1489, %get3A_1490] {strides = array<i32>} : memref<32x256xf32, #tpu.memory_space<vmem>>, vector<1x16xf32>,
          %get3A_1492 = vector.shape_cast %get3A_1491 : vector<1x16xf32> to vector<16xf32>
          %swap3A_1493 = arith.constant 7 : i32
          %swap3A_1494 = arith.index_cast %swap3A_1493 : i32 to index
          %swap3A_1495 = arith.constant 64 : index
          %swap3A_1496 = tpu.vector_load %arg8[%swap3A_1494, %swap3A_1495] {strides = array<i32>} : memref<8x256xf32, #tpu.memory_space<vmem>>, vector<1x16xf32>,
          %swap3A_1497 = vector.shape_cast %swap3A_1496 : vector<1x16xf32> to vector<16xf32>
          %swap3A_1498 = vector.shape_cast %get3A_1492 : vector<16xf32> to vector<1x16xf32>
          tpu.vector_store %arg8[%swap3A_1494, %swap3A_1495], %swap3A_1498 {strides = array<i32>} : memref<8x256xf32, #tpu.memory_space<vmem>>, vector<1x16xf32>,
          %get3A_1499 = arith.index_cast %select_n3A_1448 : i32 to index
          %get3A_1500 = arith.constant 80 : index
          %get3A_1501 = tpu.vector_load %arg6[%get3A_1499, %get3A_1500] {strides = array<i32>} : memref<32x256xf32, #tpu.memory_space<vmem>>, vector<1x16xf32>,
          %get3A_1502 = vector.shape_cast %get3A_1501 : vector<1x16xf32> to vector<16xf32>
          %swap3A_1503 = arith.constant 7 : i32
          %swap3A_1504 = arith.index_cast %swap3A_1503 : i32 to index
          %swap3A_1505 = arith.constant 80 : index
          %swap3A_1506 = tpu.vector_load %arg8[%swap3A_1504, %swap3A_1505] {strides = array<i32>} : memref<8x256xf32, #tpu.memory_space<vmem>>, vector<1x16xf32>,
          %swap3A_1507 = vector.shape_cast %swap3A_1506 : vector<1x16xf32> to vector<16xf32>
          %swap3A_1508 = vector.shape_cast %get3A_1502 : vector<16xf32> to vector<1x16xf32>
          tpu.vector_store %arg8[%swap3A_1504, %swap3A_1505], %swap3A_1508 {strides = array<i32>} : memref<8x256xf32, #tpu.memory_space<vmem>>, vector<1x16xf32>,
          %get3A_1509 = arith.index_cast %select_n3A_1448 : i32 to index
          %get3A_1510 = arith.constant 96 : index
          %get3A_1511 = tpu.vector_load %arg6[%get3A_1509, %get3A_1510] {strides = array<i32>} : memref<32x256xf32, #tpu.memory_space<vmem>>, vector<1x16xf32>,
          %get3A_1512 = vector.shape_cast %get3A_1511 : vector<1x16xf32> to vector<16xf32>
          %swap3A_1513 = arith.constant 7 : i32
          %swap3A_1514 = arith.index_cast %swap3A_1513 : i32 to index
          %swap3A_1515 = arith.constant 96 : index
          %swap3A_1516 = tpu.vector_load %arg8[%swap3A_1514, %swap3A_1515] {strides = array<i32>} : memref<8x256xf32, #tpu.memory_space<vmem>>, vector<1x16xf32>,
          %swap3A_1517 = vector.shape_cast %swap3A_1516 : vector<1x16xf32> to vector<16xf32>
          %swap3A_1518 = vector.shape_cast %get3A_1512 : vector<16xf32> to vector<1x16xf32>
          tpu.vector_store %arg8[%swap3A_1514, %swap3A_1515], %swap3A_1518 {strides = array<i32>} : memref<8x256xf32, #tpu.memory_space<vmem>>, vector<1x16xf32>,
          %get3A_1519 = arith.index_cast %select_n3A_1448 : i32 to index
          %get3A_1520 = arith.constant 112 : index
          %get3A_1521 = tpu.vector_load %arg6[%get3A_1519, %get3A_1520] {strides = array<i32>} : memref<32x256xf32, #tpu.memory_space<vmem>>, vector<1x16xf32>,
          %get3A_1522 = vector.shape_cast %get3A_1521 : vector<1x16xf32> to vector<16xf32>
          %swap3A_1523 = arith.constant 7 : i32
          %swap3A_1524 = arith.index_cast %swap3A_1523 : i32 to index
          %swap3A_1525 = arith.constant 112 : index
          %swap3A_1526 = tpu.vector_load %arg8[%swap3A_1524, %swap3A_1525] {strides = array<i32>} : memref<8x256xf32, #tpu.memory_space<vmem>>, vector<1x16xf32>,
          %swap3A_1527 = vector.shape_cast %swap3A_1526 : vector<1x16xf32> to vector<16xf32>
          %swap3A_1528 = vector.shape_cast %get3A_1522 : vector<16xf32> to vector<1x16xf32>
          tpu.vector_store %arg8[%swap3A_1524, %swap3A_1525], %swap3A_1528 {strides = array<i32>} : memref<8x256xf32, #tpu.memory_space<vmem>>, vector<1x16xf32>,
          %get3A_1529 = arith.index_cast %select_n3A_1448 : i32 to index
          %get3A_1530 = arith.constant 128 : index
          %get3A_1531 = tpu.vector_load %arg6[%get3A_1529, %get3A_1530] {strides = array<i32>} : memref<32x256xf32, #tpu.memory_space<vmem>>, vector<1x16xf32>,
          %get3A_1532 = vector.shape_cast %get3A_1531 : vector<1x16xf32> to vector<16xf32>
          %swap3A_1533 = arith.constant 7 : i32
          %swap3A_1534 = arith.index_cast %swap3A_1533 : i32 to index
          %swap3A_1535 = arith.constant 128 : index
          %swap3A_1536 = tpu.vector_load %arg8[%swap3A_1534, %swap3A_1535] {strides = array<i32>} : memref<8x256xf32, #tpu.memory_space<vmem>>, vector<1x16xf32>,
          %swap3A_1537 = vector.shape_cast %swap3A_1536 : vector<1x16xf32> to vector<16xf32>
          %swap3A_1538 = vector.shape_cast %get3A_1532 : vector<16xf32> to vector<1x16xf32>
          tpu.vector_store %arg8[%swap3A_1534, %swap3A_1535], %swap3A_1538 {strides = array<i32>} : memref<8x256xf32, #tpu.memory_space<vmem>>, vector<1x16xf32>,
          %get3A_1539 = arith.index_cast %select_n3A_1448 : i32 to index
          %get3A_1540 = arith.constant 144 : index
          %get3A_1541 = tpu.vector_load %arg6[%get3A_1539, %get3A_1540] {strides = array<i32>} : memref<32x256xf32, #tpu.memory_space<vmem>>, vector<1x16xf32>,
          %get3A_1542 = vector.shape_cast %get3A_1541 : vector<1x16xf32> to vector<16xf32>
          %swap3A_1543 = arith.constant 7 : i32
          %swap3A_1544 = arith.index_cast %swap3A_1543 : i32 to index
          %swap3A_1545 = arith.constant 144 : index
          %swap3A_1546 = tpu.vector_load %arg8[%swap3A_1544, %swap3A_1545] {strides = array<i32>} : memref<8x256xf32, #tpu.memory_space<vmem>>, vector<1x16xf32>,
          %swap3A_1547 = vector.shape_cast %swap3A_1546 : vector<1x16xf32> to vector<16xf32>
          %swap3A_1548 = vector.shape_cast %get3A_1542 : vector<16xf32> to vector<1x16xf32>
          tpu.vector_store %arg8[%swap3A_1544, %swap3A_1545], %swap3A_1548 {strides = array<i32>} : memref<8x256xf32, #tpu.memory_space<vmem>>, vector<1x16xf32>,
          %get3A_1549 = arith.index_cast %select_n3A_1448 : i32 to index
          %get3A_1550 = arith.constant 160 : index
          %get3A_1551 = tpu.vector_load %arg6[%get3A_1549, %get3A_1550] {strides = array<i32>} : memref<32x256xf32, #tpu.memory_space<vmem>>, vector<1x16xf32>,
          %get3A_1552 = vector.shape_cast %get3A_1551 : vector<1x16xf32> to vector<16xf32>
          %swap3A_1553 = arith.constant 7 : i32
          %swap3A_1554 = arith.index_cast %swap3A_1553 : i32 to index
          %swap3A_1555 = arith.constant 160 : index
          %swap3A_1556 = tpu.vector_load %arg8[%swap3A_1554, %swap3A_1555] {strides = array<i32>} : memref<8x256xf32, #tpu.memory_space<vmem>>, vector<1x16xf32>,
          %swap3A_1557 = vector.shape_cast %swap3A_1556 : vector<1x16xf32> to vector<16xf32>
          %swap3A_1558 = vector.shape_cast %get3A_1552 : vector<16xf32> to vector<1x16xf32>
          tpu.vector_store %arg8[%swap3A_1554, %swap3A_1555], %swap3A_1558 {strides = array<i32>} : memref<8x256xf32, #tpu.memory_space<vmem>>, vector<1x16xf32>,
          %get3A_1559 = arith.index_cast %select_n3A_1448 : i32 to index
          %get3A_1560 = arith.constant 176 : index
          %get3A_1561 = tpu.vector_load %arg6[%get3A_1559, %get3A_1560] {strides = array<i32>} : memref<32x256xf32, #tpu.memory_space<vmem>>, vector<1x16xf32>,
          %get3A_1562 = vector.shape_cast %get3A_1561 : vector<1x16xf32> to vector<16xf32>
          %swap3A_1563 = arith.constant 7 : i32
          %swap3A_1564 = arith.index_cast %swap3A_1563 : i32 to index
          %swap3A_1565 = arith.constant 176 : index
          %swap3A_1566 = tpu.vector_load %arg8[%swap3A_1564, %swap3A_1565] {strides = array<i32>} : memref<8x256xf32, #tpu.memory_space<vmem>>, vector<1x16xf32>,
          %swap3A_1567 = vector.shape_cast %swap3A_1566 : vector<1x16xf32> to vector<16xf32>
          %swap3A_1568 = vector.shape_cast %get3A_1562 : vector<16xf32> to vector<1x16xf32>
          tpu.vector_store %arg8[%swap3A_1564, %swap3A_1565], %swap3A_1568 {strides = array<i32>} : memref<8x256xf32, #tpu.memory_space<vmem>>, vector<1x16xf32>,
          %get3A_1569 = arith.index_cast %select_n3A_1448 : i32 to index
          %get3A_1570 = arith.constant 192 : index
          %get3A_1571 = tpu.vector_load %arg6[%get3A_1569, %get3A_1570] {strides = array<i32>} : memref<32x256xf32, #tpu.memory_space<vmem>>, vector<1x16xf32>,
          %get3A_1572 = vector.shape_cast %get3A_1571 : vector<1x16xf32> to vector<16xf32>
          %swap3A_1573 = arith.constant 7 : i32
          %swap3A_1574 = arith.index_cast %swap3A_1573 : i32 to index
          %swap3A_1575 = arith.constant 192 : index
          %swap3A_1576 = tpu.vector_load %arg8[%swap3A_1574, %swap3A_1575] {strides = array<i32>} : memref<8x256xf32, #tpu.memory_space<vmem>>, vector<1x16xf32>,
          %swap3A_1577 = vector.shape_cast %swap3A_1576 : vector<1x16xf32> to vector<16xf32>
          %swap3A_1578 = vector.shape_cast %get3A_1572 : vector<16xf32> to vector<1x16xf32>
          tpu.vector_store %arg8[%swap3A_1574, %swap3A_1575], %swap3A_1578 {strides = array<i32>} : memref<8x256xf32, #tpu.memory_space<vmem>>, vector<1x16xf32>,
          %get3A_1579 = arith.index_cast %select_n3A_1448 : i32 to index
          %get3A_1580 = arith.constant 208 : index
          %get3A_1581 = tpu.vector_load %arg6[%get3A_1579, %get3A_1580] {strides = array<i32>} : memref<32x256xf32, #tpu.memory_space<vmem>>, vector<1x16xf32>,
          %get3A_1582 = vector.shape_cast %get3A_1581 : vector<1x16xf32> to vector<16xf32>
          %swap3A_1583 = arith.constant 7 : i32
          %swap3A_1584 = arith.index_cast %swap3A_1583 : i32 to index
          %swap3A_1585 = arith.constant 208 : index
          %swap3A_1586 = tpu.vector_load %arg8[%swap3A_1584, %swap3A_1585] {strides = array<i32>} : memref<8x256xf32, #tpu.memory_space<vmem>>, vector<1x16xf32>,
          %swap3A_1587 = vector.shape_cast %swap3A_1586 : vector<1x16xf32> to vector<16xf32>
          %swap3A_1588 = vector.shape_cast %get3A_1582 : vector<16xf32> to vector<1x16xf32>
          tpu.vector_store %arg8[%swap3A_1584, %swap3A_1585], %swap3A_1588 {strides = array<i32>} : memref<8x256xf32, #tpu.memory_space<vmem>>, vector<1x16xf32>,
          %get3A_1589 = arith.index_cast %select_n3A_1448 : i32 to index
          %get3A_1590 = arith.constant 224 : index
          %get3A_1591 = tpu.vector_load %arg6[%get3A_1589, %get3A_1590] {strides = array<i32>} : memref<32x256xf32, #tpu.memory_space<vmem>>, vector<1x16xf32>,
          %get3A_1592 = vector.shape_cast %get3A_1591 : vector<1x16xf32> to vector<16xf32>
          %swap3A_1593 = arith.constant 7 : i32
          %swap3A_1594 = arith.index_cast %swap3A_1593 : i32 to index
          %swap3A_1595 = arith.constant 224 : index
          %swap3A_1596 = tpu.vector_load %arg8[%swap3A_1594, %swap3A_1595] {strides = array<i32>} : memref<8x256xf32, #tpu.memory_space<vmem>>, vector<1x16xf32>,
          %swap3A_1597 = vector.shape_cast %swap3A_1596 : vector<1x16xf32> to vector<16xf32>
          %swap3A_1598 = vector.shape_cast %get3A_1592 : vector<16xf32> to vector<1x16xf32>
          tpu.vector_store %arg8[%swap3A_1594, %swap3A_1595], %swap3A_1598 {strides = array<i32>} : memref<8x256xf32, #tpu.memory_space<vmem>>, vector<1x16xf32>,
          %get3A_1599 = arith.index_cast %select_n3A_1448 : i32 to index
          %get3A_1600 = arith.constant 240 : index
          %get3A_1601 = tpu.vector_load %arg6[%get3A_1599, %get3A_1600] {strides = array<i32>} : memref<32x256xf32, #tpu.memory_space<vmem>>, vector<1x16xf32>,
          %get3A_1602 = vector.shape_cast %get3A_1601 : vector<1x16xf32> to vector<16xf32>
          %swap3A_1603 = arith.constant 7 : i32
          %swap3A_1604 = arith.index_cast %swap3A_1603 : i32 to index
          %swap3A_1605 = arith.constant 240 : index
          %swap3A_1606 = tpu.vector_load %arg8[%swap3A_1604, %swap3A_1605] {strides = array<i32>} : memref<8x256xf32, #tpu.memory_space<vmem>>, vector<1x16xf32>,
          %swap3A_1607 = vector.shape_cast %swap3A_1606 : vector<1x16xf32> to vector<16xf32>
          %swap3A_1608 = vector.shape_cast %get3A_1602 : vector<16xf32> to vector<1x16xf32>
          tpu.vector_store %arg8[%swap3A_1604, %swap3A_1605], %swap3A_1608 {strides = array<i32>} : memref<8x256xf32, #tpu.memory_space<vmem>>, vector<1x16xf32>,
          %multiple_of3A_1609 = tpu.assume_multiple %and3A_266, 8 : i32
          "tpu.region"() ({
            %run_scoped3A = tpu.sem_alloc : memref<!tpu.dma_semaphore, #tpu.memory_space<semaphore_mem>>
            %dma_start3A = arith.constant 0 : i32
            %dma_start3A_1610 = tpu.memref_slice %arg4[%multiple_of3A_1609, %dma_start3A] : memref<200000x256xf32, #tpu.memory_space<hbm>> -> memref<8x256xf32, #tpu.memory_space<hbm>>
            %dma_start3A_1611 = arith.constant 0 : i32
            %dma_start3A_1612 = tpu.memref_slice %arg4[%multiple_of3A_1609, %dma_start3A_1611] : memref<200000x256xf32, #tpu.memory_space<hbm>> -> memref<8x256xf32, #tpu.memory_space<hbm>>
            tpu.enqueue_dma source(%arg8 : memref<8x256xf32, #tpu.memory_space<vmem>>) target(%dma_start3A_1612 : memref<8x256xf32, #tpu.memory_space<hbm>>) target_semaphore(%run_scoped3A : memref<!tpu.dma_semaphore, #tpu.memory_space<semaphore_mem>>)
            %dma_wait3A = arith.constant 0 : i32
            %dma_wait3A_1613 = tpu.memref_slice %arg4[%multiple_of3A_1609, %dma_wait3A] : memref<200000x256xf32, #tpu.memory_space<hbm>> -> memref<8x256xf32, #tpu.memory_space<hbm>>
            %dma_wait3A_1614 = arith.constant 0 : i32
            %dma_wait3A_1615 = tpu.memref_slice %arg4[%multiple_of3A_1609, %dma_wait3A_1614] : memref<200000x256xf32, #tpu.memory_space<hbm>> -> memref<8x256xf32, #tpu.memory_space<hbm>>
            tpu.wait_dma2 semaphore(%run_scoped3A : memref<!tpu.dma_semaphore, #tpu.memory_space<semaphore_mem>>) src(%arg8 : memref<8x256xf32, #tpu.memory_space<vmem>>) dst(%dma_wait3A_1615 : memref<8x256xf32, #tpu.memory_space<hbm>>)
            tpu.yield
          }) : () -> ()
        } else {
        }
      } else {
      }
      scf.yield %min3A_257 : i32
    }
    %scan3A_23 = arith.constant 32 : i32
    return
  }
}

</mosaic_0001>

<sc_bundles>
// kernel: kernel.3.cloned.1.call-start
scs
__scs_entry_jumppad:
0x0: {  	(pc) =	sbr.rel $0x88, $3  }
0x1: {  	(tag) =	ssettag $0x0;
	lr =	simm.s32 $0x1  }
0x2: {  	[smem:$0x3F9F] =	sst lr;
	_ =	strace $0xD0000000  }
0x3: {  	_ = 	snop  }
0x4: {  	_ = 	snop  }
0x5: {  	_ = 	snop  }
0x6: {  	_ = 	snop  }
0x7: {  	_ = 	snop  }
__scs_overlays_trampoline_lowered:
0x8: {  	[smem:$0x3FAE] =	sst s0  }
0x9: {  	[smem:$0x3FAF] =	sst s1  }
0xa: {  	[smem:$0x3FB0] =	sst s2  }
0xb: {  	[smem:$0x3FB1] =	sst s3  }
0xc: {  	[smem:$0x3FB2] =	sst s4  }
0xd: {  	[smem:$0x3FB3] =	sst s5  }
0xe: {  	[smem:$0x3FB4] =	sst s6  }
0xf: {  	[smem:$0x3FB5] =	sst s7  }
0x10: {  	[smem:$0x3FB6] =	sst s8  }
0x11: {  	[smem:$0x3FB7] =	sst s9;
	s0 =	simm.s32 @!p0 $0x0  }
0x12: {  	s1 =	sld [smem:$0x3F9D];
	s0 =	simm.s32 @p0 $0x1  }
0x13: {  	[smem:$0x3FB8] =	sst s0;
	s0 =	simm.s32 @!p1 $0x0  }
0x14: {  	s2 =	sld [smem:$0x3F9C];
	s0 =	simm.s32 @p1 $0x1  }
0x15: {  	[smem:$0x3FB9] =	sst s0;
	s0 =	simm.s32 @!p2 $0x0  }
0x16: {  	s3 =	sld [smem:$0x3FDB];
	s0 =	simm.s32 @p2 $0x1  }
0x17: {  	s4 =	simm.s32 $0x1BF5;
	[smem:$0x3FBB] =	sst s0  }
0x18: {  	s0 =	sld [smem:$0x3F9E];
	_ =	swait.ge [sflag:s4], $0x0  }
0x19: {  	s7 =	sld [smem:$0x3F9F]  }
0x1a: {  	s8 =	sadd.s32 $0xFFFFE003, lr  }
0x1b: {  	s9 =	sadd.s32 $0xFFFFFEF7, lr;
	s5 =	simm.s32 $0xFFFFFFFF;
	p2 =	slt.u32 s8, $0xFFFFF086  }
0x1c: {  	p1 =	slt.u32 s9, $0xF7A;
	s5 =	simm.s32 @!p2 $0x0  }
0x1d: {  	s5 =	simm.s32 @p1 $0x1;
	p0 =	seq.s32 s7, s2  }
0x1e: {  	s7 =	smul.u32 @!p0 $0xF7A, s2;
	p2 =	seq.s32 @!p0 s5, $0x0  }
0x1f: {  	s9 =	smul.u32 $0xF7A, s1;
	s8 =	simm.s32 @!p0 $0x1BF5;
	p2 =	por !p2, p0  }
0x20: {  	[sflag:s8] =	ssyncset.s32 @!p0 $0xFFFFF086;
	s6 =	sadd.s32 @!p0 s3, s7;
	s7 =	simm.s32 @!p0 $0x108  }
0x21: {  	s3 =	sadd.s32 s3, s9;
	s6 =	sadd.s32 @!p0 $0x88, s6;
	s7 =	simm.s32 @p2 $0x1082  }
0x22: {  	[simem:s7], [sflag:s8] =	dma.local @!p0 [hbm:s6], $0xF7A  }
0x23: {  	s9 =	sor.u32 $0xD0000000, s2;
	s6 =	simm.s32 $0x108;
	_ =	swait.ge @!p0 [sflag:s8], $0x0  }
0x24: {  	s3 =	sadd.s32 $0x88, s3;
	s6 =	simm.s32 @!p1 $0x1082;
	[sflag:s4] =	ssyncset.s32 $0xFFFFF086  }
0x25: {  	[simem:s6], [sflag:s4] =	dma.local [hbm:s3], $0xF7A  }
0x26: {  	[smem:$0x3F9F] =	sst s1;
	(tag) =	ssettag s2;
	_ =	strace s9  }
0x27: {  	s1 =	sld [smem:$0x3FAF]  }
0x28: {  	s2 =	sld [smem:$0x3FB0]  }
0x29: {  	s4 =	sld [smem:$0x3FB2]  }
0x2a: {  	p0 =	seq.s32 s5, $0x0;
	s5 =	sld [smem:$0x3FB3]  }
0x2b: {  	s6 =	sld [smem:$0x3FB4]  }
0x2c: {  	s7 =	sld [smem:$0x3FB5]  }
0x2d: {  	s3 =	simm.s32 $0x108;
	s8 =	sld [smem:$0x3FB6]  }
0x2e: {  	s3 =	simm.s32 @!p0 $0x1082;
	s9 =	sld [smem:$0x3FB7]  }
0x2f: {  	lr =	sadd.s32 s0, s3;
	s0 =	sld [smem:$0x3FAE]  }
0x30: {  	s3 =	sld [smem:$0x3FB1]  }
0x31: {  	[smem:$0x3FBA] =	sst s10  }
0x32: {  	s10 =	sld [smem:$0x3FB8];
	_ =	sdelay $0x3  }
0x33: {  	p0 =	seq.s32 s10, $0x1;
	s10 =	sld [smem:$0x3FBA];
	_ =	sdelay $0x3  }
0x34: {  	[smem:$0x3FBA] =	sst s10  }
0x35: {  	s10 =	sld [smem:$0x3FB9];
	_ =	sdelay $0x3  }
0x36: {  	p1 =	seq.s32 s10, $0x1;
	s10 =	sld [smem:$0x3FBA];
	_ =	sdelay $0x3  }
0x37: {  	[smem:$0x3FBA] =	sst s10  }
0x38: {  	s10 =	sld [smem:$0x3FBB]  }
0x39: {  	_ = 	snop;
	(pc) =	sbr.ind lr, $3  }
0x3a: {  	_ = 	snop  }
0x3b: {  	_ = 	snop  }
0x3c: {  	p2 =	seq.s32 s10, $0x1;
	s10 =	sld [smem:$0x3FBA]  }
0x3d: {  	_ =	shalt  }
0x3e: {  	_ =	shalt  }
0x3f: {  	_ =	shalt  }
0x40: {  	_ =	shalt  }
0x41: {  	_ =	shalt  }
0x42: {  	_ =	shalt  }
0x43: {  	_ =	shalt  }
0x44: {  	_ =	shalt  }
0x45: {  	_ =	shalt  }
0x46: {  	_ =	shalt  }
0x47: {  	_ =	shalt  }
0x48: {  	_ =	shalt  }
0x49: {  	_ =	shalt  }
0x4a: {  	_ =	shalt  }
0x4b: {  	_ =	shalt  }
0x4c: {  	_ =	shalt  }
0x4d: {  	_ =	shalt  }
0x4e: {  	_ =	shalt  }
0x4f: {  	_ =	shalt  }
0x50: {  	_ =	shalt  }
0x51: {  	_ =	shalt  }
0x52: {  	_ =	shalt  }
0x53: {  	_ =	shalt  }
0x54: {  	_ =	shalt  }
0x55: {  	_ =	shalt  }
0x56: {  	_ =	shalt  }
0x57: {  	_ =	shalt  }
0x58: {  	_ =	shalt  }
0x59: {  	_ =	shalt  }
0x5a: {  	_ =	shalt  }
0x5b: {  	_ =	shalt  }
0x5c: {  	_ =	shalt  }
0x5d: {  	_ =	shalt  }
0x5e: {  	_ =	shalt  }
0x5f: {  	_ =	shalt  }
0x60: {  	_ =	shalt  }
0x61: {  	_ =	shalt  }
0x62: {  	_ =	shalt  }
0x63: {  	_ =	shalt  }
0x64: {  	_ =	shalt  }
0x65: {  	_ =	shalt  }
0x66: {  	_ =	shalt  }
0x67: {  	_ =	shalt  }
0x68: {  	_ =	shalt  }
0x69: {  	_ =	shalt  }
0x6a: {  	_ =	shalt  }
0x6b: {  	_ =	shalt  }
0x6c: {  	_ =	shalt  }
0x6d: {  	_ =	shalt  }
0x6e: {  	_ =	shalt  }
0x6f: {  	_ =	shalt  }
0x70: {  	_ =	shalt  }
0x71: {  	_ =	shalt  }
0x72: {  	_ =	shalt  }
0x73: {  	_ =	shalt  }
0x74: {  	_ =	shalt  }
0x75: {  	_ =	shalt  }
0x76: {  	_ =	shalt  }
0x77: {  	_ =	shalt  }
0x78: {  	_ =	shalt  }
0x79: {  	_ =	shalt  }
0x7a: {  	_ =	shalt  }
0x7b: {  	_ =	shalt  }
0x7c: {  	_ =	shalt  }
0x7d: {  	_ =	shalt  }
0x7e: {  	_ =	shalt  }
0x7f: {  	_ =	shalt  }
0x80: {  	_ =	shalt  }
0x81: {  	_ =	shalt  }
0x82: {  	_ =	shalt  }
0x83: {  	_ =	shalt  }
0x84: {  	_ =	shalt  }
0x85: {  	_ =	shalt  }
0x86: {  	_ =	shalt  }
0x87: {  	_ =	shalt  }
.Lfunc_end0:
.L_simem_size_0:
called_computation_lowered:
.L_overlay_start_0:
0x88: {  	s2 =	sld [smem:$0x3FD9]  }
0x89: {  	s3 =	sld [smem:$0x3FFE];
	_ =	sdelay $0x1  }
0x8a: {  	s1 =	srdreg.scid  }
0x8b: {  	s0 =	sand.u32 $0x1, s1  }
0x8c: {  	s18 =	sshll.u32 s0, $0xA;
	s2 =	sadd.s32 s3, s2  }
0x8d: {  	s2 =	sadd.s32 s2, s18  }
0x8e: {  	[smem:$0x3FC6] =	sst s2  }
0x8f: {  	_ = 	snop  }
0x90: {  	s2 =	sld [smem:$0x3FC9]  }
0x91: {  	s19 =	sld [smem:$0x3FC8]  }
0x92: {  	s4 =	sld [smem:$0x3FD0];
	(tm) =	ssettm $0x1  }
0x93: {  	s5 =	sld [smem:$0x3FFB];
	_ =	sdelay $0x3  }
0x94: {  	_ =	strace s5  }
0x95: {  	s5 =	sld [smem:$0x3FFC];
	_ =	sdelay $0x3  }
0x96: {  	_ =	strace s5  }
0x97: {  	s5 =	sld [smem:$0x3FFD];
	_ =	sdelay $0x3  }
0x98: {  	_ =	strace s5  }
0x99: {  	_ =	strace $0x8FFFFFFF  }
0x9a: {  	s20 =	sld [smem:$0x3FDB];
	_ =	sdelay $0x1  }
0x9b: {  	s6 =	simm.s32 $_scs_section_size  }
0x9c: {  	s7 =	simm.s32 $_size__tile_overlayer_lowered;
	s8 =	simm.s32 $_tile_overlayer_lowered  }
0x9d: {  	s23 =	simm.s32 $0x1BFF;
	s22 =	sshll.u32 s8, $0x1;
	s5 =	sadd.s32 s6, s20  }
0x9e: {  	s9 =	simm.s32 $0x0;
	s21 =	sshll.u32 s7, $0x1;
	s7 =	sadd.s32 s22, s5  }
0x9f: {  	[timem:s9], [sflag:s23] =	dma.local [hbm:s7], s21  }
0xa0: {  	_ =	swait.ge [sflag:s23], s21  }
0xa1: {  	s6 =	ssub.s32 $0x0, s21;
	[sflag:s23] =	ssyncset.done $0x0  }
0xa2: {  	[sflag:s23] =	ssyncadd.s32 s6;
	_ =	sdelay $0x1  }
0xa3: {  	s24 =	simm.s32 $0x1B8B  }
0xa4: {  	_ =	swait.ge [sflag:s24], $0x1  }
0xa5: {  	[sflag:s24] =	ssyncset.done $0x0  }
0xa6: {  	s25 =	simm.s32 $0x1B8E;
	[sflag:s24] =	ssyncadd.s32 $0xFFFFFFFF  }
0xa7: {  	s26 =	simm.s32 $execute0_lowered;
	[smem:$0x3FD2] =	sst s25  }
0xa8: {  	s6 =	sshll.u32 s26, $0x1;
	_ =	strace $0x80000046;
	[dreg:$0x1] =	wrdreg $0xFFFFFFFF  }
0xa9: {  	s28 =	simm.s32 $_size_execute0_lowered;
	s5 =	sadd.s32 s5, s6;
	[dreg:$0x0] =	wrdreg $0x0  }
0xaa: {  	s6 =	sshll.u32 s28, $0x1;
	[dreg:$0x2] =	wrdreg s5  }
0xab: {  	[dreg:$0x3] =	wrdreg s6  }
0xac: {  	[dreg:$0x4] =	wrdreg $0xC0  }
0xad: {  	_ =	task [dreg:s9], $0x5FFFF  }
0xae: {  	[dreg:$0x1] =	wrdreg $0xFFFFFFFF  }
0xaf: {  	[dreg:$0x0] =	wrdreg $0x60  }
0xb0: {  	[dreg:$0x2] =	wrdreg s19  }
0xb1: {  	[dreg:$0x3] =	wrdreg s2  }
0xb2: {  	[dreg:$0x4] =	wrdreg s4  }
0xb3: {  	[dreg:$0x5] =	wrdreg $0x9  }
0xb4: {  	_ =	task.clear_ibuf [dreg:s9], $0x6FFFF;
	_ =	strace $0x90000046  }
0xb5: {  	s29 =	simm.s32 $0x9;
	_ =	strace $0x80000048  }
0xb6: {  	_ =	swait.ge [sflag:s29], $0x1  }
0xb7: {  	[sflag:s29] =	ssyncadd.s32 $0xFFFFFFFF  }
0xb8: {  	_ =	strace $0x90000048  }
0xb9: {  	_ =	sfence  }
0xba: {  	s30 =	sld [smem:$0x0];
	_ =	sdelay $0x2  }
0xbb: {  	s31 =	sshll.u32 s1, $0xD;
	s1 =	sshrl.u32 s1, $0x2  }
0xbc: {  	s3 =	sand.u32 $0x4000, s31;
	s1 =	sadd.s32 s1, s30  }
0xbd: {  	s0 =	sor.u32 s3, s0;
	s1 =	sshll.u32 s1, $0x11  }
0xbe: {  	s0 =	sor.u32 s1, s0  }
0xbf: {  	s0 =	sadd.s32 $0x8F2B, s0  }
0xc0: {  	[sflag:s0] =	ssyncadd.remote.s32 $0x1  }
0xc1: {  	_ =	sfence.sel $0xFFFF  }
0xc2: {  	[dreg:$0x0] =	wrdreg $0xFFFFFFFF;
	(pc) =	sbr.abs _section_cstart, $3  }
0xc3: {  	[dreg:$0x1] =	wrdreg $0xFFFFFFFF  }
0xc4: {  	_ =	task.clear_ibuf [dreg:s9], $0x2FFFF;
	_ =	strace $0x9FFFFFFF  }
0xc5: {  	(tm) =	ssettm $0x7FFFFFFF  }
tec
execute0_lowered:
.L_overlay_start_1:
0x0: {  	(tag) =	ssettag $0x1  }
0x1: {  	s7 =	rddreg [dreg:$0x0]  }
0x2: {  	s2 =	rddreg [dreg:$0x1]  }
0x3: {  	s3 =	rddreg [dreg:$0x2]  }
0x4: {  	s0 =	rddreg [dreg:$0x3]  }
0x5: {  	s5 =	srdreg.scid;
	s1 =	stileid.u32;
	s4 =	simm.s32 $0x0  }
0x6: {  	s14 =	simm.s32 $0x3880;
	s15 =	simm.s32 $0x4080;
	s16 =	simm.s32 $0x0  }
0x7: {  	s6 =	sand.u32 $0x1, s5;
	s26 =	sshll.u32 s1, $0x1;
	s13 =	smul.u32 $0x30D4, s1  }
0x8: {  	s8 =	ssub.s32 $0x2, s6;
	s5 =	sor.u32 s6, s26;
	s6 =	smul.u32 $0x186A, s6  }
0x9: {  	[smem:$0x7FF] =	sst s4;
	s10 =	smul.u32 $0x186A, s5;
	s5 =	sshll.u32 s5, $0x1  }
0xa: {  	_ =	strace $0x80000047;
	s9 =	sshrl.u32 s8, $0x1;
	s11 =	sand.u32 $0x6, s5  }
0xb: {  	s12 =	sadd.s32 $0x2, s5;
	s9 =	ssub.s32 s8, s9;
	s30 =	sadd.s32 s6, s13  }
.Ltmp0:
0xc: {  	s13 =	simm.s32 $0x1;
	s5 =	ssub.s32 s10, s11;
	(pc) =	sbr.rel .LBB2_1-.Ltmp0, $4  }
0xd: {  	s12 =	sand.u32 $0x6, s12;
	s31 =	ssub.s32 s30, s11;
	s9 =	smax.u32 s9, $0x1  }
0xe: {  	s11 =	simm.s32 $0x2;
	s28 =	sor.u32 s12, s5;
	s29 =	sshrl.u32 s5, $0x3  }
0xf: {  	s12 =	simm.s32 $0x1880;
	s8 =	ssub.s32 s10, s28;
	s7 =	sadd.s32 s7, s29  }
0x10: {  	v0 =	vimm.s32 $0x0;
	s10 =	sadd.s32 $0x7, s31;
	s6 =	sadd.s32 $0x186A, s8;
	s8 =	sor.u32 $0x7, s5  }
.LBB2_15:
0x11: {  	s16 =	sadd.s32 $0x1, s16  }
0x12: {  	p0 =	sne.s32 s16, s9  }
.Ltmp1:
0x13: {  	_ = 	snop;
	(pc) =	sbr.rel @!p0 .LBB2_16-.Ltmp1, $1  }
0x14: {  	_ =	sdelay $0x3  }
.LBB2_1:
0x15: {  	[tilespmem:s4], [sflag:$0x2] =	stream.linear.gather [hbm4b:s7+s4], $0x1870, $0x38;
	[tilespmem:$0x4880] =	vst v63  }
0x16: {  	_ =	swait.ge [sflag:s11], $0x1870  }
0x17: {  	[sflag:s11] =	ssyncset.done $0x0  }
.Ltmp2:
0x18: {  	[sflag:s11] =	ssyncadd.s32 $0xFFFFE790;
	(pc) =	sbr.rel .LBB2_2-.Ltmp2, $4  }
0x19: {  	[tilespmem:s12], [sflag:$0x2] =	stream.linear.gather [hbm4b:s2+s4], $0x2000, $0x38;
	[tilespmem:$0x4880] =	vst v63  }
0x1a: {  	_ =	swait.ge [sflag:s11], $0x2000  }
0x1b: {  	[sflag:s11] =	ssyncset.done $0x0  }
0x1c: {  	s17 =	simm.s32 $0x0;
	s18 =	simm.s32 $0x0;
	[sflag:s11] =	ssyncadd.s32 $0xFFFFE000  }
.LBB2_14:
0x1d: {  	p0 =	sne.s32 s18, $0x20  }
.Ltmp3:
0x1e: {  	_ = 	snop;
	(pc) =	sbr.rel @!p0 .LBB2_15-.Ltmp3, $1  }
0x1f: {  	_ =	sdelay $0x3  }
.LBB2_2:
0x20: {  	v1 =	vld [tilespmem:$0xFF0];
	_ =	sdelay $0x4  }
0x21: {  	(v2sf) =	vpush v1, $0xF;
	_ =	sdelay $0xe  }
0x22: {  	s23 =	smov.u32 s18;
	s26 =	spop (v2sf)  }
0x23: {  	s19 =	simm.s32 $0x0;
	p0 =	sgt.s32 s26, s23  }
0x24: {  	s19 =	simm.s32 @!p0 $0x100  }
0x25: {  	s28 =	sshll.u32 s19, $0x4  }
0x26: {  	v1 =	vld [tilespmem:s28+$0x7F0];
	_ =	sdelay $0x4  }
0x27: {  	(v2sf) =	vpush v1, $0xF;
	_ =	sdelay $0xe  }
0x28: {  	s20 =	spop (v2sf)  }
0x29: {  	s18 =	sor.u32 $0x80, s19;
	p0 =	sgt.s32 s20, s23  }
0x2a: {  	s18 =	smov.u32 @p0 s19  }
0x2b: {  	s19 =	sor.u32 $0x3F, s18  }
0x2c: {  	s19 =	smin.u32 s19, $0x186  }
0x2d: {  	s19 =	sshll.u32 s19, $0x4  }
0x2e: {  	v1 =	vld [tilespmem:s19+$0x0];
	_ =	sdelay $0x4  }
0x2f: {  	(v2sf) =	vpush v1, $0xF;
	_ =	sdelay $0xd  }
0x30: {  	s19 =	sor.u32 $0x40, s18  }
0x31: {  	s21 =	smov.u32 s18;
	p0 =	slt.u32 s19, $0x188;
	s29 =	spop (v2sf)  }
0x32: {  	s21 =	smov.u32 @p0 s19;
	p1 =	sle.s32 s29, s23  }
0x33: {  	s18 =	smov.u32 @p1 s21  }
0x34: {  	s30 =	sor.u32 $0x1F, s18  }
0x35: {  	s19 =	smin.u32 s30, $0x186  }
0x36: {  	s19 =	sshll.u32 s19, $0x4  }
0x37: {  	v1 =	vld [tilespmem:s19+$0x0];
	_ =	sdelay $0x4  }
0x38: {  	(v2sf) =	vpush v1, $0xF;
	_ =	sdelay $0xd  }
0x39: {  	s19 =	sor.u32 $0x20, s18  }
0x3a: {  	s21 =	smov.u32 s18;
	p0 =	slt.u32 s19, $0x188;
	s31 =	spop (v2sf)  }
0x3b: {  	s21 =	smov.u32 @p0 s19;
	p1 =	sle.s32 s31, s23  }
0x3c: {  	s18 =	smov.u32 @p1 s21  }
0x3d: {  	s22 =	smin.u32 s18, $0x177  }
0x3e: {  	s19 =	sshll.u32 s22, $0x4  }
0x3f: {  	v1 =	vld [tilespmem:s19+$0xF0];
	_ =	sdelay $0x4  }
0x40: {  	(v2sf) =	vpush v1, $0xF;
	_ =	sdelay $0xd  }
0x41: {  	p0 =	slt.u32 s18, $0x178  }
0x42: {  	s21 =	smov.u32 s18;
	s19 =	sadd.s32 $0x10, s18;
	s24 =	spop (v2sf)  }
0x43: {  	s21 =	smov.u32 @p0 s19;
	p1 =	sle.s32 s24, s23  }
0x44: {  	s18 =	smov.u32 @p1 s21  }
0x45: {  	s25 =	smin.u32 s18, $0x17F  }
0x46: {  	s19 =	sshll.u32 s25, $0x4  }
0x47: {  	v1 =	vld [tilespmem:s19+$0x70];
	_ =	sdelay $0x4  }
0x48: {  	(v2sf) =	vpush v1, $0xF;
	_ =	sdelay $0xd  }
0x49: {  	p0 =	slt.u32 s18, $0x180  }
0x4a: {  	s21 =	smov.u32 s18;
	s19 =	sadd.s32 $0x8, s18;
	s26 =	spop (v2sf)  }
0x4b: {  	s21 =	smov.u32 @p0 s19;
	p1 =	sle.s32 s26, s23  }
0x4c: {  	s18 =	smov.u32 @p1 s21  }
0x4d: {  	s28 =	smin.u32 s18, $0x183  }
0x4e: {  	s19 =	sshll.u32 s28, $0x4  }
0x4f: {  	v1 =	vld [tilespmem:s19+$0x30];
	_ =	sdelay $0x4  }
0x50: {  	(v2sf) =	vpush v1, $0xF;
	_ =	sdelay $0xd  }
0x51: {  	p0 =	slt.u32 s18, $0x184  }
0x52: {  	s21 =	smov.u32 s18;
	s19 =	sadd.s32 $0x4, s18;
	s29 =	spop (v2sf)  }
0x53: {  	s21 =	smov.u32 @p0 s19;
	p1 =	sle.s32 s29, s23  }
0x54: {  	s18 =	smov.u32 @p1 s21  }
0x55: {  	s30 =	smin.u32 s18, $0x185  }
0x56: {  	s19 =	sshll.u32 s30, $0x4  }
0x57: {  	v1 =	vld [tilespmem:s19+$0x10];
	_ =	sdelay $0x4  }
0x58: {  	(v2sf) =	vpush v1, $0xF;
	_ =	sdelay $0xd  }
0x59: {  	p0 =	slt.u32 s18, $0x186  }
0x5a: {  	s21 =	smov.u32 s18;
	s19 =	sadd.s32 $0x2, s18;
	s31 =	spop (v2sf)  }
0x5b: {  	s21 =	smov.u32 @p0 s19;
	p1 =	sle.s32 s31, s23  }
0x5c: {  	s18 =	smov.u32 @p1 s21  }
0x5d: {  	s20 =	smin.u32 s18, $0x186  }
0x5e: {  	s19 =	sshll.u32 s20, $0x4  }
0x5f: {  	v1 =	vld [tilespmem:s19+$0x0];
	_ =	sdelay $0x4  }
0x60: {  	(v2sf) =	vpush v1, $0xF;
	_ =	sdelay $0xe  }
0x61: {  	s21 =	spop (v2sf)  }
0x62: {  	p5 =	slt.u32 s18, $0x187;
	p6 =	sle.s32 s21, s23  }
0x63: {  	p0 =	por !p6, !p5  }
0x64: {  	s19 =	simm.s32 $0x1;
	p0 =	por !p0, !p0  }
0x65: {  	s19 =	simm.s32 @!p0 $0x0  }
0x66: {  	s19 =	sadd.s32 s19, s18  }
0x67: {  	s18 =	smin.u32 s19, $0x186  }
0x68: {  	s18 =	sshll.u32 s18, $0x4  }
0x69: {  	v1 =	vld [tilespmem:s18+$0x0];
	_ =	sdelay $0x3  }
0x6a: {  	s18 =	sadd.s32 $0x1, s23  }
0x6b: {  	vm0 =	vlt.s32 v1, s18  }
0x6c: {  	v1 =	vsel vm0, $0x1, v0  }
0x6d: {  	(v2sf) =	vpush v1, $0x0  }
0x6e: {  	(v2sf) =	vpush v1, $0x1  }
0x6f: {  	(v2sf) =	vpush v1, $0x2  }
0x70: {  	(v2sf) =	vpush v1, $0x3  }
0x71: {  	(v2sf) =	vpush v1, $0x4  }
0x72: {  	(v2sf) =	vpush v1, $0x5  }
0x73: {  	(v2sf) =	vpush v1, $0x6  }
0x74: {  	(v2sf) =	vpush v1, $0x7  }
0x75: {  	(v2sf) =	vpush v1, $0x8  }
0x76: {  	(v2sf) =	vpush v1, $0x9  }
0x77: {  	(v2sf) =	vpush v1, $0xA  }
0x78: {  	(v2sf) =	vpush v1, $0xB  }
0x79: {  	(v2sf) =	vpush v1, $0xC  }
0x7a: {  	(v2sf) =	vpush v1, $0xD  }
0x7b: {  	(v2sf) =	vpush v1, $0xE  }
0x7c: {  	s22 =	spop (v2sf);
	(v2sf) =	vpush v1, $0xF  }
0x7d: {  	s24 =	spop (v2sf)  }
0x7e: {  	s20 =	sadd.s32 s24, s22;
	s25 =	spop (v2sf)  }
0x7f: {  	s20 =	sadd.s32 s25, s20;
	s26 =	spop (v2sf)  }
0x80: {  	s20 =	sadd.s32 s26, s20;
	s28 =	spop (v2sf)  }
0x81: {  	s20 =	sadd.s32 s28, s20;
	s29 =	spop (v2sf)  }
0x82: {  	s20 =	sadd.s32 s29, s20;
	s30 =	spop (v2sf)  }
0x83: {  	s20 =	sadd.s32 s30, s20;
	s31 =	spop (v2sf)  }
0x84: {  	s20 =	sadd.s32 s31, s20;
	s22 =	spop (v2sf)  }
0x85: {  	s20 =	sadd.s32 s22, s20;
	s24 =	spop (v2sf)  }
0x86: {  	s20 =	sadd.s32 s24, s20;
	s25 =	spop (v2sf)  }
0x87: {  	s20 =	sadd.s32 s25, s20;
	s26 =	spop (v2sf)  }
0x88: {  	s20 =	sadd.s32 s26, s20;
	s28 =	spop (v2sf)  }
0x89: {  	s20 =	sadd.s32 s28, s20;
	s29 =	spop (v2sf)  }
0x8a: {  	s20 =	sadd.s32 s29, s20;
	s30 =	spop (v2sf)  }
0x8b: {  	s20 =	sadd.s32 s30, s20;
	s31 =	spop (v2sf)  }
0x8c: {  	s19 =	sshll.u32 s19, $0x4;
	s20 =	sadd.s32 s31, s20  }
0x8d: {  	s19 =	sadd.s32 s19, s20  }
0x8e: {  	s21 =	smov.u32 s17;
	s17 =	smov.u32 s6;
	p0 =	slt.s32 s19, s6  }
0x8f: {  	s17 =	smov.u32 @p0 s19  }
0x90: {  	s19 =	ssub.s32 s17, s21  }
0x91: {  	p0 =	slt.s32 s19, $0x1  }
.Ltmp4:
0x92: {  	_ = 	snop;
	(pc) =	sbr.rel @p0 .LBB2_14-.Ltmp4, $1  }
0x93: {  	_ =	sdelay $0x3  }
0x94: {  	s19 =	sadd.s32 s5, s17;
	s20 =	sadd.s32 s21, s8  }
0x95: {  	s22 =	sand.u32 $0xFFFFFFF8, s20;
	s20 =	sand.u32 $0xFFFFFFF8, s19  }
0x96: {  	p0 =	sle.s32 s20, s22  }
.Ltmp5:
0x97: {  	_ = 	snop;
	(pc) =	sbr.rel @p0 .LBB2_12-.Ltmp5, $1  }
0x98: {  	_ =	sdelay $0x3  }
0x99: {  	s24 =	sshll.u32 s23, $0x8;
	s31 =	sshll.u32 s23, $0x7  }
0x9a: {  	s24 =	sand.u32 $0x1800, s24;
	s23 =	sand.u32 $0x380, s31  }
0x9b: {  	s24 =	sor.u32 s23, s24  }
0x9c: {  	s25 =	simm.s32 $0x100;
	s26 =	simm.s32 $0x300;
	s23 =	sadd.s32 $0x1880, s24;
	v1 =	vld [tilespmem:s24+$0x1880]  }
.LBB2_5:
0x9d: {  	p0 =	sne.s32 s26, $0xF00;
	_ =	sdelay $0x2  }
0x9e: {  	s28 =	sshra.s32 s25, $0x2;
	s25 =	smov.u32 s26  }
0x9f: {  	[tilespmem:s28+$0x3840] =	vst v1  }
0xa0: {  	v1 =	vld [tilespmem:s23+$0x10];
	_ =	sdelay $0x4  }
0xa1: {  	[tilespmem:s28+$0x3850] =	vst v1  }
0xa2: {  	v1 =	vld [tilespmem:s23+$0x20];
	_ =	sdelay $0x4  }
0xa3: {  	[tilespmem:s28+$0x3860] =	vst v1  }
0xa4: {  	v1 =	vld [tilespmem:s23+$0x30];
	_ =	sdelay $0x4  }
0xa5: {  	[tilespmem:s28+$0x3870] =	vst v1  }
0xa6: {  	v1 =	vld [tilespmem:s23+$0x40];
	_ =	sdelay $0x4  }
0xa7: {  	[tilespmem:s28+$0x3880] =	vst v1  }
0xa8: {  	v1 =	vld [tilespmem:s23+$0x50];
	_ =	sdelay $0x4  }
0xa9: {  	[tilespmem:s28+$0x3890] =	vst v1  }
0xaa: {  	v1 =	vld [tilespmem:s23+$0x60];
	_ =	sdelay $0x4  }
0xab: {  	[tilespmem:s28+$0x38A0] =	vst v1  }
0xac: {  	v1 =	vld [tilespmem:s23+$0x70];
	_ =	sdelay $0x4  }
0xad: {  	[tilespmem:s28+$0x38B0] =	vst v1  }
0xae: {  	v1 =	vld [tilespmem:s23+$0x400];
	_ =	sdelay $0x4  }
0xaf: {  	[tilespmem:s28+$0x3C40] =	vst v1  }
0xb0: {  	v1 =	vld [tilespmem:s23+$0x410];
	_ =	sdelay $0x4  }
0xb1: {  	[tilespmem:s28+$0x3C50] =	vst v1  }
0xb2: {  	v1 =	vld [tilespmem:s23+$0x420];
	_ =	sdelay $0x4  }
0xb3: {  	[tilespmem:s28+$0x3C60] =	vst v1  }
0xb4: {  	v1 =	vld [tilespmem:s23+$0x430];
	_ =	sdelay $0x4  }
0xb5: {  	[tilespmem:s28+$0x3C70] =	vst v1  }
0xb6: {  	v1 =	vld [tilespmem:s23+$0x440];
	_ =	sdelay $0x4  }
0xb7: {  	[tilespmem:s28+$0x3C80] =	vst v1  }
0xb8: {  	v1 =	vld [tilespmem:s23+$0x450];
	_ =	sdelay $0x4  }
0xb9: {  	[tilespmem:s28+$0x3C90] =	vst v1  }
0xba: {  	v1 =	vld [tilespmem:s23+$0x460];
	_ =	sdelay $0x4  }
0xbb: {  	[tilespmem:s28+$0x3CA0] =	vst v1  }
0xbc: {  	v1 =	vld [tilespmem:s23+$0x470];
	_ =	sdelay $0x1  }
.Ltmp6:
0xbd: {  	(pc) =	sbr.rel @p0 .LBB2_5-.Ltmp6, $3  }
0xbe: {  	_ =	sdelay $0x1  }
0xbf: {  	[tilespmem:s28+$0x3CB0] =	vst v1  }
0xc0: {  	s26 =	sadd.s32 $0x200, s26;
	v1 =	vld [tilespmem:s24+$0x1880]  }
0xc1: {  	_ =	sdelay $0x2  }
0xc2: {  	s24 =	sshra.s32 s25, $0x2  }
0xc3: {  	[tilespmem:s24+$0x3840] =	vst v1  }
0xc4: {  	v1 =	vld [tilespmem:s23+$0x10];
	_ =	sdelay $0x4  }
0xc5: {  	[tilespmem:s24+$0x3850] =	vst v1  }
0xc6: {  	v1 =	vld [tilespmem:s23+$0x20];
	_ =	sdelay $0x4  }
0xc7: {  	[tilespmem:s24+$0x3860] =	vst v1  }
0xc8: {  	v1 =	vld [tilespmem:s23+$0x30];
	_ =	sdelay $0x4  }
0xc9: {  	[tilespmem:s24+$0x3870] =	vst v1  }
0xca: {  	v1 =	vld [tilespmem:s23+$0x40];
	_ =	sdelay $0x4  }
0xcb: {  	[tilespmem:s24+$0x3880] =	vst v1  }
0xcc: {  	v1 =	vld [tilespmem:s23+$0x50];
	_ =	sdelay $0x4  }
0xcd: {  	[tilespmem:s24+$0x3890] =	vst v1  }
0xce: {  	v1 =	vld [tilespmem:s23+$0x60];
	_ =	sdelay $0x4  }
0xcf: {  	[tilespmem:s24+$0x38A0] =	vst v1  }
0xd0: {  	v1 =	vld [tilespmem:s23+$0x70];
	_ =	sdelay $0x4  }
0xd1: {  	[tilespmem:s24+$0x38B0] =	vst v1  }
0xd2: {  	v1 =	vld [tilespmem:s23+$0x400];
	_ =	sdelay $0x4  }
0xd3: {  	[tilespmem:s24+$0x3C40] =	vst v1  }
0xd4: {  	v1 =	vld [tilespmem:s23+$0x410];
	_ =	sdelay $0x4  }
0xd5: {  	[tilespmem:s24+$0x3C50] =	vst v1  }
0xd6: {  	v1 =	vld [tilespmem:s23+$0x420];
	_ =	sdelay $0x4  }
0xd7: {  	[tilespmem:s24+$0x3C60] =	vst v1  }
0xd8: {  	v1 =	vld [tilespmem:s23+$0x430];
	_ =	sdelay $0x4  }
0xd9: {  	[tilespmem:s24+$0x3C70] =	vst v1  }
0xda: {  	v1 =	vld [tilespmem:s23+$0x440];
	_ =	sdelay $0x4  }
0xdb: {  	[tilespmem:s24+$0x3C80] =	vst v1  }
0xdc: {  	v1 =	vld [tilespmem:s23+$0x450];
	_ =	sdelay $0x4  }
0xdd: {  	[tilespmem:s24+$0x3C90] =	vst v1  }
0xde: {  	v1 =	vld [tilespmem:s23+$0x460];
	_ =	sdelay $0x3  }
0xdf: {  	s22 =	ssub.s32 s19, s22  }
0xe0: {  	s22 =	sshra.s32 s22, $0x3;
	[tilespmem:s24+$0x3CA0] =	vst v1  }
0xe1: {  	p0 =	slt.s32 s22, $0x1;
	v1 =	vld [tilespmem:s23+$0x470]  }
.Ltmp7:
0xe2: {  	_ = 	snop;
	(pc) =	sbr.rel @p0 .LBB2_12-.Ltmp7, $2  }
0xe3: {  	_ =	sdelay $0x2  }
0xe4: {  	[tilespmem:s24+$0x3CB0] =	vst v1  }
0xe5: {  	s21 =	sadd.s32 s21, s10  }
0xe6: {  	p1 =	sne.s32 s22, $0x1;
	s21 =	sshll.u32 s21, $0x5  }
.Ltmp8:
0xe7: {  	p0 =	por $0x1, $0x1;
	s21 =	sand.u32 $0xFFFFFF00, s21;
	(pc) =	sbr.rel @!p1 .LBB2_9-.Ltmp8, $4  }
0xe8: {  	s24 =	simm.s32 @!p0 $0x1;
	s21 =	sadd.s32 s21, s3  }
0xe9: {  	[hbm4b:s21+s4] =	stream.linear.scatter [tilespmem:s14], [sflag:$0x1], $0x800, $0x38;
	[tilespmem:$0x4880] =	vst v63  }
0xea: {  	_ =	swait.ge @!p0 [sflag:s24], $0x800  }
0xeb: {  	s23 =	simm.s32 $0x1;
	[sflag:s24] =	ssyncset.done @!p0 $0x0  }
.LBB2_8:
0xec: {  	[sflag:s24] =	ssyncadd.s32 @!p0 $0xFFFFF800  }
0xed: {  	s21 =	sadd.s32 $0x100, s21;
	s24 =	smov.u32 s23;
	s23 =	sadd.s32 $0x1, s23  }
0xee: {  	p1 =	sne.s32 s22, s23  }
0xef: {  	[hbm4b:s21+s4] =	stream.linear.scatter [tilespmem:s14], [sflag:$0x1], $0x800, $0x38;
	[tilespmem:$0x4880] =	vst v63  }
.Ltmp9:
0xf0: {  	_ = 	snop;
	(pc) =	sbr.rel @p1 .LBB2_8-.Ltmp9, $4  }
0xf1: {  	p0 =	slt.u32 s24, $0x30  }
0xf2: {  	s24 =	simm.s32 @!p0 $0x1  }
0xf3: {  	_ =	swait.ge @!p0 [sflag:s24], $0x800  }
0xf4: {  	[sflag:s24] =	ssyncset.done @!p0 $0x0  }
.LBB2_9:
0xf5: {  	p1 =	slt.s32 s22, $0x30  }
0xf6: {  	s22 =	simm.s32 @!p1 $0x30  }
0xf7: {  	[sflag:s24] =	ssyncadd.s32 @!p0 $0xFFFFF800;
	p0 =	sne.s32 s22, $0x1  }
.Ltmp10:
0xf8: {  	_ = 	snop;
	(pc) =	sbr.rel @!p0 .LBB2_11-.Ltmp10, $3  }
0xf9: {  	_ =	sdelay $0x1  }
0xfa: {  	_ =	swait.ge [sflag:s13], $0x800  }
0xfb: {  	s21 =	sadd.s32 $0xFFFFFFFF, s22;
	[sflag:s13] =	ssyncset.done $0x0  }
.LBB2_10:
0xfc: {  	p0 =	sne.s32 s21, $0x1;
	s21 =	sadd.s32 $0xFFFFFFFF, s21;
	[sflag:s13] =	ssyncadd.s32 $0xFFFFF800  }
.Ltmp11:
0xfd: {  	(pc) =	sbr.rel @p0 .LBB2_10-.Ltmp11, $3  }
0xfe: {  	_ =	sdelay $0x1  }
0xff: {  	_ =	swait.ge [sflag:s13], $0x800  }
0x100: {  	[sflag:s13] =	ssyncset.done $0x0  }
.LBB2_11:
0x101: {  	[sflag:s13] =	ssyncadd.s32 $0xFFFFF800  }
.LBB2_12:
0x102: {  	s21 =	sand.u32 $0x7, s17  }
0x103: {  	p0 =	seq.s32 s21, $0x0  }
.Ltmp12:
0x104: {  	_ = 	snop;
	(pc) =	sbr.rel @p0 .LBB2_14-.Ltmp12, $1  }
0x105: {  	_ =	sdelay $0x3  }
0x106: {  	s20 =	ssub.s32 s20, s5  }
0x107: {  	s21 =	sand.u32 $0xFFFFFFF0, s20  }
0x108: {  	v1 =	vld [tilespmem:s21+$0x0];
	_ =	sdelay $0x4  }
0x109: {  	(v2sf) =	vpush v1, $0x8  }
0x10a: {  	(v2sf) =	vpush v1, $0x0;
	_ =	sdelay $0xd  }
0x10b: {  	s20 =	sand.u32 $0x8, s20;
	s21 =	spop (v2sf)  }
0x10c: {  	p0 =	seq.s32 s20, $0x0;
	s20 =	spop (v2sf)  }
0x10d: {  	s21 =	smov.u32 @p0 s20  }
0x10e: {  	s20 =	sshll.u32 s21, $0x8;
	s21 =	sshll.u32 s21, $0x7  }
0x10f: {  	s20 =	sand.u32 $0xFFFFF800, s20;
	s21 =	sand.u32 $0x380, s21  }
0x110: {  	s20 =	sor.u32 s21, s20  }
0x111: {  	v2 =	vld [tilespmem:s20+$0x1880];
	_ =	sdelay $0x4  }
0x112: {  	[tilespmem:$0x4080] =	vst v2  }
0x113: {  	v2 =	vld [tilespmem:s20+$0x1890];
	_ =	sdelay $0x4  }
0x114: {  	[tilespmem:$0x4090] =	vst v2  }
0x115: {  	v2 =	vld [tilespmem:s20+$0x18A0];
	_ =	sdelay $0x4  }
0x116: {  	[tilespmem:$0x40A0] =	vst v2  }
0x117: {  	v2 =	vld [tilespmem:s20+$0x18B0];
	_ =	sdelay $0x4  }
0x118: {  	[tilespmem:$0x40B0] =	vst v2  }
0x119: {  	v2 =	vld [tilespmem:s20+$0x18C0];
	_ =	sdelay $0x4  }
0x11a: {  	[tilespmem:$0x40C0] =	vst v2  }
0x11b: {  	v2 =	vld [tilespmem:s20+$0x18D0];
	_ =	sdelay $0x4  }
0x11c: {  	[tilespmem:$0x40D0] =	vst v2  }
0x11d: {  	v2 =	vld [tilespmem:s20+$0x18E0];
	_ =	sdelay $0x4  }
0x11e: {  	[tilespmem:$0x40E0] =	vst v2  }
0x11f: {  	v2 =	vld [tilespmem:s20+$0x18F0];
	_ =	sdelay $0x4  }
0x120: {  	[tilespmem:$0x40F0] =	vst v2  }
0x121: {  	v2 =	vld [tilespmem:s20+$0x1C80];
	_ =	sdelay $0x4  }
0x122: {  	[tilespmem:$0x4480] =	vst v2  }
0x123: {  	v2 =	vld [tilespmem:s20+$0x1C90];
	_ =	sdelay $0x4  }
0x124: {  	[tilespmem:$0x4490] =	vst v2  }
0x125: {  	v2 =	vld [tilespmem:s20+$0x1CA0];
	_ =	sdelay $0x4  }
0x126: {  	[tilespmem:$0x44A0] =	vst v2  }
0x127: {  	v2 =	vld [tilespmem:s20+$0x1CB0];
	_ =	sdelay $0x4  }
0x128: {  	[tilespmem:$0x44B0] =	vst v2  }
0x129: {  	v2 =	vld [tilespmem:s20+$0x1CC0];
	_ =	sdelay $0x2  }
0x12a: {  	(v2sf) =	vpush v1, $0x9  }
0x12b: {  	(v2sf) =	vpush v1, $0x1  }
0x12c: {  	[tilespmem:$0x44C0] =	vst v2  }
0x12d: {  	v2 =	vld [tilespmem:s20+$0x1CD0];
	_ =	sdelay $0x4  }
0x12e: {  	[tilespmem:$0x44D0] =	vst v2  }
0x12f: {  	v2 =	vld [tilespmem:s20+$0x1CE0];
	_ =	sdelay $0x4  }
0x130: {  	[tilespmem:$0x44E0] =	vst v2  }
0x131: {  	v2 =	vld [tilespmem:s20+$0x1CF0];
	s20 =	spop (v2sf)  }
0x132: {  	s21 =	spop (v2sf)  }
0x133: {  	s20 =	smov.u32 @p0 s21  }
0x134: {  	s21 =	sshll.u32 s20, $0x8;
	s20 =	sshll.u32 s20, $0x7  }
0x135: {  	s21 =	sand.u32 $0xFFFFF800, s21;
	s20 =	sand.u32 $0x380, s20  }
0x136: {  	[tilespmem:$0x44F0] =	vst v2;
	s20 =	sor.u32 s20, s21  }
0x137: {  	v2 =	vld [tilespmem:s20+$0x1880];
	_ =	sdelay $0x4  }
0x138: {  	[tilespmem:$0x4100] =	vst v2  }
0x139: {  	v2 =	vld [tilespmem:s20+$0x1890];
	_ =	sdelay $0x4  }
0x13a: {  	[tilespmem:$0x4110] =	vst v2  }
0x13b: {  	v2 =	vld [tilespmem:s20+$0x18A0];
	_ =	sdelay $0x4  }
0x13c: {  	[tilespmem:$0x4120] =	vst v2  }
0x13d: {  	v2 =	vld [tilespmem:s20+$0x18B0];
	_ =	sdelay $0x4  }
0x13e: {  	[tilespmem:$0x4130] =	vst v2  }
0x13f: {  	v2 =	vld [tilespmem:s20+$0x18C0];
	_ =	sdelay $0x4  }
0x140: {  	[tilespmem:$0x4140] =	vst v2  }
0x141: {  	v2 =	vld [tilespmem:s20+$0x18D0];
	_ =	sdelay $0x4  }
0x142: {  	[tilespmem:$0x4150] =	vst v2  }
0x143: {  	v2 =	vld [tilespmem:s20+$0x18E0];
	_ =	sdelay $0x4  }
0x144: {  	[tilespmem:$0x4160] =	vst v2  }
0x145: {  	v2 =	vld [tilespmem:s20+$0x18F0];
	_ =	sdelay $0x4  }
0x146: {  	[tilespmem:$0x4170] =	vst v2  }
0x147: {  	v2 =	vld [tilespmem:s20+$0x1C80];
	_ =	sdelay $0x4  }
0x148: {  	[tilespmem:$0x4500] =	vst v2  }
0x149: {  	v2 =	vld [tilespmem:s20+$0x1C90];
	_ =	sdelay $0x4  }
0x14a: {  	[tilespmem:$0x4510] =	vst v2  }
0x14b: {  	v2 =	vld [tilespmem:s20+$0x1CA0];
	_ =	sdelay $0x4  }
0x14c: {  	[tilespmem:$0x4520] =	vst v2  }
0x14d: {  	v2 =	vld [tilespmem:s20+$0x1CB0];
	_ =	sdelay $0x4  }
0x14e: {  	[tilespmem:$0x4530] =	vst v2  }
0x14f: {  	v2 =	vld [tilespmem:s20+$0x1CC0];
	_ =	sdelay $0x2  }
0x150: {  	(v2sf) =	vpush v1, $0xA  }
0x151: {  	(v2sf) =	vpush v1, $0x2  }
0x152: {  	[tilespmem:$0x4540] =	vst v2  }
0x153: {  	v2 =	vld [tilespmem:s20+$0x1CD0];
	_ =	sdelay $0x4  }
0x154: {  	[tilespmem:$0x4550] =	vst v2  }
0x155: {  	v2 =	vld [tilespmem:s20+$0x1CE0];
	_ =	sdelay $0x4  }
0x156: {  	[tilespmem:$0x4560] =	vst v2  }
0x157: {  	v2 =	vld [tilespmem:s20+$0x1CF0];
	s20 =	spop (v2sf)  }
0x158: {  	s21 =	spop (v2sf)  }
0x159: {  	s20 =	smov.u32 @p0 s21  }
0x15a: {  	s21 =	sshll.u32 s20, $0x8;
	s20 =	sshll.u32 s20, $0x7  }
0x15b: {  	s21 =	sand.u32 $0xFFFFF800, s21;
	s20 =	sand.u32 $0x380, s20  }
0x15c: {  	[tilespmem:$0x4570] =	vst v2;
	s20 =	sor.u32 s20, s21  }
0x15d: {  	v2 =	vld [tilespmem:s20+$0x1880];
	_ =	sdelay $0x4  }
0x15e: {  	[tilespmem:$0x4180] =	vst v2  }
0x15f: {  	v2 =	vld [tilespmem:s20+$0x1890];
	_ =	sdelay $0x4  }
0x160: {  	[tilespmem:$0x4190] =	vst v2  }
0x161: {  	v2 =	vld [tilespmem:s20+$0x18A0];
	_ =	sdelay $0x4  }
0x162: {  	[tilespmem:$0x41A0] =	vst v2  }
0x163: {  	v2 =	vld [tilespmem:s20+$0x18B0];
	_ =	sdelay $0x4  }
0x164: {  	[tilespmem:$0x41B0] =	vst v2  }
0x165: {  	v2 =	vld [tilespmem:s20+$0x18C0];
	_ =	sdelay $0x4  }
0x166: {  	[tilespmem:$0x41C0] =	vst v2  }
0x167: {  	v2 =	vld [tilespmem:s20+$0x18D0];
	_ =	sdelay $0x4  }
0x168: {  	[tilespmem:$0x41D0] =	vst v2  }
0x169: {  	v2 =	vld [tilespmem:s20+$0x18E0];
	_ =	sdelay $0x4  }
0x16a: {  	[tilespmem:$0x41E0] =	vst v2  }
0x16b: {  	v2 =	vld [tilespmem:s20+$0x18F0];
	_ =	sdelay $0x4  }
0x16c: {  	[tilespmem:$0x41F0] =	vst v2  }
0x16d: {  	v2 =	vld [tilespmem:s20+$0x1C80];
	_ =	sdelay $0x4  }
0x16e: {  	[tilespmem:$0x4580] =	vst v2  }
0x16f: {  	v2 =	vld [tilespmem:s20+$0x1C90];
	_ =	sdelay $0x4  }
0x170: {  	[tilespmem:$0x4590] =	vst v2  }
0x171: {  	v2 =	vld [tilespmem:s20+$0x1CA0];
	_ =	sdelay $0x4  }
0x172: {  	[tilespmem:$0x45A0] =	vst v2  }
0x173: {  	v2 =	vld [tilespmem:s20+$0x1CB0];
	_ =	sdelay $0x4  }
0x174: {  	[tilespmem:$0x45B0] =	vst v2  }
0x175: {  	v2 =	vld [tilespmem:s20+$0x1CC0];
	_ =	sdelay $0x2  }
0x176: {  	(v2sf) =	vpush v1, $0xB  }
0x177: {  	(v2sf) =	vpush v1, $0x3  }
0x178: {  	[tilespmem:$0x45C0] =	vst v2  }
0x179: {  	v2 =	vld [tilespmem:s20+$0x1CD0];
	_ =	sdelay $0x4  }
0x17a: {  	[tilespmem:$0x45D0] =	vst v2  }
0x17b: {  	v2 =	vld [tilespmem:s20+$0x1CE0];
	_ =	sdelay $0x4  }
0x17c: {  	[tilespmem:$0x45E0] =	vst v2  }
0x17d: {  	v2 =	vld [tilespmem:s20+$0x1CF0];
	s20 =	spop (v2sf)  }
0x17e: {  	s21 =	spop (v2sf)  }
0x17f: {  	s20 =	smov.u32 @p0 s21  }
0x180: {  	s21 =	sshll.u32 s20, $0x8;
	s20 =	sshll.u32 s20, $0x7  }
0x181: {  	s21 =	sand.u32 $0xFFFFF800, s21;
	s20 =	sand.u32 $0x380, s20  }
0x182: {  	[tilespmem:$0x45F0] =	vst v2;
	s20 =	sor.u32 s20, s21  }
0x183: {  	v2 =	vld [tilespmem:s20+$0x1880];
	_ =	sdelay $0x4  }
0x184: {  	[tilespmem:$0x4200] =	vst v2  }
0x185: {  	v2 =	vld [tilespmem:s20+$0x1890];
	_ =	sdelay $0x4  }
0x186: {  	[tilespmem:$0x4210] =	vst v2  }
0x187: {  	v2 =	vld [tilespmem:s20+$0x18A0];
	_ =	sdelay $0x4  }
0x188: {  	[tilespmem:$0x4220] =	vst v2  }
0x189: {  	v2 =	vld [tilespmem:s20+$0x18B0];
	_ =	sdelay $0x4  }
0x18a: {  	[tilespmem:$0x4230] =	vst v2  }
0x18b: {  	v2 =	vld [tilespmem:s20+$0x18C0];
	_ =	sdelay $0x4  }
0x18c: {  	[tilespmem:$0x4240] =	vst v2  }
0x18d: {  	v2 =	vld [tilespmem:s20+$0x18D0];
	_ =	sdelay $0x4  }
0x18e: {  	[tilespmem:$0x4250] =	vst v2  }
0x18f: {  	v2 =	vld [tilespmem:s20+$0x18E0];
	_ =	sdelay $0x4  }
0x190: {  	[tilespmem:$0x4260] =	vst v2  }
0x191: {  	v2 =	vld [tilespmem:s20+$0x18F0];
	_ =	sdelay $0x4  }
0x192: {  	[tilespmem:$0x4270] =	vst v2  }
0x193: {  	v2 =	vld [tilespmem:s20+$0x1C80];
	_ =	sdelay $0x4  }
0x194: {  	[tilespmem:$0x4600] =	vst v2  }
0x195: {  	v2 =	vld [tilespmem:s20+$0x1C90];
	_ =	sdelay $0x4  }
0x196: {  	[tilespmem:$0x4610] =	vst v2  }
0x197: {  	v2 =	vld [tilespmem:s20+$0x1CA0];
	_ =	sdelay $0x4  }
0x198: {  	[tilespmem:$0x4620] =	vst v2  }
0x199: {  	v2 =	vld [tilespmem:s20+$0x1CB0];
	_ =	sdelay $0x4  }
0x19a: {  	[tilespmem:$0x4630] =	vst v2  }
0x19b: {  	v2 =	vld [tilespmem:s20+$0x1CC0];
	_ =	sdelay $0x2  }
0x19c: {  	(v2sf) =	vpush v1, $0xC  }
0x19d: {  	(v2sf) =	vpush v1, $0x4  }
0x19e: {  	[tilespmem:$0x4640] =	vst v2  }
0x19f: {  	v2 =	vld [tilespmem:s20+$0x1CD0];
	_ =	sdelay $0x4  }
0x1a0: {  	[tilespmem:$0x4650] =	vst v2  }
0x1a1: {  	v2 =	vld [tilespmem:s20+$0x1CE0];
	_ =	sdelay $0x4  }
0x1a2: {  	[tilespmem:$0x4660] =	vst v2  }
0x1a3: {  	v2 =	vld [tilespmem:s20+$0x1CF0];
	s20 =	spop (v2sf)  }
0x1a4: {  	s21 =	spop (v2sf)  }
0x1a5: {  	s20 =	smov.u32 @p0 s21  }
0x1a6: {  	s21 =	sshll.u32 s20, $0x8;
	s20 =	sshll.u32 s20, $0x7  }
0x1a7: {  	s21 =	sand.u32 $0xFFFFF800, s21;
	s20 =	sand.u32 $0x380, s20  }
0x1a8: {  	[tilespmem:$0x4670] =	vst v2;
	s20 =	sor.u32 s20, s21  }
0x1a9: {  	v2 =	vld [tilespmem:s20+$0x1880];
	_ =	sdelay $0x4  }
0x1aa: {  	[tilespmem:$0x4280] =	vst v2  }
0x1ab: {  	v2 =	vld [tilespmem:s20+$0x1890];
	_ =	sdelay $0x4  }
0x1ac: {  	[tilespmem:$0x4290] =	vst v2  }
0x1ad: {  	v2 =	vld [tilespmem:s20+$0x18A0];
	_ =	sdelay $0x4  }
0x1ae: {  	[tilespmem:$0x42A0] =	vst v2  }
0x1af: {  	v2 =	vld [tilespmem:s20+$0x18B0];
	_ =	sdelay $0x4  }
0x1b0: {  	[tilespmem:$0x42B0] =	vst v2  }
0x1b1: {  	v2 =	vld [tilespmem:s20+$0x18C0];
	_ =	sdelay $0x4  }
0x1b2: {  	[tilespmem:$0x42C0] =	vst v2  }
0x1b3: {  	v2 =	vld [tilespmem:s20+$0x18D0];
	_ =	sdelay $0x4  }
0x1b4: {  	[tilespmem:$0x42D0] =	vst v2  }
0x1b5: {  	v2 =	vld [tilespmem:s20+$0x18E0];
	_ =	sdelay $0x4  }
0x1b6: {  	[tilespmem:$0x42E0] =	vst v2  }
0x1b7: {  	v2 =	vld [tilespmem:s20+$0x18F0];
	_ =	sdelay $0x4  }
0x1b8: {  	[tilespmem:$0x42F0] =	vst v2  }
0x1b9: {  	v2 =	vld [tilespmem:s20+$0x1C80];
	_ =	sdelay $0x4  }
0x1ba: {  	[tilespmem:$0x4680] =	vst v2  }
0x1bb: {  	v2 =	vld [tilespmem:s20+$0x1C90];
	_ =	sdelay $0x4  }
0x1bc: {  	[tilespmem:$0x4690] =	vst v2  }
0x1bd: {  	v2 =	vld [tilespmem:s20+$0x1CA0];
	_ =	sdelay $0x4  }
0x1be: {  	[tilespmem:$0x46A0] =	vst v2  }
0x1bf: {  	v2 =	vld [tilespmem:s20+$0x1CB0];
	_ =	sdelay $0x4  }
0x1c0: {  	[tilespmem:$0x46B0] =	vst v2  }
0x1c1: {  	v2 =	vld [tilespmem:s20+$0x1CC0];
	_ =	sdelay $0x2  }
0x1c2: {  	(v2sf) =	vpush v1, $0xD  }
0x1c3: {  	(v2sf) =	vpush v1, $0x5  }
0x1c4: {  	[tilespmem:$0x46C0] =	vst v2  }
0x1c5: {  	v2 =	vld [tilespmem:s20+$0x1CD0];
	_ =	sdelay $0x4  }
0x1c6: {  	[tilespmem:$0x46D0] =	vst v2  }
0x1c7: {  	v2 =	vld [tilespmem:s20+$0x1CE0];
	_ =	sdelay $0x4  }
0x1c8: {  	[tilespmem:$0x46E0] =	vst v2  }
0x1c9: {  	v2 =	vld [tilespmem:s20+$0x1CF0];
	s20 =	spop (v2sf)  }
0x1ca: {  	s21 =	spop (v2sf)  }
0x1cb: {  	s20 =	smov.u32 @p0 s21  }
0x1cc: {  	s21 =	sshll.u32 s20, $0x8;
	s20 =	sshll.u32 s20, $0x7  }
0x1cd: {  	s21 =	sand.u32 $0xFFFFF800, s21;
	s20 =	sand.u32 $0x380, s20  }
0x1ce: {  	[tilespmem:$0x46F0] =	vst v2;
	s20 =	sor.u32 s20, s21  }
0x1cf: {  	v2 =	vld [tilespmem:s20+$0x1880];
	_ =	sdelay $0x4  }
0x1d0: {  	[tilespmem:$0x4300] =	vst v2  }
0x1d1: {  	v2 =	vld [tilespmem:s20+$0x1890];
	_ =	sdelay $0x4  }
0x1d2: {  	[tilespmem:$0x4310] =	vst v2  }
0x1d3: {  	v2 =	vld [tilespmem:s20+$0x18A0];
	_ =	sdelay $0x4  }
0x1d4: {  	[tilespmem:$0x4320] =	vst v2  }
0x1d5: {  	v2 =	vld [tilespmem:s20+$0x18B0];
	_ =	sdelay $0x4  }
0x1d6: {  	[tilespmem:$0x4330] =	vst v2  }
0x1d7: {  	v2 =	vld [tilespmem:s20+$0x18C0];
	_ =	sdelay $0x4  }
0x1d8: {  	[tilespmem:$0x4340] =	vst v2  }
0x1d9: {  	v2 =	vld [tilespmem:s20+$0x18D0];
	_ =	sdelay $0x4  }
0x1da: {  	[tilespmem:$0x4350] =	vst v2  }
0x1db: {  	v2 =	vld [tilespmem:s20+$0x18E0];
	_ =	sdelay $0x4  }
0x1dc: {  	[tilespmem:$0x4360] =	vst v2  }
0x1dd: {  	v2 =	vld [tilespmem:s20+$0x18F0];
	_ =	sdelay $0x4  }
0x1de: {  	[tilespmem:$0x4370] =	vst v2  }
0x1df: {  	v2 =	vld [tilespmem:s20+$0x1C80];
	_ =	sdelay $0x4  }
0x1e0: {  	[tilespmem:$0x4700] =	vst v2  }
0x1e1: {  	v2 =	vld [tilespmem:s20+$0x1C90];
	_ =	sdelay $0x4  }
0x1e2: {  	[tilespmem:$0x4710] =	vst v2  }
0x1e3: {  	v2 =	vld [tilespmem:s20+$0x1CA0];
	_ =	sdelay $0x4  }
0x1e4: {  	[tilespmem:$0x4720] =	vst v2  }
0x1e5: {  	v2 =	vld [tilespmem:s20+$0x1CB0];
	_ =	sdelay $0x4  }
0x1e6: {  	[tilespmem:$0x4730] =	vst v2  }
0x1e7: {  	v2 =	vld [tilespmem:s20+$0x1CC0];
	_ =	sdelay $0x2  }
0x1e8: {  	(v2sf) =	vpush v1, $0xE  }
0x1e9: {  	(v2sf) =	vpush v1, $0x6  }
0x1ea: {  	[tilespmem:$0x4740] =	vst v2  }
0x1eb: {  	v2 =	vld [tilespmem:s20+$0x1CD0];
	_ =	sdelay $0x4  }
0x1ec: {  	[tilespmem:$0x4750] =	vst v2  }
0x1ed: {  	v2 =	vld [tilespmem:s20+$0x1CE0];
	_ =	sdelay $0x4  }
0x1ee: {  	[tilespmem:$0x4760] =	vst v2  }
0x1ef: {  	v2 =	vld [tilespmem:s20+$0x1CF0];
	s20 =	spop (v2sf)  }
0x1f0: {  	s21 =	spop (v2sf)  }
0x1f1: {  	s20 =	smov.u32 @p0 s21  }
0x1f2: {  	s21 =	sshll.u32 s20, $0x8;
	s20 =	sshll.u32 s20, $0x7  }
0x1f3: {  	s21 =	sand.u32 $0xFFFFF800, s21;
	s20 =	sand.u32 $0x380, s20  }
0x1f4: {  	[tilespmem:$0x4770] =	vst v2;
	s20 =	sor.u32 s20, s21  }
0x1f5: {  	v2 =	vld [tilespmem:s20+$0x1880];
	_ =	sdelay $0x4  }
0x1f6: {  	[tilespmem:$0x4380] =	vst v2  }
0x1f7: {  	v2 =	vld [tilespmem:s20+$0x1890];
	_ =	sdelay $0x4  }
0x1f8: {  	[tilespmem:$0x4390] =	vst v2  }
0x1f9: {  	v2 =	vld [tilespmem:s20+$0x18A0];
	_ =	sdelay $0x4  }
0x1fa: {  	[tilespmem:$0x43A0] =	vst v2  }
0x1fb: {  	v2 =	vld [tilespmem:s20+$0x18B0];
	_ =	sdelay $0x4  }
0x1fc: {  	[tilespmem:$0x43B0] =	vst v2  }
0x1fd: {  	v2 =	vld [tilespmem:s20+$0x18C0];
	_ =	sdelay $0x4  }
0x1fe: {  	[tilespmem:$0x43C0] =	vst v2  }
0x1ff: {  	v2 =	vld [tilespmem:s20+$0x18D0];
	_ =	sdelay $0x4  }
0x200: {  	[tilespmem:$0x43D0] =	vst v2  }
0x201: {  	v2 =	vld [tilespmem:s20+$0x18E0];
	_ =	sdelay $0x4  }
0x202: {  	[tilespmem:$0x43E0] =	vst v2  }
0x203: {  	v2 =	vld [tilespmem:s20+$0x18F0];
	_ =	sdelay $0x4  }
0x204: {  	[tilespmem:$0x43F0] =	vst v2  }
0x205: {  	v2 =	vld [tilespmem:s20+$0x1C80];
	_ =	sdelay $0x4  }
0x206: {  	[tilespmem:$0x4780] =	vst v2  }
0x207: {  	v2 =	vld [tilespmem:s20+$0x1C90];
	_ =	sdelay $0x4  }
0x208: {  	[tilespmem:$0x4790] =	vst v2  }
0x209: {  	v2 =	vld [tilespmem:s20+$0x1CA0];
	_ =	sdelay $0x4  }
0x20a: {  	[tilespmem:$0x47A0] =	vst v2  }
0x20b: {  	v2 =	vld [tilespmem:s20+$0x1CB0];
	_ =	sdelay $0x4  }
0x20c: {  	[tilespmem:$0x47B0] =	vst v2  }
0x20d: {  	v2 =	vld [tilespmem:s20+$0x1CC0];
	_ =	sdelay $0x2  }
0x20e: {  	(v2sf) =	vpush v1, $0xF  }
0x20f: {  	(v2sf) =	vpush v1, $0x7  }
0x210: {  	[tilespmem:$0x47C0] =	vst v2  }
0x211: {  	v1 =	vld [tilespmem:s20+$0x1CD0];
	_ =	sdelay $0x4  }
0x212: {  	[tilespmem:$0x47D0] =	vst v1  }
0x213: {  	v1 =	vld [tilespmem:s20+$0x1CE0];
	_ =	sdelay $0x4  }
0x214: {  	[tilespmem:$0x47E0] =	vst v1  }
0x215: {  	s21 =	spop (v2sf);
	v1 =	vld [tilespmem:s20+$0x1CF0]  }
0x216: {  	s20 =	spop (v2sf)  }
0x217: {  	s21 =	smov.u32 @p0 s20  }
0x218: {  	s20 =	sshll.u32 s21, $0x8;
	s21 =	sshll.u32 s21, $0x7  }
0x219: {  	s20 =	sand.u32 $0xFFFFF800, s20;
	s21 =	sand.u32 $0x380, s21  }
0x21a: {  	s20 =	sor.u32 s21, s20;
	[tilespmem:$0x47F0] =	vst v1  }
0x21b: {  	v1 =	vld [tilespmem:s20+$0x1880];
	_ =	sdelay $0x4  }
0x21c: {  	[tilespmem:$0x4400] =	vst v1  }
0x21d: {  	v1 =	vld [tilespmem:s20+$0x1890];
	_ =	sdelay $0x4  }
0x21e: {  	[tilespmem:$0x4410] =	vst v1  }
0x21f: {  	v1 =	vld [tilespmem:s20+$0x18A0];
	_ =	sdelay $0x4  }
0x220: {  	[tilespmem:$0x4420] =	vst v1  }
0x221: {  	v1 =	vld [tilespmem:s20+$0x18B0];
	_ =	sdelay $0x4  }
0x222: {  	[tilespmem:$0x4430] =	vst v1  }
0x223: {  	v1 =	vld [tilespmem:s20+$0x18C0];
	_ =	sdelay $0x4  }
0x224: {  	[tilespmem:$0x4440] =	vst v1  }
0x225: {  	v1 =	vld [tilespmem:s20+$0x18D0];
	_ =	sdelay $0x4  }
0x226: {  	[tilespmem:$0x4450] =	vst v1  }
0x227: {  	v1 =	vld [tilespmem:s20+$0x18E0];
	_ =	sdelay $0x4  }
0x228: {  	[tilespmem:$0x4460] =	vst v1  }
0x229: {  	v1 =	vld [tilespmem:s20+$0x18F0];
	_ =	sdelay $0x4  }
0x22a: {  	[tilespmem:$0x4470] =	vst v1  }
0x22b: {  	v1 =	vld [tilespmem:s20+$0x1C80];
	_ =	sdelay $0x4  }
0x22c: {  	[tilespmem:$0x4800] =	vst v1  }
0x22d: {  	v1 =	vld [tilespmem:s20+$0x1C90];
	_ =	sdelay $0x4  }
0x22e: {  	[tilespmem:$0x4810] =	vst v1  }
0x22f: {  	v1 =	vld [tilespmem:s20+$0x1CA0];
	_ =	sdelay $0x4  }
0x230: {  	[tilespmem:$0x4820] =	vst v1  }
0x231: {  	v1 =	vld [tilespmem:s20+$0x1CB0];
	_ =	sdelay $0x4  }
0x232: {  	[tilespmem:$0x4830] =	vst v1  }
0x233: {  	v1 =	vld [tilespmem:s20+$0x1CC0];
	_ =	sdelay $0x4  }
0x234: {  	[tilespmem:$0x4840] =	vst v1  }
0x235: {  	v1 =	vld [tilespmem:s20+$0x1CD0];
	_ =	sdelay $0x4  }
0x236: {  	[tilespmem:$0x4850] =	vst v1  }
0x237: {  	v1 =	vld [tilespmem:s20+$0x1CE0];
	_ =	sdelay $0x4  }
0x238: {  	[tilespmem:$0x4860] =	vst v1  }
0x239: {  	v1 =	vld [tilespmem:s20+$0x1CF0];
	_ =	sdelay $0x2  }
0x23a: {  	s19 =	sshll.u32 s19, $0x5  }
0x23b: {  	s19 =	sand.u32 $0xFFFFF00, s19  }
.Ltmp13:
0x23c: {  	s19 =	sadd.s32 s3, s19;
	[tilespmem:$0x4870] =	vst v1;
	(pc) =	sbr.rel .LBB2_14-.Ltmp13, $4  }
0x23d: {  	[hbm4b:s19+s4] =	stream.linear.scatter [tilespmem:s15], [sflag:$0x2], $0x800, $0x38;
	[tilespmem:$0x4880] =	vst v63  }
0x23e: {  	_ =	swait.ge [sflag:s11], $0x800  }
0x23f: {  	[sflag:s11] =	ssyncset.done $0x0  }
0x240: {  	[sflag:s11] =	ssyncadd.s32 $0xFFFFF800  }
.LBB2_16:
0x241: {  	_ =	sfence.sel $0x180000  }
0x242: {  	[bflag:$0x0] =	sbarrier.arrive $0xFFFF  }
0x243: {  	p0 =	sne.s32 s1, $0x0;
	_ =	strace $0x90000047  }
0x244: {  	s0 =	sadd.s32 @!p0 $0x100000, s0;
	[bflag:$0x2] =	sbarrier.arrive $0xFFFF  }
0x245: {  	[sflag:s0] =	ssyncadd.tile.s32 @!p0 $0x1;
	_ =	shalt  }
.Lfunc_end2:
_tile_overlayer_lowered:
.L_overlay_start_2:
0x246: {  	(tag) =	ssettag $0x2  }
0x247: {  	s0 =	rddreg [dreg:$0x0];
	s2 =	stileid.u32  }
0x248: {  	s1 =	rddreg [dreg:$0x1];
	p0 =	sne.s32 s2, $0x0  }
0x249: {  	s3 =	rddreg [dreg:$0x2];
	[bflag:$0x3] =	sbarrier.arrive $0xFFFF;
	s2 =	simm.s32 @!p0 $0x1C02  }
0x24a: {  	[timem:s3], [sflag:s2] =	dma.local @!p0 [hbm:s0], s1  }
0x24b: {  	s0 =	simm.s32 @!p0 $0x2  }
0x24c: {  	_ =	swait.ge @!p0 [sflag:s0], s1  }
0x24d: {  	s1 =	ssub.s32 @!p0 $0x0, s1;
	[sflag:s0] =	ssyncset.done @!p0 $0x0  }
0x24e: {  	[sflag:s0] =	ssyncadd.s32 @!p0 s1  }
0x24f: {  	[bflag:$0x3] =	sbarrier.arrive $0xFFFF  }
0x250: {  	_ =	shalt  }

</sc_bundles>
